<compile_context>
chip_gen: v7x
topology: tpu7x:2x2x1
jax: 0.10.2.dev20260603
libtpu: 0.0.44.dev20260713+nightly
codegen_flags: <defaults>
</compile_context>

<pallas_src>
import jax
import jax.numpy as jnp
from jax import lax
from jax.experimental import pallas as pl
from jax.experimental.pallas import tpu as pltpu
from jax.experimental.pallas import tpu_sc as plsc

NV = 10000
NE = 2500
NI = 320000
D = 128
NC = 2
NS = 16
BLK = 128
CH = 16
NBLK_T = 79
NI_PAD = NC * NS * NBLK_T * BLK
E_TAB = 2560
V_TAB = 10112
E_ROWS_T = E_TAB // NS
V_ROWS_T = V_TAB // NS

_f32 = jnp.float32


def _make_stage(tab_rows, rows_per_tile, nbuf):

    def body(src_hbm, gidx_hbm, sidx_hbm, z_hbm, out_hbm, gi, si, *rest):
        rows = rest[:nbuf]
        nsem = 2 * nbuf if nbuf > 1 else 1
        gsem = rest[nbuf:nbuf + nsem]
        ssem = gsem[nbuf:]
        tab = rest[nbuf + nsem]
        c = lax.axis_index("c")
        s = lax.axis_index("s")
        pltpu.sync_copy(gidx_hbm.at[c, s], gi)
        pltpu.sync_copy(sidx_hbm.at[c, s], si)
        pltpu.sync_copy(z_hbm.at[pl.ds(s * rows_per_tile, rows_per_tile)],
                        tab.at[pl.ds(s * rows_per_tile, rows_per_tile)])
        plsc.subcore_barrier()

        if nbuf == 1:
            def group(j, _):
                pltpu.async_copy(src_hbm.at[gi.at[j]], rows[0],
                                 gsem[0]).wait()
                pltpu.sync_copy(rows[0], tab.at[si.at[j]], add=True)
                return 0

            lax.fori_loop(0, NBLK_T, group, 0)
        else:
            def group(g, _):
                g0 = g * nbuf
                gd = [pltpu.async_copy(src_hbm.at[gi.at[g0 + b]], rows[b],
                                       gsem[b]) for b in range(nbuf)]
                for b in range(nbuf):
                    gd[b].wait()
                    pltpu.async_copy(rows[b], tab.at[si.at[g0 + b]],
                                     ssem[b], add=True)
                for b in range(nbuf):
                    pltpu.make_async_copy(rows[b], tab.at[si.at[g0 + b]],
                                          ssem[b]).wait()
                return 0

            lax.fori_loop(0, NBLK_T // nbuf, group, 0)
        plsc.subcore_barrier()
        pltpu.sync_copy(tab.at[pl.ds(s * rows_per_tile, rows_per_tile)],
                        out_hbm.at[c, pl.ds(s * rows_per_tile, rows_per_tile)])

    return pl.kernel(
        body,
        out_type=jax.ShapeDtypeStruct((NC, tab_rows, D), _f32),
        mesh=plsc.VectorSubcoreMesh(core_axis_name="c", subcore_axis_name="s",
                                    num_cores=NC, num_subcores=NS),
        scratch_types=(
            [pltpu.VMEM((NBLK_T, BLK), jnp.int32)] * 2
            + [pltpu.VMEM((BLK, D), _f32)] * nbuf
            + [pltpu.SemaphoreType.DMA] * (2 * nbuf if nbuf > 1 else 1)
            + [pltpu.VMEM_SHARED((tab_rows, D), _f32)]
        ),
    )


_v2e = _make_stage(E_TAB, E_ROWS_T, 1)
_e2v = _make_stage(V_TAB, V_ROWS_T, 1)



def _prep_body(pd_ref, wt_ref, bt_ref, wl0, bl0, wl1, bl1, wl2, bl2, topos):
    h = jnp.dot(pd_ref[...], wt_ref[...], preferred_element_type=_f32)
    h = jnp.maximum(h + bt_ref[...], 0.0)
    t = jnp.mean(h, axis=0, keepdims=True)
    t1 = jnp.dot(t, wl0[...], preferred_element_type=_f32) + bl0[...]
    t2 = jnp.dot(t1, wl1[...], preferred_element_type=_f32) + bl1[...]
    t3 = jnp.dot(t2, wl2[...], preferred_element_type=_f32) + bl2[...]
    topos[0:1, :] = t1
    topos[1:2, :] = t2
    topos[2:3, :] = t3


_prep = pl.pallas_call(
    _prep_body, out_shape=jax.ShapeDtypeStruct((3, D), _f32))


def _mm0_body(x_ref, w_ref, b_ref, o_ref):
    o_ref[...] = jnp.dot(x_ref[...], w_ref[...],
                         preferred_element_type=_f32) + b_ref[...]


_mm0 = pl.pallas_call(
    _mm0_body, out_shape=jax.ShapeDtypeStruct((NV, D), _f32))


def _combe_body(ep_ref, ec_ref, o_ref):
    p = ep_ref[0] + ep_ref[1]
    deg = ec_ref[0, :, 0:1] + ec_ref[1, :, 0:1]
    r = p / jnp.clip(deg, 1.0, None)
    o_ref[...] = r[:NE]


_combe = pl.pallas_call(
    _combe_body, out_shape=jax.ShapeDtypeStruct((NE, D), _f32))


def _combv(qp_ref, vc_ref, topo_ref):
    q = qp_ref[0] + qp_ref[1]
    deg = vc_ref[0, :, 0:1] + vc_ref[1, :, 0:1]
    xc = q / jnp.clip(deg, 1.0, None)
    return jnp.maximum(xc * (1.0 + topo_ref[...]), 0.0)


def _cvm_body(qp_ref, vc_ref, topo_ref, w_ref, b_ref, o_ref):
    xa = _combv(qp_ref, vc_ref, topo_ref)
    o_ref[...] = jnp.dot(xa[:NV], w_ref[...],
                         preferred_element_type=_f32) + b_ref[...]


_cvm = pl.pallas_call(
    _cvm_body, out_shape=jax.ShapeDtypeStruct((NV, D), _f32))


def _final_body(qp_ref, vc_ref, topo_ref, o_ref):
    o_ref[...] = _combv(qp_ref, vc_ref, topo_ref)[:NV]


_final = pl.pallas_call(
    _final_body, out_shape=jax.ShapeDtypeStruct((NV, D), _f32))


def kernel(x, pd, hg_vertex_index, hg_hyperedge_index, W_topo, b_topo,
           W_g0, b_g0, W_l0, b_l0, W_g1, b_g1, W_l1, b_l1,
           W_g2, b_g2, W_l2, b_l2):
    vi = hg_vertex_index.astype(jnp.int32)
    ei = hg_hyperedge_index.astype(jnp.int32)
    pad = NI_PAD - NI
    shape4 = (NC, NS, NBLK_T, BLK)
    vg = jnp.concatenate([vi, jnp.zeros((pad,), jnp.int32)]).reshape(shape4)
    eg = jnp.concatenate([ei, jnp.zeros((pad,), jnp.int32)]).reshape(shape4)
    es = jnp.concatenate([ei, jnp.full((pad,), NE, jnp.int32)]).reshape(shape4)
    vs = jnp.concatenate([vi, jnp.full((pad,), NV, jnp.int32)]).reshape(shape4)

    pd_p = jnp.pad(pd, ((0, 0), (0, 3)))
    wt_p = jnp.pad(W_topo, ((0, 3), (0, 0)))

    topos = _prep(pd_p, wt_p, b_topo, W_l0, b_l0, W_l1, b_l1, W_l2, b_l2)

    ze = jnp.zeros((E_TAB, D), _f32)
    zv = jnp.zeros((V_TAB, D), _f32)
    ecnt = _v2e(jnp.ones((NV, D), _f32), vg, es, ze)
    vcnt = _e2v(jnp.ones((NE, D), _f32), eg, vs, zv)

    Wg = [(W_g0, b_g0), (W_g1, b_g1), (W_g2, b_g2)]
    X = _mm0(x, W_g0, b_g0)
    for i in range(3):
        ep = _v2e(X, vg, es, ze)
        ef = _combe(ep, ecnt)
        qp = _e2v(ef, eg, vs, zv)
        if i < 2:
            X = _cvm(qp, vcnt, topos[i:i + 1], Wg[i + 1][0], Wg[i + 1][1])
        else:
            xf = _final(qp, vcnt, topos[2:3])
    return (xf, topos[2:3])

# --- scband reference (transcript-rebuilt; emitter-appended) ---
"""Pipeline reference for scband-pdhgnnp-68118181314623 (READ-ONLY COPY).

The authoritative reference and input builder live on the scoring server;
editing this copy changes nothing except your own understanding.
"""

import jax, jax.numpy as jnp
import numpy as np

N_V = 10000
N_E = 2500
N_INC = 320000
D = 128
N_PD = 1024
PD_CH = 5
NUM_LAYERS = 3


def setup_inputs(seed: int = 0) -> dict:
    key = jax.random.key(seed)
    ks = jax.random.split(key, 6 + 4 * NUM_LAYERS)
    inp = {}
    inp['x'] = jax.random.normal(ks[0], (N_V, D), dtype=jnp.float32)
    inp['pd'] = jax.random.normal(ks[1], (N_PD, PD_CH), dtype=jnp.float32)
    inp['hg_vertex_index'] = jax.random.randint(ks[2], (N_INC,), 0, N_V, dtype=jnp.int32).astype(jnp.int64)
    inp['hg_hyperedge_index'] = jax.random.randint(ks[3], (N_INC,), 0, N_E, dtype=jnp.int32).astype(jnp.int64)
    # topology branch params: Linear(5 -> input_channels)
    inp['W_topo'] = jax.random.normal(ks[4], (PD_CH, D), dtype=jnp.float32) * 0.1
    inp['b_topo'] = jnp.zeros((D,), dtype=jnp.float32)
    kidx = 6
    for i in range(NUM_LAYERS):
        inp['W_g%d' % i] = jax.random.normal(ks[kidx], (D, D), dtype=jnp.float32) * 0.05
        inp['b_g%d' % i] = jnp.zeros((D,), dtype=jnp.float32)
        kidx += 1
        inp['W_l%d' % i] = jax.random.normal(ks[kidx], (D, D), dtype=jnp.float32) * 0.05
        inp['b_l%d' % i] = jnp.zeros((D,), dtype=jnp.float32)
        kidx += 1
    return inp


def _hgnnp_conv(X, W, b, v_idx, e_idx):
    # HGNN+ conv: linear then v->e mean aggregation then e->v mean aggregation
    X = X @ W + b
    ones = jnp.ones((v_idx.shape[0],), dtype=X.dtype)
    e_sum = jax.ops.segment_sum(X[v_idx], e_idx, num_segments=N_E)
    e_deg = jax.ops.segment_sum(ones, e_idx, num_segments=N_E)
    e_feat = e_sum / jnp.clip(e_deg, 1.0, None)[:, None]
    v_sum = jax.ops.segment_sum(e_feat[e_idx], v_idx, num_segments=N_V)
    v_deg = jax.ops.segment_sum(ones, v_idx, num_segments=N_V)
    return v_sum / jnp.clip(v_deg, 1.0, None)[:, None]


def reference(x, pd, hg_vertex_index, hg_hyperedge_index, W_topo, b_topo,
              W_g0, b_g0, W_l0, b_l0,
              W_g1, b_g1, W_l1, b_l1,
              W_g2, b_g2, W_l2, b_l2):
    # topology branch: pointwise MLP over persistence-diagram points + mean pool -> [1, D]
    topo = jnp.mean(jax.nn.relu(pd @ W_topo + b_topo), axis=0, keepdims=True)
    Wg = [(W_g0, b_g0), (W_g1, b_g1), (W_g2, b_g2)]
    Wl = [(W_l0, b_l0), (W_l1, b_l1), (W_l2, b_l2)]
    for i in range(NUM_LAYERS):
        x = _hgnnp_conv(x, Wg[i][0], Wg[i][1], hg_vertex_index, hg_hyperedge_index)
        topo = topo @ Wl[i][0] + Wl[i][1]
        # dropout in eval mode == identity
        x = x + x * topo
        x = jax.nn.relu(x)
    return (x, topo)

if __name__ == "__main__":
    import jax
    _d = setup_inputs()
    print(jax.jit(kernel)(*tuple(_d.values())))

</pallas_src>

<mosaic_0001>
#map = affine_map<(d0, d1) -> (0, 0)>
#map1 = affine_map<(d0, d1) -> (0, 0, 0, 0)>
#map2 = affine_map<(d0, d1) -> (0, 0, 0)>
module attributes {stable_mosaic.version = 14 : i64} {
  func.func @body(%arg0: i32, %arg1: i32, %arg2: memref<10000x128xf32, #tpu.memory_space<hbm>>, %arg3: memref<2x16x79x128xi32, #tpu.memory_space<hbm>>, %arg4: memref<2x16x79x128xi32, #tpu.memory_space<hbm>>, %arg5: memref<2560x128xf32, #tpu.memory_space<hbm>>, %arg6: memref<2x2560x128xf32, #tpu.memory_space<hbm>>, %arg7: memref<79x128xi32, #tpu.memory_space<vmem>>, %arg8: memref<79x128xi32, #tpu.memory_space<vmem>>, %arg9: memref<128x128xf32, #tpu.memory_space<vmem>>, %arg10: memref<!tpu.dma_semaphore, #tpu.memory_space<semaphore_mem>>, %arg11: memref<2560x128xf32, #tpu.memory_space<vmem_shared>>) attributes {dimension_semantics = [#tpu.dimension_semantics<core_parallel>, #tpu.dimension_semantics<subcore_parallel>], iteration_bounds = array<i64: 2, 16>, scalar_prefetch = 0 : i64, scratch_operands = 5 : i64, tpu.core_type = #tpu.core_type<sc_vector_subcore>, window_params = [{transform_indices = #map}, {transform_indices = #map1}, {transform_indices = #map1}, {transform_indices = #map}, {transform_indices = #map2}]} {
    "tpu.region"() ({
      %run_scoped3A = tpu.sem_alloc : memref<!tpu.dma_semaphore, #tpu.memory_space<semaphore_mem>>
      %dma_start3A = arith.constant 0 : i32
      %dma_start3A_14 = arith.constant 0 : i32
      %dma_start3A_15 = tpu.memref_slice %arg3[%arg0, %arg1, %dma_start3A, %dma_start3A_14] : memref<2x16x79x128xi32, #tpu.memory_space<hbm>> -> memref<1x1x79x128xi32, #tpu.memory_space<hbm>>
      %dma_start3A_16 = tpu.memref_squeeze %dma_start3A_15 : memref<1x1x79x128xi32, #tpu.memory_space<hbm>> -> memref<79x128xi32, #tpu.memory_space<hbm>>
      %dma_start3A_17 = arith.constant 0 : i32
      %dma_start3A_18 = arith.constant 0 : i32
      %dma_start3A_19 = tpu.memref_slice %arg3[%arg0, %arg1, %dma_start3A_17, %dma_start3A_18] : memref<2x16x79x128xi32, #tpu.memory_space<hbm>> -> memref<1x1x79x128xi32, #tpu.memory_space<hbm>>
      %dma_start3A_20 = tpu.memref_squeeze %dma_start3A_19 : memref<1x1x79x128xi32, #tpu.memory_space<hbm>> -> memref<79x128xi32, #tpu.memory_space<hbm>>
      tpu.enqueue_dma source(%dma_start3A_20 : memref<79x128xi32, #tpu.memory_space<hbm>>) target(%arg7 : memref<79x128xi32, #tpu.memory_space<vmem>>) target_semaphore(%run_scoped3A : memref<!tpu.dma_semaphore, #tpu.memory_space<semaphore_mem>>)
      %dma_wait3A = arith.constant 0 : i32
      %dma_wait3A_21 = arith.constant 0 : i32
      %dma_wait3A_22 = tpu.memref_slice %arg3[%arg0, %arg1, %dma_wait3A, %dma_wait3A_21] : memref<2x16x79x128xi32, #tpu.memory_space<hbm>> -> memref<1x1x79x128xi32, #tpu.memory_space<hbm>>
      %dma_wait3A_23 = tpu.memref_squeeze %dma_wait3A_22 : memref<1x1x79x128xi32, #tpu.memory_space<hbm>> -> memref<79x128xi32, #tpu.memory_space<hbm>>
      %dma_wait3A_24 = arith.constant 0 : i32
      %dma_wait3A_25 = arith.constant 0 : i32
      %dma_wait3A_26 = tpu.memref_slice %arg3[%arg0, %arg1, %dma_wait3A_24, %dma_wait3A_25] : memref<2x16x79x128xi32, #tpu.memory_space<hbm>> -> memref<1x1x79x128xi32, #tpu.memory_space<hbm>>
      %dma_wait3A_27 = tpu.memref_squeeze %dma_wait3A_26 : memref<1x1x79x128xi32, #tpu.memory_space<hbm>> -> memref<79x128xi32, #tpu.memory_space<hbm>>
      tpu.wait_dma2 semaphore(%run_scoped3A : memref<!tpu.dma_semaphore, #tpu.memory_space<semaphore_mem>>) src(%dma_wait3A_27 : memref<79x128xi32, #tpu.memory_space<hbm>>) dst(%arg7 : memref<79x128xi32, #tpu.memory_space<vmem>>)
      tpu.yield
    }) : () -> ()
    "tpu.region"() ({
      %run_scoped3A = tpu.sem_alloc : memref<!tpu.dma_semaphore, #tpu.memory_space<semaphore_mem>>
      %dma_start3A = arith.constant 0 : i32
      %dma_start3A_14 = arith.constant 0 : i32
      %dma_start3A_15 = tpu.memref_slice %arg4[%arg0, %arg1, %dma_start3A, %dma_start3A_14] : memref<2x16x79x128xi32, #tpu.memory_space<hbm>> -> memref<1x1x79x128xi32, #tpu.memory_space<hbm>>
      %dma_start3A_16 = tpu.memref_squeeze %dma_start3A_15 : memref<1x1x79x128xi32, #tpu.memory_space<hbm>> -> memref<79x128xi32, #tpu.memory_space<hbm>>
      %dma_start3A_17 = arith.constant 0 : i32
      %dma_start3A_18 = arith.constant 0 : i32
      %dma_start3A_19 = tpu.memref_slice %arg4[%arg0, %arg1, %dma_start3A_17, %dma_start3A_18] : memref<2x16x79x128xi32, #tpu.memory_space<hbm>> -> memref<1x1x79x128xi32, #tpu.memory_space<hbm>>
      %dma_start3A_20 = tpu.memref_squeeze %dma_start3A_19 : memref<1x1x79x128xi32, #tpu.memory_space<hbm>> -> memref<79x128xi32, #tpu.memory_space<hbm>>
      tpu.enqueue_dma source(%dma_start3A_20 : memref<79x128xi32, #tpu.memory_space<hbm>>) target(%arg8 : memref<79x128xi32, #tpu.memory_space<vmem>>) target_semaphore(%run_scoped3A : memref<!tpu.dma_semaphore, #tpu.memory_space<semaphore_mem>>)
      %dma_wait3A = arith.constant 0 : i32
      %dma_wait3A_21 = arith.constant 0 : i32
      %dma_wait3A_22 = tpu.memref_slice %arg4[%arg0, %arg1, %dma_wait3A, %dma_wait3A_21] : memref<2x16x79x128xi32, #tpu.memory_space<hbm>> -> memref<1x1x79x128xi32, #tpu.memory_space<hbm>>
      %dma_wait3A_23 = tpu.memref_squeeze %dma_wait3A_22 : memref<1x1x79x128xi32, #tpu.memory_space<hbm>> -> memref<79x128xi32, #tpu.memory_space<hbm>>
      %dma_wait3A_24 = arith.constant 0 : i32
      %dma_wait3A_25 = arith.constant 0 : i32
      %dma_wait3A_26 = tpu.memref_slice %arg4[%arg0, %arg1, %dma_wait3A_24, %dma_wait3A_25] : memref<2x16x79x128xi32, #tpu.memory_space<hbm>> -> memref<1x1x79x128xi32, #tpu.memory_space<hbm>>
      %dma_wait3A_27 = tpu.memref_squeeze %dma_wait3A_26 : memref<1x1x79x128xi32, #tpu.memory_space<hbm>> -> memref<79x128xi32, #tpu.memory_space<hbm>>
      tpu.wait_dma2 semaphore(%run_scoped3A : memref<!tpu.dma_semaphore, #tpu.memory_space<semaphore_mem>>) src(%dma_wait3A_27 : memref<79x128xi32, #tpu.memory_space<hbm>>) dst(%arg8 : memref<79x128xi32, #tpu.memory_space<vmem>>)
      tpu.yield
    }) : () -> ()
    %mul3A = arith.constant 160 : i32
    %mul3A_0 = arith.muli %arg1, %mul3A : i32
    %mul3A_1 = arith.constant 160 : i32
    %mul3A_2 = arith.muli %arg1, %mul3A_1 : i32
    "tpu.region"() ({
      %run_scoped3A = tpu.sem_alloc : memref<!tpu.dma_semaphore, #tpu.memory_space<semaphore_mem>>
      %dma_start3A = arith.constant 0 : i32
      %dma_start3A_14 = tpu.memref_slice %arg11[%mul3A_2, %dma_start3A] : memref<2560x128xf32, #tpu.memory_space<vmem_shared>> -> memref<160x128xf32, #tpu.memory_space<vmem_shared>>
      %dma_start3A_15 = arith.constant 0 : i32
      %dma_start3A_16 = tpu.memref_slice %arg5[%mul3A_0, %dma_start3A_15] : memref<2560x128xf32, #tpu.memory_space<hbm>> -> memref<160x128xf32, #tpu.memory_space<hbm>>
      tpu.enqueue_dma source(%dma_start3A_16 : memref<160x128xf32, #tpu.memory_space<hbm>>) target(%dma_start3A_14 : memref<160x128xf32, #tpu.memory_space<vmem_shared>>) target_semaphore(%run_scoped3A : memref<!tpu.dma_semaphore, #tpu.memory_space<semaphore_mem>>)
      %dma_wait3A = arith.constant 0 : i32
      %dma_wait3A_17 = tpu.memref_slice %arg11[%mul3A_2, %dma_wait3A] : memref<2560x128xf32, #tpu.memory_space<vmem_shared>> -> memref<160x128xf32, #tpu.memory_space<vmem_shared>>
      %dma_wait3A_18 = arith.constant 0 : i32
      %dma_wait3A_19 = tpu.memref_slice %arg5[%mul3A_0, %dma_wait3A_18] : memref<2560x128xf32, #tpu.memory_space<hbm>> -> memref<160x128xf32, #tpu.memory_space<hbm>>
      tpu.wait_dma2 semaphore(%run_scoped3A : memref<!tpu.dma_semaphore, #tpu.memory_space<semaphore_mem>>) src(%dma_wait3A_19 : memref<160x128xf32, #tpu.memory_space<hbm>>) dst(%dma_wait3A_17 : memref<160x128xf32, #tpu.memory_space<vmem_shared>>)
      tpu.yield
    }) : () -> ()
    %barrier3A = arith.constant 0 : index
    tpu.barrier barrier_id(%barrier3A)
    %scan3A = arith.constant 0 : i32
    %scan3A_3 = arith.constant 0 : i32
    %scan3A_4 = arith.constant 79 : i32
    %scan3A_5 = arith.addi %scan3A_3, %scan3A_4 : i32
    %scan3A_6 = arith.constant 1 : i32
    %scan3A_7 = scf.for %scan3A_14 = %scan3A_3 to %scan3A_5 step %scan3A_6 iter_args(%scan3A_15 = %scan3A) -> (i32)  : i32 {
      %dma_start3A = arith.constant 0 : i32
      %dma_start3A_16 = tpu.memref_slice %arg7[%scan3A_14, %dma_start3A] : memref<79x128xi32, #tpu.memory_space<vmem>> -> memref<1x128xi32, #tpu.memory_space<vmem>>
      %dma_start3A_17 = tpu.memref_squeeze %dma_start3A_16 : memref<1x128xi32, #tpu.memory_space<vmem>> -> memref<128xi32, #tpu.memory_space<vmem>>
      %dma_start3A_18 = arith.constant 0 : i32
      %dma_start3A_19 = arith.constant 0 : i32
      %dma_start3A_20 = tpu.memref_slice %arg2[%dma_start3A_18, %dma_start3A_19] : memref<10000x128xf32, #tpu.memory_space<hbm>> -> memref<10000x128xf32, #tpu.memory_space<hbm>>
      tpu.enqueue_indirect_dma source(%dma_start3A_20 : memref<10000x128xf32, #tpu.memory_space<hbm>>) target(%arg9 : memref<128x128xf32, #tpu.memory_space<vmem>>) offsets(%dma_start3A_17 : memref<128xi32, #tpu.memory_space<vmem>>) semaphore(%arg10 : memref<!tpu.dma_semaphore, #tpu.memory_space<semaphore_mem>>)
      %dma_wait3A = arith.constant 0 : i32
      %dma_wait3A_21 = tpu.memref_slice %arg7[%scan3A_14, %dma_wait3A] : memref<79x128xi32, #tpu.memory_space<vmem>> -> memref<1x128xi32, #tpu.memory_space<vmem>>
      %dma_wait3A_22 = tpu.memref_squeeze %dma_wait3A_21 : memref<1x128xi32, #tpu.memory_space<vmem>> -> memref<128xi32, #tpu.memory_space<vmem>>
      %dma_wait3A_23 = arith.constant 0 : i32
      %dma_wait3A_24 = arith.constant 0 : i32
      %dma_wait3A_25 = tpu.memref_slice %arg2[%dma_wait3A_23, %dma_wait3A_24] : memref<10000x128xf32, #tpu.memory_space<hbm>> -> memref<10000x128xf32, #tpu.memory_space<hbm>>
      tpu.wait_indirect_dma semaphore(%arg10 : memref<!tpu.dma_semaphore, #tpu.memory_space<semaphore_mem>>) src(%dma_wait3A_25 : memref<10000x128xf32, #tpu.memory_space<hbm>>) dst(%arg9 : memref<128x128xf32, #tpu.memory_space<vmem>>)
      "tpu.region"() ({
        %run_scoped3A = tpu.sem_alloc : memref<!tpu.dma_semaphore, #tpu.memory_space<semaphore_mem>>
        %dma_start3A_27 = arith.constant 0 : i32
        %dma_start3A_28 = tpu.memref_slice %arg8[%scan3A_14, %dma_start3A_27] : memref<79x128xi32, #tpu.memory_space<vmem>> -> memref<1x128xi32, #tpu.memory_space<vmem>>
        %dma_start3A_29 = tpu.memref_squeeze %dma_start3A_28 : memref<1x128xi32, #tpu.memory_space<vmem>> -> memref<128xi32, #tpu.memory_space<vmem>>
        %dma_start3A_30 = arith.constant 0 : i32
        %dma_start3A_31 = arith.constant 0 : i32
        %dma_start3A_32 = tpu.memref_slice %arg11[%dma_start3A_30, %dma_start3A_31] : memref<2560x128xf32, #tpu.memory_space<vmem_shared>> -> memref<2560x128xf32, #tpu.memory_space<vmem_shared>>
        tpu.enqueue_indirect_dma source(%arg9 : memref<128x128xf32, #tpu.memory_space<vmem>>) target(%dma_start3A_32 : memref<2560x128xf32, #tpu.memory_space<vmem_shared>>) offsets(%dma_start3A_29 : memref<128xi32, #tpu.memory_space<vmem>>) semaphore(%run_scoped3A : memref<!tpu.dma_semaphore, #tpu.memory_space<semaphore_mem>>) {add = true}
        %dma_wait3A_33 = arith.constant 0 : i32
        %dma_wait3A_34 = tpu.memref_slice %arg8[%scan3A_14, %dma_wait3A_33] : memref<79x128xi32, #tpu.memory_space<vmem>> -> memref<1x128xi32, #tpu.memory_space<vmem>>
        %dma_wait3A_35 = tpu.memref_squeeze %dma_wait3A_34 : memref<1x128xi32, #tpu.memory_space<vmem>> -> memref<128xi32, #tpu.memory_space<vmem>>
        %dma_wait3A_36 = arith.constant 0 : i32
        %dma_wait3A_37 = arith.constant 0 : i32
        %dma_wait3A_38 = tpu.memref_slice %arg11[%dma_wait3A_36, %dma_wait3A_37] : memref<2560x128xf32, #tpu.memory_space<vmem_shared>> -> memref<2560x128xf32, #tpu.memory_space<vmem_shared>>
        tpu.wait_indirect_dma semaphore(%run_scoped3A : memref<!tpu.dma_semaphore, #tpu.memory_space<semaphore_mem>>) src(%arg9 : memref<128x128xf32, #tpu.memory_space<vmem>>) dst(%dma_wait3A_38 : memref<2560x128xf32, #tpu.memory_space<vmem_shared>>)
        tpu.yield
      }) : () -> ()
      %scan3A_26 = arith.constant 0 : i32
      scf.yield %scan3A_26 : i32
    }
    %scan3A_8 = arith.constant 79 : i32
    %barrier3A_9 = arith.constant 0 : index
    tpu.barrier barrier_id(%barrier3A_9)
    %mul3A_10 = arith.constant 160 : i32
    %mul3A_11 = arith.muli %arg1, %mul3A_10 : i32
    %mul3A_12 = arith.constant 160 : i32
    %mul3A_13 = arith.muli %arg1, %mul3A_12 : i32
    "tpu.region"() ({
      %run_scoped3A = tpu.sem_alloc : memref<!tpu.dma_semaphore, #tpu.memory_space<semaphore_mem>>
      %dma_start3A = arith.constant 0 : i32
      %dma_start3A_14 = tpu.memref_slice %arg6[%arg0, %mul3A_13, %dma_start3A] : memref<2x2560x128xf32, #tpu.memory_space<hbm>> -> memref<1x160x128xf32, #tpu.memory_space<hbm>>
      %dma_start3A_15 = tpu.memref_squeeze %dma_start3A_14 : memref<1x160x128xf32, #tpu.memory_space<hbm>> -> memref<160x128xf32, #tpu.memory_space<hbm>>
      %dma_start3A_16 = arith.constant 0 : i32
      %dma_start3A_17 = tpu.memref_slice %arg11[%mul3A_11, %dma_start3A_16] : memref<2560x128xf32, #tpu.memory_space<vmem_shared>> -> memref<160x128xf32, #tpu.memory_space<vmem_shared>>
      tpu.enqueue_dma source(%dma_start3A_17 : memref<160x128xf32, #tpu.memory_space<vmem_shared>>) target(%dma_start3A_15 : memref<160x128xf32, #tpu.memory_space<hbm>>) target_semaphore(%run_scoped3A : memref<!tpu.dma_semaphore, #tpu.memory_space<semaphore_mem>>)
      %dma_wait3A = arith.constant 0 : i32
      %dma_wait3A_18 = tpu.memref_slice %arg6[%arg0, %mul3A_13, %dma_wait3A] : memref<2x2560x128xf32, #tpu.memory_space<hbm>> -> memref<1x160x128xf32, #tpu.memory_space<hbm>>
      %dma_wait3A_19 = tpu.memref_squeeze %dma_wait3A_18 : memref<1x160x128xf32, #tpu.memory_space<hbm>> -> memref<160x128xf32, #tpu.memory_space<hbm>>
      %dma_wait3A_20 = arith.constant 0 : i32
      %dma_wait3A_21 = tpu.memref_slice %arg11[%mul3A_11, %dma_wait3A_20] : memref<2560x128xf32, #tpu.memory_space<vmem_shared>> -> memref<160x128xf32, #tpu.memory_space<vmem_shared>>
      tpu.wait_dma2 semaphore(%run_scoped3A : memref<!tpu.dma_semaphore, #tpu.memory_space<semaphore_mem>>) src(%dma_wait3A_21 : memref<160x128xf32, #tpu.memory_space<vmem_shared>>) dst(%dma_wait3A_19 : memref<160x128xf32, #tpu.memory_space<hbm>>)
      tpu.yield
    }) : () -> ()
    return
  }
}

#map = affine_map<(d0, d1) -> (0, 0)>
#map1 = affine_map<(d0, d1) -> (0, 0, 0, 0)>
#map2 = affine_map<(d0, d1) -> (0, 0, 0)>
module attributes {stable_mosaic.version = 14 : i64} {
  func.func @body(%arg0: i32, %arg1: i32, %arg2: memref<2500x128xf32, #tpu.memory_space<hbm>>, %arg3: memref<2x16x79x128xi32, #tpu.memory_space<hbm>>, %arg4: memref<2x16x79x128xi32, #tpu.memory_space<hbm>>, %arg5: memref<10112x128xf32, #tpu.memory_space<hbm>>, %arg6: memref<2x10112x128xf32, #tpu.memory_space<hbm>>, %arg7: memref<79x128xi32, #tpu.memory_space<vmem>>, %arg8: memref<79x128xi32, #tpu.memory_space<vmem>>, %arg9: memref<128x128xf32, #tpu.memory_space<vmem>>, %arg10: memref<!tpu.dma_semaphore, #tpu.memory_space<semaphore_mem>>, %arg11: memref<10112x128xf32, #tpu.memory_space<vmem_shared>>) attributes {dimension_semantics = [#tpu.dimension_semantics<core_parallel>, #tpu.dimension_semantics<subcore_parallel>], iteration_bounds = array<i64: 2, 16>, scalar_prefetch = 0 : i64, scratch_operands = 5 : i64, tpu.core_type = #tpu.core_type<sc_vector_subcore>, window_params = [{transform_indices = #map}, {transform_indices = #map1}, {transform_indices = #map1}, {transform_indices = #map}, {transform_indices = #map2}]} {
    "tpu.region"() ({
      %run_scoped3A = tpu.sem_alloc : memref<!tpu.dma_semaphore, #tpu.memory_space<semaphore_mem>>
      %dma_start3A = arith.constant 0 : i32
      %dma_start3A_14 = arith.constant 0 : i32
      %dma_start3A_15 = tpu.memref_slice %arg3[%arg0, %arg1, %dma_start3A, %dma_start3A_14] : memref<2x16x79x128xi32, #tpu.memory_space<hbm>> -> memref<1x1x79x128xi32, #tpu.memory_space<hbm>>
      %dma_start3A_16 = tpu.memref_squeeze %dma_start3A_15 : memref<1x1x79x128xi32, #tpu.memory_space<hbm>> -> memref<79x128xi32, #tpu.memory_space<hbm>>
      %dma_start3A_17 = arith.constant 0 : i32
      %dma_start3A_18 = arith.constant 0 : i32
      %dma_start3A_19 = tpu.memref_slice %arg3[%arg0, %arg1, %dma_start3A_17, %dma_start3A_18] : memref<2x16x79x128xi32, #tpu.memory_space<hbm>> -> memref<1x1x79x128xi32, #tpu.memory_space<hbm>>
      %dma_start3A_20 = tpu.memref_squeeze %dma_start3A_19 : memref<1x1x79x128xi32, #tpu.memory_space<hbm>> -> memref<79x128xi32, #tpu.memory_space<hbm>>
      tpu.enqueue_dma source(%dma_start3A_20 : memref<79x128xi32, #tpu.memory_space<hbm>>) target(%arg7 : memref<79x128xi32, #tpu.memory_space<vmem>>) target_semaphore(%run_scoped3A : memref<!tpu.dma_semaphore, #tpu.memory_space<semaphore_mem>>)
      %dma_wait3A = arith.constant 0 : i32
      %dma_wait3A_21 = arith.constant 0 : i32
      %dma_wait3A_22 = tpu.memref_slice %arg3[%arg0, %arg1, %dma_wait3A, %dma_wait3A_21] : memref<2x16x79x128xi32, #tpu.memory_space<hbm>> -> memref<1x1x79x128xi32, #tpu.memory_space<hbm>>
      %dma_wait3A_23 = tpu.memref_squeeze %dma_wait3A_22 : memref<1x1x79x128xi32, #tpu.memory_space<hbm>> -> memref<79x128xi32, #tpu.memory_space<hbm>>
      %dma_wait3A_24 = arith.constant 0 : i32
      %dma_wait3A_25 = arith.constant 0 : i32
      %dma_wait3A_26 = tpu.memref_slice %arg3[%arg0, %arg1, %dma_wait3A_24, %dma_wait3A_25] : memref<2x16x79x128xi32, #tpu.memory_space<hbm>> -> memref<1x1x79x128xi32, #tpu.memory_space<hbm>>
      %dma_wait3A_27 = tpu.memref_squeeze %dma_wait3A_26 : memref<1x1x79x128xi32, #tpu.memory_space<hbm>> -> memref<79x128xi32, #tpu.memory_space<hbm>>
      tpu.wait_dma2 semaphore(%run_scoped3A : memref<!tpu.dma_semaphore, #tpu.memory_space<semaphore_mem>>) src(%dma_wait3A_27 : memref<79x128xi32, #tpu.memory_space<hbm>>) dst(%arg7 : memref<79x128xi32, #tpu.memory_space<vmem>>)
      tpu.yield
    }) : () -> ()
    "tpu.region"() ({
      %run_scoped3A = tpu.sem_alloc : memref<!tpu.dma_semaphore, #tpu.memory_space<semaphore_mem>>
      %dma_start3A = arith.constant 0 : i32
      %dma_start3A_14 = arith.constant 0 : i32
      %dma_start3A_15 = tpu.memref_slice %arg4[%arg0, %arg1, %dma_start3A, %dma_start3A_14] : memref<2x16x79x128xi32, #tpu.memory_space<hbm>> -> memref<1x1x79x128xi32, #tpu.memory_space<hbm>>
      %dma_start3A_16 = tpu.memref_squeeze %dma_start3A_15 : memref<1x1x79x128xi32, #tpu.memory_space<hbm>> -> memref<79x128xi32, #tpu.memory_space<hbm>>
      %dma_start3A_17 = arith.constant 0 : i32
      %dma_start3A_18 = arith.constant 0 : i32
      %dma_start3A_19 = tpu.memref_slice %arg4[%arg0, %arg1, %dma_start3A_17, %dma_start3A_18] : memref<2x16x79x128xi32, #tpu.memory_space<hbm>> -> memref<1x1x79x128xi32, #tpu.memory_space<hbm>>
      %dma_start3A_20 = tpu.memref_squeeze %dma_start3A_19 : memref<1x1x79x128xi32, #tpu.memory_space<hbm>> -> memref<79x128xi32, #tpu.memory_space<hbm>>
      tpu.enqueue_dma source(%dma_start3A_20 : memref<79x128xi32, #tpu.memory_space<hbm>>) target(%arg8 : memref<79x128xi32, #tpu.memory_space<vmem>>) target_semaphore(%run_scoped3A : memref<!tpu.dma_semaphore, #tpu.memory_space<semaphore_mem>>)
      %dma_wait3A = arith.constant 0 : i32
      %dma_wait3A_21 = arith.constant 0 : i32
      %dma_wait3A_22 = tpu.memref_slice %arg4[%arg0, %arg1, %dma_wait3A, %dma_wait3A_21] : memref<2x16x79x128xi32, #tpu.memory_space<hbm>> -> memref<1x1x79x128xi32, #tpu.memory_space<hbm>>
      %dma_wait3A_23 = tpu.memref_squeeze %dma_wait3A_22 : memref<1x1x79x128xi32, #tpu.memory_space<hbm>> -> memref<79x128xi32, #tpu.memory_space<hbm>>
      %dma_wait3A_24 = arith.constant 0 : i32
      %dma_wait3A_25 = arith.constant 0 : i32
      %dma_wait3A_26 = tpu.memref_slice %arg4[%arg0, %arg1, %dma_wait3A_24, %dma_wait3A_25] : memref<2x16x79x128xi32, #tpu.memory_space<hbm>> -> memref<1x1x79x128xi32, #tpu.memory_space<hbm>>
      %dma_wait3A_27 = tpu.memref_squeeze %dma_wait3A_26 : memref<1x1x79x128xi32, #tpu.memory_space<hbm>> -> memref<79x128xi32, #tpu.memory_space<hbm>>
      tpu.wait_dma2 semaphore(%run_scoped3A : memref<!tpu.dma_semaphore, #tpu.memory_space<semaphore_mem>>) src(%dma_wait3A_27 : memref<79x128xi32, #tpu.memory_space<hbm>>) dst(%arg8 : memref<79x128xi32, #tpu.memory_space<vmem>>)
      tpu.yield
    }) : () -> ()
    %mul3A = arith.constant 632 : i32
    %mul3A_0 = arith.muli %arg1, %mul3A : i32
    %mul3A_1 = arith.constant 632 : i32
    %mul3A_2 = arith.muli %arg1, %mul3A_1 : i32
    "tpu.region"() ({
      %run_scoped3A = tpu.sem_alloc : memref<!tpu.dma_semaphore, #tpu.memory_space<semaphore_mem>>
      %dma_start3A = arith.constant 0 : i32
      %dma_start3A_14 = tpu.memref_slice %arg11[%mul3A_2, %dma_start3A] : memref<10112x128xf32, #tpu.memory_space<vmem_shared>> -> memref<632x128xf32, #tpu.memory_space<vmem_shared>>
      %dma_start3A_15 = arith.constant 0 : i32
      %dma_start3A_16 = tpu.memref_slice %arg5[%mul3A_0, %dma_start3A_15] : memref<10112x128xf32, #tpu.memory_space<hbm>> -> memref<632x128xf32, #tpu.memory_space<hbm>>
      tpu.enqueue_dma source(%dma_start3A_16 : memref<632x128xf32, #tpu.memory_space<hbm>>) target(%dma_start3A_14 : memref<632x128xf32, #tpu.memory_space<vmem_shared>>) target_semaphore(%run_scoped3A : memref<!tpu.dma_semaphore, #tpu.memory_space<semaphore_mem>>)
      %dma_wait3A = arith.constant 0 : i32
      %dma_wait3A_17 = tpu.memref_slice %arg11[%mul3A_2, %dma_wait3A] : memref<10112x128xf32, #tpu.memory_space<vmem_shared>> -> memref<632x128xf32, #tpu.memory_space<vmem_shared>>
      %dma_wait3A_18 = arith.constant 0 : i32
      %dma_wait3A_19 = tpu.memref_slice %arg5[%mul3A_0, %dma_wait3A_18] : memref<10112x128xf32, #tpu.memory_space<hbm>> -> memref<632x128xf32, #tpu.memory_space<hbm>>
      tpu.wait_dma2 semaphore(%run_scoped3A : memref<!tpu.dma_semaphore, #tpu.memory_space<semaphore_mem>>) src(%dma_wait3A_19 : memref<632x128xf32, #tpu.memory_space<hbm>>) dst(%dma_wait3A_17 : memref<632x128xf32, #tpu.memory_space<vmem_shared>>)
      tpu.yield
    }) : () -> ()
    %barrier3A = arith.constant 0 : index
    tpu.barrier barrier_id(%barrier3A)
    %scan3A = arith.constant 0 : i32
    %scan3A_3 = arith.constant 0 : i32
    %scan3A_4 = arith.constant 79 : i32
    %scan3A_5 = arith.addi %scan3A_3, %scan3A_4 : i32
    %scan3A_6 = arith.constant 1 : i32
    %scan3A_7 = scf.for %scan3A_14 = %scan3A_3 to %scan3A_5 step %scan3A_6 iter_args(%scan3A_15 = %scan3A) -> (i32)  : i32 {
      %dma_start3A = arith.constant 0 : i32
      %dma_start3A_16 = tpu.memref_slice %arg7[%scan3A_14, %dma_start3A] : memref<79x128xi32, #tpu.memory_space<vmem>> -> memref<1x128xi32, #tpu.memory_space<vmem>>
      %dma_start3A_17 = tpu.memref_squeeze %dma_start3A_16 : memref<1x128xi32, #tpu.memory_space<vmem>> -> memref<128xi32, #tpu.memory_space<vmem>>
      %dma_start3A_18 = arith.constant 0 : i32
      %dma_start3A_19 = arith.constant 0 : i32
      %dma_start3A_20 = tpu.memref_slice %arg2[%dma_start3A_18, %dma_start3A_19] : memref<2500x128xf32, #tpu.memory_space<hbm>> -> memref<2500x128xf32, #tpu.memory_space<hbm>>
      tpu.enqueue_indirect_dma source(%dma_start3A_20 : memref<2500x128xf32, #tpu.memory_space<hbm>>) target(%arg9 : memref<128x128xf32, #tpu.memory_space<vmem>>) offsets(%dma_start3A_17 : memref<128xi32, #tpu.memory_space<vmem>>) semaphore(%arg10 : memref<!tpu.dma_semaphore, #tpu.memory_space<semaphore_mem>>)
      %dma_wait3A = arith.constant 0 : i32
      %dma_wait3A_21 = tpu.memref_slice %arg7[%scan3A_14, %dma_wait3A] : memref<79x128xi32, #tpu.memory_space<vmem>> -> memref<1x128xi32, #tpu.memory_space<vmem>>
      %dma_wait3A_22 = tpu.memref_squeeze %dma_wait3A_21 : memref<1x128xi32, #tpu.memory_space<vmem>> -> memref<128xi32, #tpu.memory_space<vmem>>
      %dma_wait3A_23 = arith.constant 0 : i32
      %dma_wait3A_24 = arith.constant 0 : i32
      %dma_wait3A_25 = tpu.memref_slice %arg2[%dma_wait3A_23, %dma_wait3A_24] : memref<2500x128xf32, #tpu.memory_space<hbm>> -> memref<2500x128xf32, #tpu.memory_space<hbm>>
      tpu.wait_indirect_dma semaphore(%arg10 : memref<!tpu.dma_semaphore, #tpu.memory_space<semaphore_mem>>) src(%dma_wait3A_25 : memref<2500x128xf32, #tpu.memory_space<hbm>>) dst(%arg9 : memref<128x128xf32, #tpu.memory_space<vmem>>)
      "tpu.region"() ({
        %run_scoped3A = tpu.sem_alloc : memref<!tpu.dma_semaphore, #tpu.memory_space<semaphore_mem>>
        %dma_start3A_27 = arith.constant 0 : i32
        %dma_start3A_28 = tpu.memref_slice %arg8[%scan3A_14, %dma_start3A_27] : memref<79x128xi32, #tpu.memory_space<vmem>> -> memref<1x128xi32, #tpu.memory_space<vmem>>
        %dma_start3A_29 = tpu.memref_squeeze %dma_start3A_28 : memref<1x128xi32, #tpu.memory_space<vmem>> -> memref<128xi32, #tpu.memory_space<vmem>>
        %dma_start3A_30 = arith.constant 0 : i32
        %dma_start3A_31 = arith.constant 0 : i32
        %dma_start3A_32 = tpu.memref_slice %arg11[%dma_start3A_30, %dma_start3A_31] : memref<10112x128xf32, #tpu.memory_space<vmem_shared>> -> memref<10112x128xf32, #tpu.memory_space<vmem_shared>>
        tpu.enqueue_indirect_dma source(%arg9 : memref<128x128xf32, #tpu.memory_space<vmem>>) target(%dma_start3A_32 : memref<10112x128xf32, #tpu.memory_space<vmem_shared>>) offsets(%dma_start3A_29 : memref<128xi32, #tpu.memory_space<vmem>>) semaphore(%run_scoped3A : memref<!tpu.dma_semaphore, #tpu.memory_space<semaphore_mem>>) {add = true}
        %dma_wait3A_33 = arith.constant 0 : i32
        %dma_wait3A_34 = tpu.memref_slice %arg8[%scan3A_14, %dma_wait3A_33] : memref<79x128xi32, #tpu.memory_space<vmem>> -> memref<1x128xi32, #tpu.memory_space<vmem>>
        %dma_wait3A_35 = tpu.memref_squeeze %dma_wait3A_34 : memref<1x128xi32, #tpu.memory_space<vmem>> -> memref<128xi32, #tpu.memory_space<vmem>>
        %dma_wait3A_36 = arith.constant 0 : i32
        %dma_wait3A_37 = arith.constant 0 : i32
        %dma_wait3A_38 = tpu.memref_slice %arg11[%dma_wait3A_36, %dma_wait3A_37] : memref<10112x128xf32, #tpu.memory_space<vmem_shared>> -> memref<10112x128xf32, #tpu.memory_space<vmem_shared>>
        tpu.wait_indirect_dma semaphore(%run_scoped3A : memref<!tpu.dma_semaphore, #tpu.memory_space<semaphore_mem>>) src(%arg9 : memref<128x128xf32, #tpu.memory_space<vmem>>) dst(%dma_wait3A_38 : memref<10112x128xf32, #tpu.memory_space<vmem_shared>>)
        tpu.yield
      }) : () -> ()
      %scan3A_26 = arith.constant 0 : i32
      scf.yield %scan3A_26 : i32
    }
    %scan3A_8 = arith.constant 79 : i32
    %barrier3A_9 = arith.constant 0 : index
    tpu.barrier barrier_id(%barrier3A_9)
    %mul3A_10 = arith.constant 632 : i32
    %mul3A_11 = arith.muli %arg1, %mul3A_10 : i32
    %mul3A_12 = arith.constant 632 : i32
    %mul3A_13 = arith.muli %arg1, %mul3A_12 : i32
    "tpu.region"() ({
      %run_scoped3A = tpu.sem_alloc : memref<!tpu.dma_semaphore, #tpu.memory_space<semaphore_mem>>
      %dma_start3A = arith.constant 0 : i32
      %dma_start3A_14 = tpu.memref_slice %arg6[%arg0, %mul3A_13, %dma_start3A] : memref<2x10112x128xf32, #tpu.memory_space<hbm>> -> memref<1x632x128xf32, #tpu.memory_space<hbm>>
      %dma_start3A_15 = tpu.memref_squeeze %dma_start3A_14 : memref<1x632x128xf32, #tpu.memory_space<hbm>> -> memref<632x128xf32, #tpu.memory_space<hbm>>
      %dma_start3A_16 = arith.constant 0 : i32
      %dma_start3A_17 = tpu.memref_slice %arg11[%mul3A_11, %dma_start3A_16] : memref<10112x128xf32, #tpu.memory_space<vmem_shared>> -> memref<632x128xf32, #tpu.memory_space<vmem_shared>>
      tpu.enqueue_dma source(%dma_start3A_17 : memref<632x128xf32, #tpu.memory_space<vmem_shared>>) target(%dma_start3A_15 : memref<632x128xf32, #tpu.memory_space<hbm>>) target_semaphore(%run_scoped3A : memref<!tpu.dma_semaphore, #tpu.memory_space<semaphore_mem>>)
      %dma_wait3A = arith.constant 0 : i32
      %dma_wait3A_18 = tpu.memref_slice %arg6[%arg0, %mul3A_13, %dma_wait3A] : memref<2x10112x128xf32, #tpu.memory_space<hbm>> -> memref<1x632x128xf32, #tpu.memory_space<hbm>>
      %dma_wait3A_19 = tpu.memref_squeeze %dma_wait3A_18 : memref<1x632x128xf32, #tpu.memory_space<hbm>> -> memref<632x128xf32, #tpu.memory_space<hbm>>
      %dma_wait3A_20 = arith.constant 0 : i32
      %dma_wait3A_21 = tpu.memref_slice %arg11[%mul3A_11, %dma_wait3A_20] : memref<10112x128xf32, #tpu.memory_space<vmem_shared>> -> memref<632x128xf32, #tpu.memory_space<vmem_shared>>
      tpu.wait_dma2 semaphore(%run_scoped3A : memref<!tpu.dma_semaphore, #tpu.memory_space<semaphore_mem>>) src(%dma_wait3A_21 : memref<632x128xf32, #tpu.memory_space<vmem_shared>>) dst(%dma_wait3A_19 : memref<632x128xf32, #tpu.memory_space<hbm>>)
      tpu.yield
    }) : () -> ()
    return
  }
}

#map = affine_map<(d0, d1) -> (0, 0)>
#map1 = affine_map<(d0, d1) -> (0, 0, 0, 0)>
#map2 = affine_map<(d0, d1) -> (0, 0, 0)>
module attributes {stable_mosaic.version = 14 : i64} {
  func.func @body(%arg0: i32, %arg1: i32, %arg2: memref<2500x128xf32, #tpu.memory_space<hbm>>, %arg3: memref<2x16x79x128xi32, #tpu.memory_space<hbm>>, %arg4: memref<2x16x79x128xi32, #tpu.memory_space<hbm>>, %arg5: memref<10112x128xf32, #tpu.memory_space<hbm>>, %arg6: memref<2x10112x128xf32, #tpu.memory_space<hbm>>, %arg7: memref<79x128xi32, #tpu.memory_space<vmem>>, %arg8: memref<79x128xi32, #tpu.memory_space<vmem>>, %arg9: memref<128x128xf32, #tpu.memory_space<vmem>>, %arg10: memref<!tpu.dma_semaphore, #tpu.memory_space<semaphore_mem>>, %arg11: memref<10112x128xf32, #tpu.memory_space<vmem_shared>>) attributes {dimension_semantics = [#tpu.dimension_semantics<core_parallel>, #tpu.dimension_semantics<subcore_parallel>], iteration_bounds = array<i64: 2, 16>, scalar_prefetch = 0 : i64, scratch_operands = 5 : i64, tpu.core_type = #tpu.core_type<sc_vector_subcore>, window_params = [{transform_indices = #map}, {transform_indices = #map1}, {transform_indices = #map1}, {transform_indices = #map}, {transform_indices = #map2}]} {
    "tpu.region"() ({
      %run_scoped3A = tpu.sem_alloc : memref<!tpu.dma_semaphore, #tpu.memory_space<semaphore_mem>>
      %dma_start3A = arith.constant 0 : i32
      %dma_start3A_14 = arith.constant 0 : i32
      %dma_start3A_15 = tpu.memref_slice %arg3[%arg0, %arg1, %dma_start3A, %dma_start3A_14] : memref<2x16x79x128xi32, #tpu.memory_space<hbm>> -> memref<1x1x79x128xi32, #tpu.memory_space<hbm>>
      %dma_start3A_16 = tpu.memref_squeeze %dma_start3A_15 : memref<1x1x79x128xi32, #tpu.memory_space<hbm>> -> memref<79x128xi32, #tpu.memory_space<hbm>>
      %dma_start3A_17 = arith.constant 0 : i32
      %dma_start3A_18 = arith.constant 0 : i32
      %dma_start3A_19 = tpu.memref_slice %arg3[%arg0, %arg1, %dma_start3A_17, %dma_start3A_18] : memref<2x16x79x128xi32, #tpu.memory_space<hbm>> -> memref<1x1x79x128xi32, #tpu.memory_space<hbm>>
      %dma_start3A_20 = tpu.memref_squeeze %dma_start3A_19 : memref<1x1x79x128xi32, #tpu.memory_space<hbm>> -> memref<79x128xi32, #tpu.memory_space<hbm>>
      tpu.enqueue_dma source(%dma_start3A_20 : memref<79x128xi32, #tpu.memory_space<hbm>>) target(%arg7 : memref<79x128xi32, #tpu.memory_space<vmem>>) target_semaphore(%run_scoped3A : memref<!tpu.dma_semaphore, #tpu.memory_space<semaphore_mem>>)
      %dma_wait3A = arith.constant 0 : i32
      %dma_wait3A_21 = arith.constant 0 : i32
      %dma_wait3A_22 = tpu.memref_slice %arg3[%arg0, %arg1, %dma_wait3A, %dma_wait3A_21] : memref<2x16x79x128xi32, #tpu.memory_space<hbm>> -> memref<1x1x79x128xi32, #tpu.memory_space<hbm>>
      %dma_wait3A_23 = tpu.memref_squeeze %dma_wait3A_22 : memref<1x1x79x128xi32, #tpu.memory_space<hbm>> -> memref<79x128xi32, #tpu.memory_space<hbm>>
      %dma_wait3A_24 = arith.constant 0 : i32
      %dma_wait3A_25 = arith.constant 0 : i32
      %dma_wait3A_26 = tpu.memref_slice %arg3[%arg0, %arg1, %dma_wait3A_24, %dma_wait3A_25] : memref<2x16x79x128xi32, #tpu.memory_space<hbm>> -> memref<1x1x79x128xi32, #tpu.memory_space<hbm>>
      %dma_wait3A_27 = tpu.memref_squeeze %dma_wait3A_26 : memref<1x1x79x128xi32, #tpu.memory_space<hbm>> -> memref<79x128xi32, #tpu.memory_space<hbm>>
      tpu.wait_dma2 semaphore(%run_scoped3A : memref<!tpu.dma_semaphore, #tpu.memory_space<semaphore_mem>>) src(%dma_wait3A_27 : memref<79x128xi32, #tpu.memory_space<hbm>>) dst(%arg7 : memref<79x128xi32, #tpu.memory_space<vmem>>)
      tpu.yield
    }) : () -> ()
    "tpu.region"() ({
      %run_scoped3A = tpu.sem_alloc : memref<!tpu.dma_semaphore, #tpu.memory_space<semaphore_mem>>
      %dma_start3A = arith.constant 0 : i32
      %dma_start3A_14 = arith.constant 0 : i32
      %dma_start3A_15 = tpu.memref_slice %arg4[%arg0, %arg1, %dma_start3A, %dma_start3A_14] : memref<2x16x79x128xi32, #tpu.memory_space<hbm>> -> memref<1x1x79x128xi32, #tpu.memory_space<hbm>>
      %dma_start3A_16 = tpu.memref_squeeze %dma_start3A_15 : memref<1x1x79x128xi32, #tpu.memory_space<hbm>> -> memref<79x128xi32, #tpu.memory_space<hbm>>
      %dma_start3A_17 = arith.constant 0 : i32
      %dma_start3A_18 = arith.constant 0 : i32
      %dma_start3A_19 = tpu.memref_slice %arg4[%arg0, %arg1, %dma_start3A_17, %dma_start3A_18] : memref<2x16x79x128xi32, #tpu.memory_space<hbm>> -> memref<1x1x79x128xi32, #tpu.memory_space<hbm>>
      %dma_start3A_20 = tpu.memref_squeeze %dma_start3A_19 : memref<1x1x79x128xi32, #tpu.memory_space<hbm>> -> memref<79x128xi32, #tpu.memory_space<hbm>>
      tpu.enqueue_dma source(%dma_start3A_20 : memref<79x128xi32, #tpu.memory_space<hbm>>) target(%arg8 : memref<79x128xi32, #tpu.memory_space<vmem>>) target_semaphore(%run_scoped3A : memref<!tpu.dma_semaphore, #tpu.memory_space<semaphore_mem>>)
      %dma_wait3A = arith.constant 0 : i32
      %dma_wait3A_21 = arith.constant 0 : i32
      %dma_wait3A_22 = tpu.memref_slice %arg4[%arg0, %arg1, %dma_wait3A, %dma_wait3A_21] : memref<2x16x79x128xi32, #tpu.memory_space<hbm>> -> memref<1x1x79x128xi32, #tpu.memory_space<hbm>>
      %dma_wait3A_23 = tpu.memref_squeeze %dma_wait3A_22 : memref<1x1x79x128xi32, #tpu.memory_space<hbm>> -> memref<79x128xi32, #tpu.memory_space<hbm>>
      %dma_wait3A_24 = arith.constant 0 : i32
      %dma_wait3A_25 = arith.constant 0 : i32
      %dma_wait3A_26 = tpu.memref_slice %arg4[%arg0, %arg1, %dma_wait3A_24, %dma_wait3A_25] : memref<2x16x79x128xi32, #tpu.memory_space<hbm>> -> memref<1x1x79x128xi32, #tpu.memory_space<hbm>>
      %dma_wait3A_27 = tpu.memref_squeeze %dma_wait3A_26 : memref<1x1x79x128xi32, #tpu.memory_space<hbm>> -> memref<79x128xi32, #tpu.memory_space<hbm>>
      tpu.wait_dma2 semaphore(%run_scoped3A : memref<!tpu.dma_semaphore, #tpu.memory_space<semaphore_mem>>) src(%dma_wait3A_27 : memref<79x128xi32, #tpu.memory_space<hbm>>) dst(%arg8 : memref<79x128xi32, #tpu.memory_space<vmem>>)
      tpu.yield
    }) : () -> ()
    %mul3A = arith.constant 632 : i32
    %mul3A_0 = arith.muli %arg1, %mul3A : i32
    %mul3A_1 = arith.constant 632 : i32
    %mul3A_2 = arith.muli %arg1, %mul3A_1 : i32
    "tpu.region"() ({
      %run_scoped3A = tpu.sem_alloc : memref<!tpu.dma_semaphore, #tpu.memory_space<semaphore_mem>>
      %dma_start3A = arith.constant 0 : i32
      %dma_start3A_14 = tpu.memref_slice %arg11[%mul3A_2, %dma_start3A] : memref<10112x128xf32, #tpu.memory_space<vmem_shared>> -> memref<632x128xf32, #tpu.memory_space<vmem_shared>>
      %dma_start3A_15 = arith.constant 0 : i32
      %dma_start3A_16 = tpu.memref_slice %arg5[%mul3A_0, %dma_start3A_15] : memref<10112x128xf32, #tpu.memory_space<hbm>> -> memref<632x128xf32, #tpu.memory_space<hbm>>
      tpu.enqueue_dma source(%dma_start3A_16 : memref<632x128xf32, #tpu.memory_space<hbm>>) target(%dma_start3A_14 : memref<632x128xf32, #tpu.memory_space<vmem_shared>>) target_semaphore(%run_scoped3A : memref<!tpu.dma_semaphore, #tpu.memory_space<semaphore_mem>>)
      %dma_wait3A = arith.constant 0 : i32
      %dma_wait3A_17 = tpu.memref_slice %arg11[%mul3A_2, %dma_wait3A] : memref<10112x128xf32, #tpu.memory_space<vmem_shared>> -> memref<632x128xf32, #tpu.memory_space<vmem_shared>>
      %dma_wait3A_18 = arith.constant 0 : i32
      %dma_wait3A_19 = tpu.memref_slice %arg5[%mul3A_0, %dma_wait3A_18] : memref<10112x128xf32, #tpu.memory_space<hbm>> -> memref<632x128xf32, #tpu.memory_space<hbm>>
      tpu.wait_dma2 semaphore(%run_scoped3A : memref<!tpu.dma_semaphore, #tpu.memory_space<semaphore_mem>>) src(%dma_wait3A_19 : memref<632x128xf32, #tpu.memory_space<hbm>>) dst(%dma_wait3A_17 : memref<632x128xf32, #tpu.memory_space<vmem_shared>>)
      tpu.yield
    }) : () -> ()
    %barrier3A = arith.constant 0 : index
    tpu.barrier barrier_id(%barrier3A)
    %scan3A = arith.constant 0 : i32
    %scan3A_3 = arith.constant 0 : i32
    %scan3A_4 = arith.constant 79 : i32
    %scan3A_5 = arith.addi %scan3A_3, %scan3A_4 : i32
    %scan3A_6 = arith.constant 1 : i32
    %scan3A_7 = scf.for %scan3A_14 = %scan3A_3 to %scan3A_5 step %scan3A_6 iter_args(%scan3A_15 = %scan3A) -> (i32)  : i32 {
      %dma_start3A = arith.constant 0 : i32
      %dma_start3A_16 = tpu.memref_slice %arg7[%scan3A_14, %dma_start3A] : memref<79x128xi32, #tpu.memory_space<vmem>> -> memref<1x128xi32, #tpu.memory_space<vmem>>
      %dma_start3A_17 = tpu.memref_squeeze %dma_start3A_16 : memref<1x128xi32, #tpu.memory_space<vmem>> -> memref<128xi32, #tpu.memory_space<vmem>>
      %dma_start3A_18 = arith.constant 0 : i32
      %dma_start3A_19 = arith.constant 0 : i32
      %dma_start3A_20 = tpu.memref_slice %arg2[%dma_start3A_18, %dma_start3A_19] : memref<2500x128xf32, #tpu.memory_space<hbm>> -> memref<2500x128xf32, #tpu.memory_space<hbm>>
      tpu.enqueue_indirect_dma source(%dma_start3A_20 : memref<2500x128xf32, #tpu.memory_space<hbm>>) target(%arg9 : memref<128x128xf32, #tpu.memory_space<vmem>>) offsets(%dma_start3A_17 : memref<128xi32, #tpu.memory_space<vmem>>) semaphore(%arg10 : memref<!tpu.dma_semaphore, #tpu.memory_space<semaphore_mem>>)
      %dma_wait3A = arith.constant 0 : i32
      %dma_wait3A_21 = tpu.memref_slice %arg7[%scan3A_14, %dma_wait3A] : memref<79x128xi32, #tpu.memory_space<vmem>> -> memref<1x128xi32, #tpu.memory_space<vmem>>
      %dma_wait3A_22 = tpu.memref_squeeze %dma_wait3A_21 : memref<1x128xi32, #tpu.memory_space<vmem>> -> memref<128xi32, #tpu.memory_space<vmem>>
      %dma_wait3A_23 = arith.constant 0 : i32
      %dma_wait3A_24 = arith.constant 0 : i32
      %dma_wait3A_25 = tpu.memref_slice %arg2[%dma_wait3A_23, %dma_wait3A_24] : memref<2500x128xf32, #tpu.memory_space<hbm>> -> memref<2500x128xf32, #tpu.memory_space<hbm>>
      tpu.wait_indirect_dma semaphore(%arg10 : memref<!tpu.dma_semaphore, #tpu.memory_space<semaphore_mem>>) src(%dma_wait3A_25 : memref<2500x128xf32, #tpu.memory_space<hbm>>) dst(%arg9 : memref<128x128xf32, #tpu.memory_space<vmem>>)
      "tpu.region"() ({
        %run_scoped3A = tpu.sem_alloc : memref<!tpu.dma_semaphore, #tpu.memory_space<semaphore_mem>>
        %dma_start3A_27 = arith.constant 0 : i32
        %dma_start3A_28 = tpu.memref_slice %arg8[%scan3A_14, %dma_start3A_27] : memref<79x128xi32, #tpu.memory_space<vmem>> -> memref<1x128xi32, #tpu.memory_space<vmem>>
        %dma_start3A_29 = tpu.memref_squeeze %dma_start3A_28 : memref<1x128xi32, #tpu.memory_space<vmem>> -> memref<128xi32, #tpu.memory_space<vmem>>
        %dma_start3A_30 = arith.constant 0 : i32
        %dma_start3A_31 = arith.constant 0 : i32
        %dma_start3A_32 = tpu.memref_slice %arg11[%dma_start3A_30, %dma_start3A_31] : memref<10112x128xf32, #tpu.memory_space<vmem_shared>> -> memref<10112x128xf32, #tpu.memory_space<vmem_shared>>
        tpu.enqueue_indirect_dma source(%arg9 : memref<128x128xf32, #tpu.memory_space<vmem>>) target(%dma_start3A_32 : memref<10112x128xf32, #tpu.memory_space<vmem_shared>>) offsets(%dma_start3A_29 : memref<128xi32, #tpu.memory_space<vmem>>) semaphore(%run_scoped3A : memref<!tpu.dma_semaphore, #tpu.memory_space<semaphore_mem>>) {add = true}
        %dma_wait3A_33 = arith.constant 0 : i32
        %dma_wait3A_34 = tpu.memref_slice %arg8[%scan3A_14, %dma_wait3A_33] : memref<79x128xi32, #tpu.memory_space<vmem>> -> memref<1x128xi32, #tpu.memory_space<vmem>>
        %dma_wait3A_35 = tpu.memref_squeeze %dma_wait3A_34 : memref<1x128xi32, #tpu.memory_space<vmem>> -> memref<128xi32, #tpu.memory_space<vmem>>
        %dma_wait3A_36 = arith.constant 0 : i32
        %dma_wait3A_37 = arith.constant 0 : i32
        %dma_wait3A_38 = tpu.memref_slice %arg11[%dma_wait3A_36, %dma_wait3A_37] : memref<10112x128xf32, #tpu.memory_space<vmem_shared>> -> memref<10112x128xf32, #tpu.memory_space<vmem_shared>>
        tpu.wait_indirect_dma semaphore(%run_scoped3A : memref<!tpu.dma_semaphore, #tpu.memory_space<semaphore_mem>>) src(%arg9 : memref<128x128xf32, #tpu.memory_space<vmem>>) dst(%dma_wait3A_38 : memref<10112x128xf32, #tpu.memory_space<vmem_shared>>)
        tpu.yield
      }) : () -> ()
      %scan3A_26 = arith.constant 0 : i32
      scf.yield %scan3A_26 : i32
    }
    %scan3A_8 = arith.constant 79 : i32
    %barrier3A_9 = arith.constant 0 : index
    tpu.barrier barrier_id(%barrier3A_9)
    %mul3A_10 = arith.constant 632 : i32
    %mul3A_11 = arith.muli %arg1, %mul3A_10 : i32
    %mul3A_12 = arith.constant 632 : i32
    %mul3A_13 = arith.muli %arg1, %mul3A_12 : i32
    "tpu.region"() ({
      %run_scoped3A = tpu.sem_alloc : memref<!tpu.dma_semaphore, #tpu.memory_space<semaphore_mem>>
      %dma_start3A = arith.constant 0 : i32
      %dma_start3A_14 = tpu.memref_slice %arg6[%arg0, %mul3A_13, %dma_start3A] : memref<2x10112x128xf32, #tpu.memory_space<hbm>> -> memref<1x632x128xf32, #tpu.memory_space<hbm>>
      %dma_start3A_15 = tpu.memref_squeeze %dma_start3A_14 : memref<1x632x128xf32, #tpu.memory_space<hbm>> -> memref<632x128xf32, #tpu.memory_space<hbm>>
      %dma_start3A_16 = arith.constant 0 : i32
      %dma_start3A_17 = tpu.memref_slice %arg11[%mul3A_11, %dma_start3A_16] : memref<10112x128xf32, #tpu.memory_space<vmem_shared>> -> memref<632x128xf32, #tpu.memory_space<vmem_shared>>
      tpu.enqueue_dma source(%dma_start3A_17 : memref<632x128xf32, #tpu.memory_space<vmem_shared>>) target(%dma_start3A_15 : memref<632x128xf32, #tpu.memory_space<hbm>>) target_semaphore(%run_scoped3A : memref<!tpu.dma_semaphore, #tpu.memory_space<semaphore_mem>>)
      %dma_wait3A = arith.constant 0 : i32
      %dma_wait3A_18 = tpu.memref_slice %arg6[%arg0, %mul3A_13, %dma_wait3A] : memref<2x10112x128xf32, #tpu.memory_space<hbm>> -> memref<1x632x128xf32, #tpu.memory_space<hbm>>
      %dma_wait3A_19 = tpu.memref_squeeze %dma_wait3A_18 : memref<1x632x128xf32, #tpu.memory_space<hbm>> -> memref<632x128xf32, #tpu.memory_space<hbm>>
      %dma_wait3A_20 = arith.constant 0 : i32
      %dma_wait3A_21 = tpu.memref_slice %arg11[%mul3A_11, %dma_wait3A_20] : memref<10112x128xf32, #tpu.memory_space<vmem_shared>> -> memref<632x128xf32, #tpu.memory_space<vmem_shared>>
      tpu.wait_dma2 semaphore(%run_scoped3A : memref<!tpu.dma_semaphore, #tpu.memory_space<semaphore_mem>>) src(%dma_wait3A_21 : memref<632x128xf32, #tpu.memory_space<vmem_shared>>) dst(%dma_wait3A_19 : memref<632x128xf32, #tpu.memory_space<hbm>>)
      tpu.yield
    }) : () -> ()
    return
  }
}

#map = affine_map<(d0, d1) -> (0, 0)>
#map1 = affine_map<(d0, d1) -> (0, 0, 0, 0)>
#map2 = affine_map<(d0, d1) -> (0, 0, 0)>
module attributes {stable_mosaic.version = 14 : i64} {
  func.func @body(%arg0: i32, %arg1: i32, %arg2: memref<10000x128xf32, #tpu.memory_space<hbm>>, %arg3: memref<2x16x79x128xi32, #tpu.memory_space<hbm>>, %arg4: memref<2x16x79x128xi32, #tpu.memory_space<hbm>>, %arg5: memref<2560x128xf32, #tpu.memory_space<hbm>>, %arg6: memref<2x2560x128xf32, #tpu.memory_space<hbm>>, %arg7: memref<79x128xi32, #tpu.memory_space<vmem>>, %arg8: memref<79x128xi32, #tpu.memory_space<vmem>>, %arg9: memref<128x128xf32, #tpu.memory_space<vmem>>, %arg10: memref<!tpu.dma_semaphore, #tpu.memory_space<semaphore_mem>>, %arg11: memref<2560x128xf32, #tpu.memory_space<vmem_shared>>) attributes {dimension_semantics = [#tpu.dimension_semantics<core_parallel>, #tpu.dimension_semantics<subcore_parallel>], iteration_bounds = array<i64: 2, 16>, scalar_prefetch = 0 : i64, scratch_operands = 5 : i64, tpu.core_type = #tpu.core_type<sc_vector_subcore>, window_params = [{transform_indices = #map}, {transform_indices = #map1}, {transform_indices = #map1}, {transform_indices = #map}, {transform_indices = #map2}]} {
    "tpu.region"() ({
      %run_scoped3A = tpu.sem_alloc : memref<!tpu.dma_semaphore, #tpu.memory_space<semaphore_mem>>
      %dma_start3A = arith.constant 0 : i32
      %dma_start3A_14 = arith.constant 0 : i32
      %dma_start3A_15 = tpu.memref_slice %arg3[%arg0, %arg1, %dma_start3A, %dma_start3A_14] : memref<2x16x79x128xi32, #tpu.memory_space<hbm>> -> memref<1x1x79x128xi32, #tpu.memory_space<hbm>>
      %dma_start3A_16 = tpu.memref_squeeze %dma_start3A_15 : memref<1x1x79x128xi32, #tpu.memory_space<hbm>> -> memref<79x128xi32, #tpu.memory_space<hbm>>
      %dma_start3A_17 = arith.constant 0 : i32
      %dma_start3A_18 = arith.constant 0 : i32
      %dma_start3A_19 = tpu.memref_slice %arg3[%arg0, %arg1, %dma_start3A_17, %dma_start3A_18] : memref<2x16x79x128xi32, #tpu.memory_space<hbm>> -> memref<1x1x79x128xi32, #tpu.memory_space<hbm>>
      %dma_start3A_20 = tpu.memref_squeeze %dma_start3A_19 : memref<1x1x79x128xi32, #tpu.memory_space<hbm>> -> memref<79x128xi32, #tpu.memory_space<hbm>>
      tpu.enqueue_dma source(%dma_start3A_20 : memref<79x128xi32, #tpu.memory_space<hbm>>) target(%arg7 : memref<79x128xi32, #tpu.memory_space<vmem>>) target_semaphore(%run_scoped3A : memref<!tpu.dma_semaphore, #tpu.memory_space<semaphore_mem>>)
      %dma_wait3A = arith.constant 0 : i32
      %dma_wait3A_21 = arith.constant 0 : i32
      %dma_wait3A_22 = tpu.memref_slice %arg3[%arg0, %arg1, %dma_wait3A, %dma_wait3A_21] : memref<2x16x79x128xi32, #tpu.memory_space<hbm>> -> memref<1x1x79x128xi32, #tpu.memory_space<hbm>>
      %dma_wait3A_23 = tpu.memref_squeeze %dma_wait3A_22 : memref<1x1x79x128xi32, #tpu.memory_space<hbm>> -> memref<79x128xi32, #tpu.memory_space<hbm>>
      %dma_wait3A_24 = arith.constant 0 : i32
      %dma_wait3A_25 = arith.constant 0 : i32
      %dma_wait3A_26 = tpu.memref_slice %arg3[%arg0, %arg1, %dma_wait3A_24, %dma_wait3A_25] : memref<2x16x79x128xi32, #tpu.memory_space<hbm>> -> memref<1x1x79x128xi32, #tpu.memory_space<hbm>>
      %dma_wait3A_27 = tpu.memref_squeeze %dma_wait3A_26 : memref<1x1x79x128xi32, #tpu.memory_space<hbm>> -> memref<79x128xi32, #tpu.memory_space<hbm>>
      tpu.wait_dma2 semaphore(%run_scoped3A : memref<!tpu.dma_semaphore, #tpu.memory_space<semaphore_mem>>) src(%dma_wait3A_27 : memref<79x128xi32, #tpu.memory_space<hbm>>) dst(%arg7 : memref<79x128xi32, #tpu.memory_space<vmem>>)
      tpu.yield
    }) : () -> ()
    "tpu.region"() ({
      %run_scoped3A = tpu.sem_alloc : memref<!tpu.dma_semaphore, #tpu.memory_space<semaphore_mem>>
      %dma_start3A = arith.constant 0 : i32
      %dma_start3A_14 = arith.constant 0 : i32
      %dma_start3A_15 = tpu.memref_slice %arg4[%arg0, %arg1, %dma_start3A, %dma_start3A_14] : memref<2x16x79x128xi32, #tpu.memory_space<hbm>> -> memref<1x1x79x128xi32, #tpu.memory_space<hbm>>
      %dma_start3A_16 = tpu.memref_squeeze %dma_start3A_15 : memref<1x1x79x128xi32, #tpu.memory_space<hbm>> -> memref<79x128xi32, #tpu.memory_space<hbm>>
      %dma_start3A_17 = arith.constant 0 : i32
      %dma_start3A_18 = arith.constant 0 : i32
      %dma_start3A_19 = tpu.memref_slice %arg4[%arg0, %arg1, %dma_start3A_17, %dma_start3A_18] : memref<2x16x79x128xi32, #tpu.memory_space<hbm>> -> memref<1x1x79x128xi32, #tpu.memory_space<hbm>>
      %dma_start3A_20 = tpu.memref_squeeze %dma_start3A_19 : memref<1x1x79x128xi32, #tpu.memory_space<hbm>> -> memref<79x128xi32, #tpu.memory_space<hbm>>
      tpu.enqueue_dma source(%dma_start3A_20 : memref<79x128xi32, #tpu.memory_space<hbm>>) target(%arg8 : memref<79x128xi32, #tpu.memory_space<vmem>>) target_semaphore(%run_scoped3A : memref<!tpu.dma_semaphore, #tpu.memory_space<semaphore_mem>>)
      %dma_wait3A = arith.constant 0 : i32
      %dma_wait3A_21 = arith.constant 0 : i32
      %dma_wait3A_22 = tpu.memref_slice %arg4[%arg0, %arg1, %dma_wait3A, %dma_wait3A_21] : memref<2x16x79x128xi32, #tpu.memory_space<hbm>> -> memref<1x1x79x128xi32, #tpu.memory_space<hbm>>
      %dma_wait3A_23 = tpu.memref_squeeze %dma_wait3A_22 : memref<1x1x79x128xi32, #tpu.memory_space<hbm>> -> memref<79x128xi32, #tpu.memory_space<hbm>>
      %dma_wait3A_24 = arith.constant 0 : i32
      %dma_wait3A_25 = arith.constant 0 : i32
      %dma_wait3A_26 = tpu.memref_slice %arg4[%arg0, %arg1, %dma_wait3A_24, %dma_wait3A_25] : memref<2x16x79x128xi32, #tpu.memory_space<hbm>> -> memref<1x1x79x128xi32, #tpu.memory_space<hbm>>
      %dma_wait3A_27 = tpu.memref_squeeze %dma_wait3A_26 : memref<1x1x79x128xi32, #tpu.memory_space<hbm>> -> memref<79x128xi32, #tpu.memory_space<hbm>>
      tpu.wait_dma2 semaphore(%run_scoped3A : memref<!tpu.dma_semaphore, #tpu.memory_space<semaphore_mem>>) src(%dma_wait3A_27 : memref<79x128xi32, #tpu.memory_space<hbm>>) dst(%arg8 : memref<79x128xi32, #tpu.memory_space<vmem>>)
      tpu.yield
    }) : () -> ()
    %mul3A = arith.constant 160 : i32
    %mul3A_0 = arith.muli %arg1, %mul3A : i32
    %mul3A_1 = arith.constant 160 : i32
    %mul3A_2 = arith.muli %arg1, %mul3A_1 : i32
    "tpu.region"() ({
      %run_scoped3A = tpu.sem_alloc : memref<!tpu.dma_semaphore, #tpu.memory_space<semaphore_mem>>
      %dma_start3A = arith.constant 0 : i32
      %dma_start3A_14 = tpu.memref_slice %arg11[%mul3A_2, %dma_start3A] : memref<2560x128xf32, #tpu.memory_space<vmem_shared>> -> memref<160x128xf32, #tpu.memory_space<vmem_shared>>
      %dma_start3A_15 = arith.constant 0 : i32
      %dma_start3A_16 = tpu.memref_slice %arg5[%mul3A_0, %dma_start3A_15] : memref<2560x128xf32, #tpu.memory_space<hbm>> -> memref<160x128xf32, #tpu.memory_space<hbm>>
      tpu.enqueue_dma source(%dma_start3A_16 : memref<160x128xf32, #tpu.memory_space<hbm>>) target(%dma_start3A_14 : memref<160x128xf32, #tpu.memory_space<vmem_shared>>) target_semaphore(%run_scoped3A : memref<!tpu.dma_semaphore, #tpu.memory_space<semaphore_mem>>)
      %dma_wait3A = arith.constant 0 : i32
      %dma_wait3A_17 = tpu.memref_slice %arg11[%mul3A_2, %dma_wait3A] : memref<2560x128xf32, #tpu.memory_space<vmem_shared>> -> memref<160x128xf32, #tpu.memory_space<vmem_shared>>
      %dma_wait3A_18 = arith.constant 0 : i32
      %dma_wait3A_19 = tpu.memref_slice %arg5[%mul3A_0, %dma_wait3A_18] : memref<2560x128xf32, #tpu.memory_space<hbm>> -> memref<160x128xf32, #tpu.memory_space<hbm>>
      tpu.wait_dma2 semaphore(%run_scoped3A : memref<!tpu.dma_semaphore, #tpu.memory_space<semaphore_mem>>) src(%dma_wait3A_19 : memref<160x128xf32, #tpu.memory_space<hbm>>) dst(%dma_wait3A_17 : memref<160x128xf32, #tpu.memory_space<vmem_shared>>)
      tpu.yield
    }) : () -> ()
    %barrier3A = arith.constant 0 : index
    tpu.barrier barrier_id(%barrier3A)
    %scan3A = arith.constant 0 : i32
    %scan3A_3 = arith.constant 0 : i32
    %scan3A_4 = arith.constant 79 : i32
    %scan3A_5 = arith.addi %scan3A_3, %scan3A_4 : i32
    %scan3A_6 = arith.constant 1 : i32
    %scan3A_7 = scf.for %scan3A_14 = %scan3A_3 to %scan3A_5 step %scan3A_6 iter_args(%scan3A_15 = %scan3A) -> (i32)  : i32 {
      %dma_start3A = arith.constant 0 : i32
      %dma_start3A_16 = tpu.memref_slice %arg7[%scan3A_14, %dma_start3A] : memref<79x128xi32, #tpu.memory_space<vmem>> -> memref<1x128xi32, #tpu.memory_space<vmem>>
      %dma_start3A_17 = tpu.memref_squeeze %dma_start3A_16 : memref<1x128xi32, #tpu.memory_space<vmem>> -> memref<128xi32, #tpu.memory_space<vmem>>
      %dma_start3A_18 = arith.constant 0 : i32
      %dma_start3A_19 = arith.constant 0 : i32
      %dma_start3A_20 = tpu.memref_slice %arg2[%dma_start3A_18, %dma_start3A_19] : memref<10000x128xf32, #tpu.memory_space<hbm>> -> memref<10000x128xf32, #tpu.memory_space<hbm>>
      tpu.enqueue_indirect_dma source(%dma_start3A_20 : memref<10000x128xf32, #tpu.memory_space<hbm>>) target(%arg9 : memref<128x128xf32, #tpu.memory_space<vmem>>) offsets(%dma_start3A_17 : memref<128xi32, #tpu.memory_space<vmem>>) semaphore(%arg10 : memref<!tpu.dma_semaphore, #tpu.memory_space<semaphore_mem>>)
      %dma_wait3A = arith.constant 0 : i32
      %dma_wait3A_21 = tpu.memref_slice %arg7[%scan3A_14, %dma_wait3A] : memref<79x128xi32, #tpu.memory_space<vmem>> -> memref<1x128xi32, #tpu.memory_space<vmem>>
      %dma_wait3A_22 = tpu.memref_squeeze %dma_wait3A_21 : memref<1x128xi32, #tpu.memory_space<vmem>> -> memref<128xi32, #tpu.memory_space<vmem>>
      %dma_wait3A_23 = arith.constant 0 : i32
      %dma_wait3A_24 = arith.constant 0 : i32
      %dma_wait3A_25 = tpu.memref_slice %arg2[%dma_wait3A_23, %dma_wait3A_24] : memref<10000x128xf32, #tpu.memory_space<hbm>> -> memref<10000x128xf32, #tpu.memory_space<hbm>>
      tpu.wait_indirect_dma semaphore(%arg10 : memref<!tpu.dma_semaphore, #tpu.memory_space<semaphore_mem>>) src(%dma_wait3A_25 : memref<10000x128xf32, #tpu.memory_space<hbm>>) dst(%arg9 : memref<128x128xf32, #tpu.memory_space<vmem>>)
      "tpu.region"() ({
        %run_scoped3A = tpu.sem_alloc : memref<!tpu.dma_semaphore, #tpu.memory_space<semaphore_mem>>
        %dma_start3A_27 = arith.constant 0 : i32
        %dma_start3A_28 = tpu.memref_slice %arg8[%scan3A_14, %dma_start3A_27] : memref<79x128xi32, #tpu.memory_space<vmem>> -> memref<1x128xi32, #tpu.memory_space<vmem>>
        %dma_start3A_29 = tpu.memref_squeeze %dma_start3A_28 : memref<1x128xi32, #tpu.memory_space<vmem>> -> memref<128xi32, #tpu.memory_space<vmem>>
        %dma_start3A_30 = arith.constant 0 : i32
        %dma_start3A_31 = arith.constant 0 : i32
        %dma_start3A_32 = tpu.memref_slice %arg11[%dma_start3A_30, %dma_start3A_31] : memref<2560x128xf32, #tpu.memory_space<vmem_shared>> -> memref<2560x128xf32, #tpu.memory_space<vmem_shared>>
        tpu.enqueue_indirect_dma source(%arg9 : memref<128x128xf32, #tpu.memory_space<vmem>>) target(%dma_start3A_32 : memref<2560x128xf32, #tpu.memory_space<vmem_shared>>) offsets(%dma_start3A_29 : memref<128xi32, #tpu.memory_space<vmem>>) semaphore(%run_scoped3A : memref<!tpu.dma_semaphore, #tpu.memory_space<semaphore_mem>>) {add = true}
        %dma_wait3A_33 = arith.constant 0 : i32
        %dma_wait3A_34 = tpu.memref_slice %arg8[%scan3A_14, %dma_wait3A_33] : memref<79x128xi32, #tpu.memory_space<vmem>> -> memref<1x128xi32, #tpu.memory_space<vmem>>
        %dma_wait3A_35 = tpu.memref_squeeze %dma_wait3A_34 : memref<1x128xi32, #tpu.memory_space<vmem>> -> memref<128xi32, #tpu.memory_space<vmem>>
        %dma_wait3A_36 = arith.constant 0 : i32
        %dma_wait3A_37 = arith.constant 0 : i32
        %dma_wait3A_38 = tpu.memref_slice %arg11[%dma_wait3A_36, %dma_wait3A_37] : memref<2560x128xf32, #tpu.memory_space<vmem_shared>> -> memref<2560x128xf32, #tpu.memory_space<vmem_shared>>
        tpu.wait_indirect_dma semaphore(%run_scoped3A : memref<!tpu.dma_semaphore, #tpu.memory_space<semaphore_mem>>) src(%arg9 : memref<128x128xf32, #tpu.memory_space<vmem>>) dst(%dma_wait3A_38 : memref<2560x128xf32, #tpu.memory_space<vmem_shared>>)
        tpu.yield
      }) : () -> ()
      %scan3A_26 = arith.constant 0 : i32
      scf.yield %scan3A_26 : i32
    }
    %scan3A_8 = arith.constant 79 : i32
    %barrier3A_9 = arith.constant 0 : index
    tpu.barrier barrier_id(%barrier3A_9)
    %mul3A_10 = arith.constant 160 : i32
    %mul3A_11 = arith.muli %arg1, %mul3A_10 : i32
    %mul3A_12 = arith.constant 160 : i32
    %mul3A_13 = arith.muli %arg1, %mul3A_12 : i32
    "tpu.region"() ({
      %run_scoped3A = tpu.sem_alloc : memref<!tpu.dma_semaphore, #tpu.memory_space<semaphore_mem>>
      %dma_start3A = arith.constant 0 : i32
      %dma_start3A_14 = tpu.memref_slice %arg6[%arg0, %mul3A_13, %dma_start3A] : memref<2x2560x128xf32, #tpu.memory_space<hbm>> -> memref<1x160x128xf32, #tpu.memory_space<hbm>>
      %dma_start3A_15 = tpu.memref_squeeze %dma_start3A_14 : memref<1x160x128xf32, #tpu.memory_space<hbm>> -> memref<160x128xf32, #tpu.memory_space<hbm>>
      %dma_start3A_16 = arith.constant 0 : i32
      %dma_start3A_17 = tpu.memref_slice %arg11[%mul3A_11, %dma_start3A_16] : memref<2560x128xf32, #tpu.memory_space<vmem_shared>> -> memref<160x128xf32, #tpu.memory_space<vmem_shared>>
      tpu.enqueue_dma source(%dma_start3A_17 : memref<160x128xf32, #tpu.memory_space<vmem_shared>>) target(%dma_start3A_15 : memref<160x128xf32, #tpu.memory_space<hbm>>) target_semaphore(%run_scoped3A : memref<!tpu.dma_semaphore, #tpu.memory_space<semaphore_mem>>)
      %dma_wait3A = arith.constant 0 : i32
      %dma_wait3A_18 = tpu.memref_slice %arg6[%arg0, %mul3A_13, %dma_wait3A] : memref<2x2560x128xf32, #tpu.memory_space<hbm>> -> memref<1x160x128xf32, #tpu.memory_space<hbm>>
      %dma_wait3A_19 = tpu.memref_squeeze %dma_wait3A_18 : memref<1x160x128xf32, #tpu.memory_space<hbm>> -> memref<160x128xf32, #tpu.memory_space<hbm>>
      %dma_wait3A_20 = arith.constant 0 : i32
      %dma_wait3A_21 = tpu.memref_slice %arg11[%mul3A_11, %dma_wait3A_20] : memref<2560x128xf32, #tpu.memory_space<vmem_shared>> -> memref<160x128xf32, #tpu.memory_space<vmem_shared>>
      tpu.wait_dma2 semaphore(%run_scoped3A : memref<!tpu.dma_semaphore, #tpu.memory_space<semaphore_mem>>) src(%dma_wait3A_21 : memref<160x128xf32, #tpu.memory_space<vmem_shared>>) dst(%dma_wait3A_19 : memref<160x128xf32, #tpu.memory_space<hbm>>)
      tpu.yield
    }) : () -> ()
    return
  }
}

#map = affine_map<(d0, d1) -> (0, 0)>
#map1 = affine_map<(d0, d1) -> (0, 0, 0, 0)>
#map2 = affine_map<(d0, d1) -> (0, 0, 0)>
module attributes {stable_mosaic.version = 14 : i64} {
  func.func @body(%arg0: i32, %arg1: i32, %arg2: memref<10000x128xf32, #tpu.memory_space<hbm>>, %arg3: memref<2x16x79x128xi32, #tpu.memory_space<hbm>>, %arg4: memref<2x16x79x128xi32, #tpu.memory_space<hbm>>, %arg5: memref<2560x128xf32, #tpu.memory_space<hbm>>, %arg6: memref<2x2560x128xf32, #tpu.memory_space<hbm>>, %arg7: memref<79x128xi32, #tpu.memory_space<vmem>>, %arg8: memref<79x128xi32, #tpu.memory_space<vmem>>, %arg9: memref<128x128xf32, #tpu.memory_space<vmem>>, %arg10: memref<!tpu.dma_semaphore, #tpu.memory_space<semaphore_mem>>, %arg11: memref<2560x128xf32, #tpu.memory_space<vmem_shared>>) attributes {dimension_semantics = [#tpu.dimension_semantics<core_parallel>, #tpu.dimension_semantics<subcore_parallel>], iteration_bounds = array<i64: 2, 16>, scalar_prefetch = 0 : i64, scratch_operands = 5 : i64, tpu.core_type = #tpu.core_type<sc_vector_subcore>, window_params = [{transform_indices = #map}, {transform_indices = #map1}, {transform_indices = #map1}, {transform_indices = #map}, {transform_indices = #map2}]} {
    "tpu.region"() ({
      %run_scoped3A = tpu.sem_alloc : memref<!tpu.dma_semaphore, #tpu.memory_space<semaphore_mem>>
      %dma_start3A = arith.constant 0 : i32
      %dma_start3A_14 = arith.constant 0 : i32
      %dma_start3A_15 = tpu.memref_slice %arg3[%arg0, %arg1, %dma_start3A, %dma_start3A_14] : memref<2x16x79x128xi32, #tpu.memory_space<hbm>> -> memref<1x1x79x128xi32, #tpu.memory_space<hbm>>
      %dma_start3A_16 = tpu.memref_squeeze %dma_start3A_15 : memref<1x1x79x128xi32, #tpu.memory_space<hbm>> -> memref<79x128xi32, #tpu.memory_space<hbm>>
      %dma_start3A_17 = arith.constant 0 : i32
      %dma_start3A_18 = arith.constant 0 : i32
      %dma_start3A_19 = tpu.memref_slice %arg3[%arg0, %arg1, %dma_start3A_17, %dma_start3A_18] : memref<2x16x79x128xi32, #tpu.memory_space<hbm>> -> memref<1x1x79x128xi32, #tpu.memory_space<hbm>>
      %dma_start3A_20 = tpu.memref_squeeze %dma_start3A_19 : memref<1x1x79x128xi32, #tpu.memory_space<hbm>> -> memref<79x128xi32, #tpu.memory_space<hbm>>
      tpu.enqueue_dma source(%dma_start3A_20 : memref<79x128xi32, #tpu.memory_space<hbm>>) target(%arg7 : memref<79x128xi32, #tpu.memory_space<vmem>>) target_semaphore(%run_scoped3A : memref<!tpu.dma_semaphore, #tpu.memory_space<semaphore_mem>>)
      %dma_wait3A = arith.constant 0 : i32
      %dma_wait3A_21 = arith.constant 0 : i32
      %dma_wait3A_22 = tpu.memref_slice %arg3[%arg0, %arg1, %dma_wait3A, %dma_wait3A_21] : memref<2x16x79x128xi32, #tpu.memory_space<hbm>> -> memref<1x1x79x128xi32, #tpu.memory_space<hbm>>
      %dma_wait3A_23 = tpu.memref_squeeze %dma_wait3A_22 : memref<1x1x79x128xi32, #tpu.memory_space<hbm>> -> memref<79x128xi32, #tpu.memory_space<hbm>>
      %dma_wait3A_24 = arith.constant 0 : i32
      %dma_wait3A_25 = arith.constant 0 : i32
      %dma_wait3A_26 = tpu.memref_slice %arg3[%arg0, %arg1, %dma_wait3A_24, %dma_wait3A_25] : memref<2x16x79x128xi32, #tpu.memory_space<hbm>> -> memref<1x1x79x128xi32, #tpu.memory_space<hbm>>
      %dma_wait3A_27 = tpu.memref_squeeze %dma_wait3A_26 : memref<1x1x79x128xi32, #tpu.memory_space<hbm>> -> memref<79x128xi32, #tpu.memory_space<hbm>>
      tpu.wait_dma2 semaphore(%run_scoped3A : memref<!tpu.dma_semaphore, #tpu.memory_space<semaphore_mem>>) src(%dma_wait3A_27 : memref<79x128xi32, #tpu.memory_space<hbm>>) dst(%arg7 : memref<79x128xi32, #tpu.memory_space<vmem>>)
      tpu.yield
    }) : () -> ()
    "tpu.region"() ({
      %run_scoped3A = tpu.sem_alloc : memref<!tpu.dma_semaphore, #tpu.memory_space<semaphore_mem>>
      %dma_start3A = arith.constant 0 : i32
      %dma_start3A_14 = arith.constant 0 : i32
      %dma_start3A_15 = tpu.memref_slice %arg4[%arg0, %arg1, %dma_start3A, %dma_start3A_14] : memref<2x16x79x128xi32, #tpu.memory_space<hbm>> -> memref<1x1x79x128xi32, #tpu.memory_space<hbm>>
      %dma_start3A_16 = tpu.memref_squeeze %dma_start3A_15 : memref<1x1x79x128xi32, #tpu.memory_space<hbm>> -> memref<79x128xi32, #tpu.memory_space<hbm>>
      %dma_start3A_17 = arith.constant 0 : i32
      %dma_start3A_18 = arith.constant 0 : i32
      %dma_start3A_19 = tpu.memref_slice %arg4[%arg0, %arg1, %dma_start3A_17, %dma_start3A_18] : memref<2x16x79x128xi32, #tpu.memory_space<hbm>> -> memref<1x1x79x128xi32, #tpu.memory_space<hbm>>
      %dma_start3A_20 = tpu.memref_squeeze %dma_start3A_19 : memref<1x1x79x128xi32, #tpu.memory_space<hbm>> -> memref<79x128xi32, #tpu.memory_space<hbm>>
      tpu.enqueue_dma source(%dma_start3A_20 : memref<79x128xi32, #tpu.memory_space<hbm>>) target(%arg8 : memref<79x128xi32, #tpu.memory_space<vmem>>) target_semaphore(%run_scoped3A : memref<!tpu.dma_semaphore, #tpu.memory_space<semaphore_mem>>)
      %dma_wait3A = arith.constant 0 : i32
      %dma_wait3A_21 = arith.constant 0 : i32
      %dma_wait3A_22 = tpu.memref_slice %arg4[%arg0, %arg1, %dma_wait3A, %dma_wait3A_21] : memref<2x16x79x128xi32, #tpu.memory_space<hbm>> -> memref<1x1x79x128xi32, #tpu.memory_space<hbm>>
      %dma_wait3A_23 = tpu.memref_squeeze %dma_wait3A_22 : memref<1x1x79x128xi32, #tpu.memory_space<hbm>> -> memref<79x128xi32, #tpu.memory_space<hbm>>
      %dma_wait3A_24 = arith.constant 0 : i32
      %dma_wait3A_25 = arith.constant 0 : i32
      %dma_wait3A_26 = tpu.memref_slice %arg4[%arg0, %arg1, %dma_wait3A_24, %dma_wait3A_25] : memref<2x16x79x128xi32, #tpu.memory_space<hbm>> -> memref<1x1x79x128xi32, #tpu.memory_space<hbm>>
      %dma_wait3A_27 = tpu.memref_squeeze %dma_wait3A_26 : memref<1x1x79x128xi32, #tpu.memory_space<hbm>> -> memref<79x128xi32, #tpu.memory_space<hbm>>
      tpu.wait_dma2 semaphore(%run_scoped3A : memref<!tpu.dma_semaphore, #tpu.memory_space<semaphore_mem>>) src(%dma_wait3A_27 : memref<79x128xi32, #tpu.memory_space<hbm>>) dst(%arg8 : memref<79x128xi32, #tpu.memory_space<vmem>>)
      tpu.yield
    }) : () -> ()
    %mul3A = arith.constant 160 : i32
    %mul3A_0 = arith.muli %arg1, %mul3A : i32
    %mul3A_1 = arith.constant 160 : i32
    %mul3A_2 = arith.muli %arg1, %mul3A_1 : i32
    "tpu.region"() ({
      %run_scoped3A = tpu.sem_alloc : memref<!tpu.dma_semaphore, #tpu.memory_space<semaphore_mem>>
      %dma_start3A = arith.constant 0 : i32
      %dma_start3A_14 = tpu.memref_slice %arg11[%mul3A_2, %dma_start3A] : memref<2560x128xf32, #tpu.memory_space<vmem_shared>> -> memref<160x128xf32, #tpu.memory_space<vmem_shared>>
      %dma_start3A_15 = arith.constant 0 : i32
      %dma_start3A_16 = tpu.memref_slice %arg5[%mul3A_0, %dma_start3A_15] : memref<2560x128xf32, #tpu.memory_space<hbm>> -> memref<160x128xf32, #tpu.memory_space<hbm>>
      tpu.enqueue_dma source(%dma_start3A_16 : memref<160x128xf32, #tpu.memory_space<hbm>>) target(%dma_start3A_14 : memref<160x128xf32, #tpu.memory_space<vmem_shared>>) target_semaphore(%run_scoped3A : memref<!tpu.dma_semaphore, #tpu.memory_space<semaphore_mem>>)
      %dma_wait3A = arith.constant 0 : i32
      %dma_wait3A_17 = tpu.memref_slice %arg11[%mul3A_2, %dma_wait3A] : memref<2560x128xf32, #tpu.memory_space<vmem_shared>> -> memref<160x128xf32, #tpu.memory_space<vmem_shared>>
      %dma_wait3A_18 = arith.constant 0 : i32
      %dma_wait3A_19 = tpu.memref_slice %arg5[%mul3A_0, %dma_wait3A_18] : memref<2560x128xf32, #tpu.memory_space<hbm>> -> memref<160x128xf32, #tpu.memory_space<hbm>>
      tpu.wait_dma2 semaphore(%run_scoped3A : memref<!tpu.dma_semaphore, #tpu.memory_space<semaphore_mem>>) src(%dma_wait3A_19 : memref<160x128xf32, #tpu.memory_space<hbm>>) dst(%dma_wait3A_17 : memref<160x128xf32, #tpu.memory_space<vmem_shared>>)
      tpu.yield
    }) : () -> ()
    %barrier3A = arith.constant 0 : index
    tpu.barrier barrier_id(%barrier3A)
    %scan3A = arith.constant 0 : i32
    %scan3A_3 = arith.constant 0 : i32
    %scan3A_4 = arith.constant 79 : i32
    %scan3A_5 = arith.addi %scan3A_3, %scan3A_4 : i32
    %scan3A_6 = arith.constant 1 : i32
    %scan3A_7 = scf.for %scan3A_14 = %scan3A_3 to %scan3A_5 step %scan3A_6 iter_args(%scan3A_15 = %scan3A) -> (i32)  : i32 {
      %dma_start3A = arith.constant 0 : i32
      %dma_start3A_16 = tpu.memref_slice %arg7[%scan3A_14, %dma_start3A] : memref<79x128xi32, #tpu.memory_space<vmem>> -> memref<1x128xi32, #tpu.memory_space<vmem>>
      %dma_start3A_17 = tpu.memref_squeeze %dma_start3A_16 : memref<1x128xi32, #tpu.memory_space<vmem>> -> memref<128xi32, #tpu.memory_space<vmem>>
      %dma_start3A_18 = arith.constant 0 : i32
      %dma_start3A_19 = arith.constant 0 : i32
      %dma_start3A_20 = tpu.memref_slice %arg2[%dma_start3A_18, %dma_start3A_19] : memref<10000x128xf32, #tpu.memory_space<hbm>> -> memref<10000x128xf32, #tpu.memory_space<hbm>>
      tpu.enqueue_indirect_dma source(%dma_start3A_20 : memref<10000x128xf32, #tpu.memory_space<hbm>>) target(%arg9 : memref<128x128xf32, #tpu.memory_space<vmem>>) offsets(%dma_start3A_17 : memref<128xi32, #tpu.memory_space<vmem>>) semaphore(%arg10 : memref<!tpu.dma_semaphore, #tpu.memory_space<semaphore_mem>>)
      %dma_wait3A = arith.constant 0 : i32
      %dma_wait3A_21 = tpu.memref_slice %arg7[%scan3A_14, %dma_wait3A] : memref<79x128xi32, #tpu.memory_space<vmem>> -> memref<1x128xi32, #tpu.memory_space<vmem>>
      %dma_wait3A_22 = tpu.memref_squeeze %dma_wait3A_21 : memref<1x128xi32, #tpu.memory_space<vmem>> -> memref<128xi32, #tpu.memory_space<vmem>>
      %dma_wait3A_23 = arith.constant 0 : i32
      %dma_wait3A_24 = arith.constant 0 : i32
      %dma_wait3A_25 = tpu.memref_slice %arg2[%dma_wait3A_23, %dma_wait3A_24] : memref<10000x128xf32, #tpu.memory_space<hbm>> -> memref<10000x128xf32, #tpu.memory_space<hbm>>
      tpu.wait_indirect_dma semaphore(%arg10 : memref<!tpu.dma_semaphore, #tpu.memory_space<semaphore_mem>>) src(%dma_wait3A_25 : memref<10000x128xf32, #tpu.memory_space<hbm>>) dst(%arg9 : memref<128x128xf32, #tpu.memory_space<vmem>>)
      "tpu.region"() ({
        %run_scoped3A = tpu.sem_alloc : memref<!tpu.dma_semaphore, #tpu.memory_space<semaphore_mem>>
        %dma_start3A_27 = arith.constant 0 : i32
        %dma_start3A_28 = tpu.memref_slice %arg8[%scan3A_14, %dma_start3A_27] : memref<79x128xi32, #tpu.memory_space<vmem>> -> memref<1x128xi32, #tpu.memory_space<vmem>>
        %dma_start3A_29 = tpu.memref_squeeze %dma_start3A_28 : memref<1x128xi32, #tpu.memory_space<vmem>> -> memref<128xi32, #tpu.memory_space<vmem>>
        %dma_start3A_30 = arith.constant 0 : i32
        %dma_start3A_31 = arith.constant 0 : i32
        %dma_start3A_32 = tpu.memref_slice %arg11[%dma_start3A_30, %dma_start3A_31] : memref<2560x128xf32, #tpu.memory_space<vmem_shared>> -> memref<2560x128xf32, #tpu.memory_space<vmem_shared>>
        tpu.enqueue_indirect_dma source(%arg9 : memref<128x128xf32, #tpu.memory_space<vmem>>) target(%dma_start3A_32 : memref<2560x128xf32, #tpu.memory_space<vmem_shared>>) offsets(%dma_start3A_29 : memref<128xi32, #tpu.memory_space<vmem>>) semaphore(%run_scoped3A : memref<!tpu.dma_semaphore, #tpu.memory_space<semaphore_mem>>) {add = true}
        %dma_wait3A_33 = arith.constant 0 : i32
        %dma_wait3A_34 = tpu.memref_slice %arg8[%scan3A_14, %dma_wait3A_33] : memref<79x128xi32, #tpu.memory_space<vmem>> -> memref<1x128xi32, #tpu.memory_space<vmem>>
        %dma_wait3A_35 = tpu.memref_squeeze %dma_wait3A_34 : memref<1x128xi32, #tpu.memory_space<vmem>> -> memref<128xi32, #tpu.memory_space<vmem>>
        %dma_wait3A_36 = arith.constant 0 : i32
        %dma_wait3A_37 = arith.constant 0 : i32
        %dma_wait3A_38 = tpu.memref_slice %arg11[%dma_wait3A_36, %dma_wait3A_37] : memref<2560x128xf32, #tpu.memory_space<vmem_shared>> -> memref<2560x128xf32, #tpu.memory_space<vmem_shared>>
        tpu.wait_indirect_dma semaphore(%run_scoped3A : memref<!tpu.dma_semaphore, #tpu.memory_space<semaphore_mem>>) src(%arg9 : memref<128x128xf32, #tpu.memory_space<vmem>>) dst(%dma_wait3A_38 : memref<2560x128xf32, #tpu.memory_space<vmem_shared>>)
        tpu.yield
      }) : () -> ()
      %scan3A_26 = arith.constant 0 : i32
      scf.yield %scan3A_26 : i32
    }
    %scan3A_8 = arith.constant 79 : i32
    %barrier3A_9 = arith.constant 0 : index
    tpu.barrier barrier_id(%barrier3A_9)
    %mul3A_10 = arith.constant 160 : i32
    %mul3A_11 = arith.muli %arg1, %mul3A_10 : i32
    %mul3A_12 = arith.constant 160 : i32
    %mul3A_13 = arith.muli %arg1, %mul3A_12 : i32
    "tpu.region"() ({
      %run_scoped3A = tpu.sem_alloc : memref<!tpu.dma_semaphore, #tpu.memory_space<semaphore_mem>>
      %dma_start3A = arith.constant 0 : i32
      %dma_start3A_14 = tpu.memref_slice %arg6[%arg0, %mul3A_13, %dma_start3A] : memref<2x2560x128xf32, #tpu.memory_space<hbm>> -> memref<1x160x128xf32, #tpu.memory_space<hbm>>
      %dma_start3A_15 = tpu.memref_squeeze %dma_start3A_14 : memref<1x160x128xf32, #tpu.memory_space<hbm>> -> memref<160x128xf32, #tpu.memory_space<hbm>>
      %dma_start3A_16 = arith.constant 0 : i32
      %dma_start3A_17 = tpu.memref_slice %arg11[%mul3A_11, %dma_start3A_16] : memref<2560x128xf32, #tpu.memory_space<vmem_shared>> -> memref<160x128xf32, #tpu.memory_space<vmem_shared>>
      tpu.enqueue_dma source(%dma_start3A_17 : memref<160x128xf32, #tpu.memory_space<vmem_shared>>) target(%dma_start3A_15 : memref<160x128xf32, #tpu.memory_space<hbm>>) target_semaphore(%run_scoped3A : memref<!tpu.dma_semaphore, #tpu.memory_space<semaphore_mem>>)
      %dma_wait3A = arith.constant 0 : i32
      %dma_wait3A_18 = tpu.memref_slice %arg6[%arg0, %mul3A_13, %dma_wait3A] : memref<2x2560x128xf32, #tpu.memory_space<hbm>> -> memref<1x160x128xf32, #tpu.memory_space<hbm>>
      %dma_wait3A_19 = tpu.memref_squeeze %dma_wait3A_18 : memref<1x160x128xf32, #tpu.memory_space<hbm>> -> memref<160x128xf32, #tpu.memory_space<hbm>>
      %dma_wait3A_20 = arith.constant 0 : i32
      %dma_wait3A_21 = tpu.memref_slice %arg11[%mul3A_11, %dma_wait3A_20] : memref<2560x128xf32, #tpu.memory_space<vmem_shared>> -> memref<160x128xf32, #tpu.memory_space<vmem_shared>>
      tpu.wait_dma2 semaphore(%run_scoped3A : memref<!tpu.dma_semaphore, #tpu.memory_space<semaphore_mem>>) src(%dma_wait3A_21 : memref<160x128xf32, #tpu.memory_space<vmem_shared>>) dst(%dma_wait3A_19 : memref<160x128xf32, #tpu.memory_space<hbm>>)
      tpu.yield
    }) : () -> ()
    return
  }
}

#map = affine_map<(d0, d1) -> (0, 0)>
#map1 = affine_map<(d0, d1) -> (0, 0, 0, 0)>
#map2 = affine_map<(d0, d1) -> (0, 0, 0)>
module attributes {stable_mosaic.version = 14 : i64} {
  func.func @body(%arg0: i32, %arg1: i32, %arg2: memref<2500x128xf32, #tpu.memory_space<hbm>>, %arg3: memref<2x16x79x128xi32, #tpu.memory_space<hbm>>, %arg4: memref<2x16x79x128xi32, #tpu.memory_space<hbm>>, %arg5: memref<10112x128xf32, #tpu.memory_space<hbm>>, %arg6: memref<2x10112x128xf32, #tpu.memory_space<hbm>>, %arg7: memref<79x128xi32, #tpu.memory_space<vmem>>, %arg8: memref<79x128xi32, #tpu.memory_space<vmem>>, %arg9: memref<128x128xf32, #tpu.memory_space<vmem>>, %arg10: memref<!tpu.dma_semaphore, #tpu.memory_space<semaphore_mem>>, %arg11: memref<10112x128xf32, #tpu.memory_space<vmem_shared>>) attributes {dimension_semantics = [#tpu.dimension_semantics<core_parallel>, #tpu.dimension_semantics<subcore_parallel>], iteration_bounds = array<i64: 2, 16>, scalar_prefetch = 0 : i64, scratch_operands = 5 : i64, tpu.core_type = #tpu.core_type<sc_vector_subcore>, window_params = [{transform_indices = #map}, {transform_indices = #map1}, {transform_indices = #map1}, {transform_indices = #map}, {transform_indices = #map2}]} {
    "tpu.region"() ({
      %run_scoped3A = tpu.sem_alloc : memref<!tpu.dma_semaphore, #tpu.memory_space<semaphore_mem>>
      %dma_start3A = arith.constant 0 : i32
      %dma_start3A_14 = arith.constant 0 : i32
      %dma_start3A_15 = tpu.memref_slice %arg3[%arg0, %arg1, %dma_start3A, %dma_start3A_14] : memref<2x16x79x128xi32, #tpu.memory_space<hbm>> -> memref<1x1x79x128xi32, #tpu.memory_space<hbm>>
      %dma_start3A_16 = tpu.memref_squeeze %dma_start3A_15 : memref<1x1x79x128xi32, #tpu.memory_space<hbm>> -> memref<79x128xi32, #tpu.memory_space<hbm>>
      %dma_start3A_17 = arith.constant 0 : i32
      %dma_start3A_18 = arith.constant 0 : i32
      %dma_start3A_19 = tpu.memref_slice %arg3[%arg0, %arg1, %dma_start3A_17, %dma_start3A_18] : memref<2x16x79x128xi32, #tpu.memory_space<hbm>> -> memref<1x1x79x128xi32, #tpu.memory_space<hbm>>
      %dma_start3A_20 = tpu.memref_squeeze %dma_start3A_19 : memref<1x1x79x128xi32, #tpu.memory_space<hbm>> -> memref<79x128xi32, #tpu.memory_space<hbm>>
      tpu.enqueue_dma source(%dma_start3A_20 : memref<79x128xi32, #tpu.memory_space<hbm>>) target(%arg7 : memref<79x128xi32, #tpu.memory_space<vmem>>) target_semaphore(%run_scoped3A : memref<!tpu.dma_semaphore, #tpu.memory_space<semaphore_mem>>)
      %dma_wait3A = arith.constant 0 : i32
      %dma_wait3A_21 = arith.constant 0 : i32
      %dma_wait3A_22 = tpu.memref_slice %arg3[%arg0, %arg1, %dma_wait3A, %dma_wait3A_21] : memref<2x16x79x128xi32, #tpu.memory_space<hbm>> -> memref<1x1x79x128xi32, #tpu.memory_space<hbm>>
      %dma_wait3A_23 = tpu.memref_squeeze %dma_wait3A_22 : memref<1x1x79x128xi32, #tpu.memory_space<hbm>> -> memref<79x128xi32, #tpu.memory_space<hbm>>
      %dma_wait3A_24 = arith.constant 0 : i32
      %dma_wait3A_25 = arith.constant 0 : i32
      %dma_wait3A_26 = tpu.memref_slice %arg3[%arg0, %arg1, %dma_wait3A_24, %dma_wait3A_25] : memref<2x16x79x128xi32, #tpu.memory_space<hbm>> -> memref<1x1x79x128xi32, #tpu.memory_space<hbm>>
      %dma_wait3A_27 = tpu.memref_squeeze %dma_wait3A_26 : memref<1x1x79x128xi32, #tpu.memory_space<hbm>> -> memref<79x128xi32, #tpu.memory_space<hbm>>
      tpu.wait_dma2 semaphore(%run_scoped3A : memref<!tpu.dma_semaphore, #tpu.memory_space<semaphore_mem>>) src(%dma_wait3A_27 : memref<79x128xi32, #tpu.memory_space<hbm>>) dst(%arg7 : memref<79x128xi32, #tpu.memory_space<vmem>>)
      tpu.yield
    }) : () -> ()
    "tpu.region"() ({
      %run_scoped3A = tpu.sem_alloc : memref<!tpu.dma_semaphore, #tpu.memory_space<semaphore_mem>>
      %dma_start3A = arith.constant 0 : i32
      %dma_start3A_14 = arith.constant 0 : i32
      %dma_start3A_15 = tpu.memref_slice %arg4[%arg0, %arg1, %dma_start3A, %dma_start3A_14] : memref<2x16x79x128xi32, #tpu.memory_space<hbm>> -> memref<1x1x79x128xi32, #tpu.memory_space<hbm>>
      %dma_start3A_16 = tpu.memref_squeeze %dma_start3A_15 : memref<1x1x79x128xi32, #tpu.memory_space<hbm>> -> memref<79x128xi32, #tpu.memory_space<hbm>>
      %dma_start3A_17 = arith.constant 0 : i32
      %dma_start3A_18 = arith.constant 0 : i32
      %dma_start3A_19 = tpu.memref_slice %arg4[%arg0, %arg1, %dma_start3A_17, %dma_start3A_18] : memref<2x16x79x128xi32, #tpu.memory_space<hbm>> -> memref<1x1x79x128xi32, #tpu.memory_space<hbm>>
      %dma_start3A_20 = tpu.memref_squeeze %dma_start3A_19 : memref<1x1x79x128xi32, #tpu.memory_space<hbm>> -> memref<79x128xi32, #tpu.memory_space<hbm>>
      tpu.enqueue_dma source(%dma_start3A_20 : memref<79x128xi32, #tpu.memory_space<hbm>>) target(%arg8 : memref<79x128xi32, #tpu.memory_space<vmem>>) target_semaphore(%run_scoped3A : memref<!tpu.dma_semaphore, #tpu.memory_space<semaphore_mem>>)
      %dma_wait3A = arith.constant 0 : i32
      %dma_wait3A_21 = arith.constant 0 : i32
      %dma_wait3A_22 = tpu.memref_slice %arg4[%arg0, %arg1, %dma_wait3A, %dma_wait3A_21] : memref<2x16x79x128xi32, #tpu.memory_space<hbm>> -> memref<1x1x79x128xi32, #tpu.memory_space<hbm>>
      %dma_wait3A_23 = tpu.memref_squeeze %dma_wait3A_22 : memref<1x1x79x128xi32, #tpu.memory_space<hbm>> -> memref<79x128xi32, #tpu.memory_space<hbm>>
      %dma_wait3A_24 = arith.constant 0 : i32
      %dma_wait3A_25 = arith.constant 0 : i32
      %dma_wait3A_26 = tpu.memref_slice %arg4[%arg0, %arg1, %dma_wait3A_24, %dma_wait3A_25] : memref<2x16x79x128xi32, #tpu.memory_space<hbm>> -> memref<1x1x79x128xi32, #tpu.memory_space<hbm>>
      %dma_wait3A_27 = tpu.memref_squeeze %dma_wait3A_26 : memref<1x1x79x128xi32, #tpu.memory_space<hbm>> -> memref<79x128xi32, #tpu.memory_space<hbm>>
      tpu.wait_dma2 semaphore(%run_scoped3A : memref<!tpu.dma_semaphore, #tpu.memory_space<semaphore_mem>>) src(%dma_wait3A_27 : memref<79x128xi32, #tpu.memory_space<hbm>>) dst(%arg8 : memref<79x128xi32, #tpu.memory_space<vmem>>)
      tpu.yield
    }) : () -> ()
    %mul3A = arith.constant 632 : i32
    %mul3A_0 = arith.muli %arg1, %mul3A : i32
    %mul3A_1 = arith.constant 632 : i32
    %mul3A_2 = arith.muli %arg1, %mul3A_1 : i32
    "tpu.region"() ({
      %run_scoped3A = tpu.sem_alloc : memref<!tpu.dma_semaphore, #tpu.memory_space<semaphore_mem>>
      %dma_start3A = arith.constant 0 : i32
      %dma_start3A_14 = tpu.memref_slice %arg11[%mul3A_2, %dma_start3A] : memref<10112x128xf32, #tpu.memory_space<vmem_shared>> -> memref<632x128xf32, #tpu.memory_space<vmem_shared>>
      %dma_start3A_15 = arith.constant 0 : i32
      %dma_start3A_16 = tpu.memref_slice %arg5[%mul3A_0, %dma_start3A_15] : memref<10112x128xf32, #tpu.memory_space<hbm>> -> memref<632x128xf32, #tpu.memory_space<hbm>>
      tpu.enqueue_dma source(%dma_start3A_16 : memref<632x128xf32, #tpu.memory_space<hbm>>) target(%dma_start3A_14 : memref<632x128xf32, #tpu.memory_space<vmem_shared>>) target_semaphore(%run_scoped3A : memref<!tpu.dma_semaphore, #tpu.memory_space<semaphore_mem>>)
      %dma_wait3A = arith.constant 0 : i32
      %dma_wait3A_17 = tpu.memref_slice %arg11[%mul3A_2, %dma_wait3A] : memref<10112x128xf32, #tpu.memory_space<vmem_shared>> -> memref<632x128xf32, #tpu.memory_space<vmem_shared>>
      %dma_wait3A_18 = arith.constant 0 : i32
      %dma_wait3A_19 = tpu.memref_slice %arg5[%mul3A_0, %dma_wait3A_18] : memref<10112x128xf32, #tpu.memory_space<hbm>> -> memref<632x128xf32, #tpu.memory_space<hbm>>
      tpu.wait_dma2 semaphore(%run_scoped3A : memref<!tpu.dma_semaphore, #tpu.memory_space<semaphore_mem>>) src(%dma_wait3A_19 : memref<632x128xf32, #tpu.memory_space<hbm>>) dst(%dma_wait3A_17 : memref<632x128xf32, #tpu.memory_space<vmem_shared>>)
      tpu.yield
    }) : () -> ()
    %barrier3A = arith.constant 0 : index
    tpu.barrier barrier_id(%barrier3A)
    %scan3A = arith.constant 0 : i32
    %scan3A_3 = arith.constant 0 : i32
    %scan3A_4 = arith.constant 79 : i32
    %scan3A_5 = arith.addi %scan3A_3, %scan3A_4 : i32
    %scan3A_6 = arith.constant 1 : i32
    %scan3A_7 = scf.for %scan3A_14 = %scan3A_3 to %scan3A_5 step %scan3A_6 iter_args(%scan3A_15 = %scan3A) -> (i32)  : i32 {
      %dma_start3A = arith.constant 0 : i32
      %dma_start3A_16 = tpu.memref_slice %arg7[%scan3A_14, %dma_start3A] : memref<79x128xi32, #tpu.memory_space<vmem>> -> memref<1x128xi32, #tpu.memory_space<vmem>>
      %dma_start3A_17 = tpu.memref_squeeze %dma_start3A_16 : memref<1x128xi32, #tpu.memory_space<vmem>> -> memref<128xi32, #tpu.memory_space<vmem>>
      %dma_start3A_18 = arith.constant 0 : i32
      %dma_start3A_19 = arith.constant 0 : i32
      %dma_start3A_20 = tpu.memref_slice %arg2[%dma_start3A_18, %dma_start3A_19] : memref<2500x128xf32, #tpu.memory_space<hbm>> -> memref<2500x128xf32, #tpu.memory_space<hbm>>
      tpu.enqueue_indirect_dma source(%dma_start3A_20 : memref<2500x128xf32, #tpu.memory_space<hbm>>) target(%arg9 : memref<128x128xf32, #tpu.memory_space<vmem>>) offsets(%dma_start3A_17 : memref<128xi32, #tpu.memory_space<vmem>>) semaphore(%arg10 : memref<!tpu.dma_semaphore, #tpu.memory_space<semaphore_mem>>)
      %dma_wait3A = arith.constant 0 : i32
      %dma_wait3A_21 = tpu.memref_slice %arg7[%scan3A_14, %dma_wait3A] : memref<79x128xi32, #tpu.memory_space<vmem>> -> memref<1x128xi32, #tpu.memory_space<vmem>>
      %dma_wait3A_22 = tpu.memref_squeeze %dma_wait3A_21 : memref<1x128xi32, #tpu.memory_space<vmem>> -> memref<128xi32, #tpu.memory_space<vmem>>
      %dma_wait3A_23 = arith.constant 0 : i32
      %dma_wait3A_24 = arith.constant 0 : i32
      %dma_wait3A_25 = tpu.memref_slice %arg2[%dma_wait3A_23, %dma_wait3A_24] : memref<2500x128xf32, #tpu.memory_space<hbm>> -> memref<2500x128xf32, #tpu.memory_space<hbm>>
      tpu.wait_indirect_dma semaphore(%arg10 : memref<!tpu.dma_semaphore, #tpu.memory_space<semaphore_mem>>) src(%dma_wait3A_25 : memref<2500x128xf32, #tpu.memory_space<hbm>>) dst(%arg9 : memref<128x128xf32, #tpu.memory_space<vmem>>)
      "tpu.region"() ({
        %run_scoped3A = tpu.sem_alloc : memref<!tpu.dma_semaphore, #tpu.memory_space<semaphore_mem>>
        %dma_start3A_27 = arith.constant 0 : i32
        %dma_start3A_28 = tpu.memref_slice %arg8[%scan3A_14, %dma_start3A_27] : memref<79x128xi32, #tpu.memory_space<vmem>> -> memref<1x128xi32, #tpu.memory_space<vmem>>
        %dma_start3A_29 = tpu.memref_squeeze %dma_start3A_28 : memref<1x128xi32, #tpu.memory_space<vmem>> -> memref<128xi32, #tpu.memory_space<vmem>>
        %dma_start3A_30 = arith.constant 0 : i32
        %dma_start3A_31 = arith.constant 0 : i32
        %dma_start3A_32 = tpu.memref_slice %arg11[%dma_start3A_30, %dma_start3A_31] : memref<10112x128xf32, #tpu.memory_space<vmem_shared>> -> memref<10112x128xf32, #tpu.memory_space<vmem_shared>>
        tpu.enqueue_indirect_dma source(%arg9 : memref<128x128xf32, #tpu.memory_space<vmem>>) target(%dma_start3A_32 : memref<10112x128xf32, #tpu.memory_space<vmem_shared>>) offsets(%dma_start3A_29 : memref<128xi32, #tpu.memory_space<vmem>>) semaphore(%run_scoped3A : memref<!tpu.dma_semaphore, #tpu.memory_space<semaphore_mem>>) {add = true}
        %dma_wait3A_33 = arith.constant 0 : i32
        %dma_wait3A_34 = tpu.memref_slice %arg8[%scan3A_14, %dma_wait3A_33] : memref<79x128xi32, #tpu.memory_space<vmem>> -> memref<1x128xi32, #tpu.memory_space<vmem>>
        %dma_wait3A_35 = tpu.memref_squeeze %dma_wait3A_34 : memref<1x128xi32, #tpu.memory_space<vmem>> -> memref<128xi32, #tpu.memory_space<vmem>>
        %dma_wait3A_36 = arith.constant 0 : i32
        %dma_wait3A_37 = arith.constant 0 : i32
        %dma_wait3A_38 = tpu.memref_slice %arg11[%dma_wait3A_36, %dma_wait3A_37] : memref<10112x128xf32, #tpu.memory_space<vmem_shared>> -> memref<10112x128xf32, #tpu.memory_space<vmem_shared>>
        tpu.wait_indirect_dma semaphore(%run_scoped3A : memref<!tpu.dma_semaphore, #tpu.memory_space<semaphore_mem>>) src(%arg9 : memref<128x128xf32, #tpu.memory_space<vmem>>) dst(%dma_wait3A_38 : memref<10112x128xf32, #tpu.memory_space<vmem_shared>>)
        tpu.yield
      }) : () -> ()
      %scan3A_26 = arith.constant 0 : i32
      scf.yield %scan3A_26 : i32
    }
    %scan3A_8 = arith.constant 79 : i32
    %barrier3A_9 = arith.constant 0 : index
    tpu.barrier barrier_id(%barrier3A_9)
    %mul3A_10 = arith.constant 632 : i32
    %mul3A_11 = arith.muli %arg1, %mul3A_10 : i32
    %mul3A_12 = arith.constant 632 : i32
    %mul3A_13 = arith.muli %arg1, %mul3A_12 : i32
    "tpu.region"() ({
      %run_scoped3A = tpu.sem_alloc : memref<!tpu.dma_semaphore, #tpu.memory_space<semaphore_mem>>
      %dma_start3A = arith.constant 0 : i32
      %dma_start3A_14 = tpu.memref_slice %arg6[%arg0, %mul3A_13, %dma_start3A] : memref<2x10112x128xf32, #tpu.memory_space<hbm>> -> memref<1x632x128xf32, #tpu.memory_space<hbm>>
      %dma_start3A_15 = tpu.memref_squeeze %dma_start3A_14 : memref<1x632x128xf32, #tpu.memory_space<hbm>> -> memref<632x128xf32, #tpu.memory_space<hbm>>
      %dma_start3A_16 = arith.constant 0 : i32
      %dma_start3A_17 = tpu.memref_slice %arg11[%mul3A_11, %dma_start3A_16] : memref<10112x128xf32, #tpu.memory_space<vmem_shared>> -> memref<632x128xf32, #tpu.memory_space<vmem_shared>>
      tpu.enqueue_dma source(%dma_start3A_17 : memref<632x128xf32, #tpu.memory_space<vmem_shared>>) target(%dma_start3A_15 : memref<632x128xf32, #tpu.memory_space<hbm>>) target_semaphore(%run_scoped3A : memref<!tpu.dma_semaphore, #tpu.memory_space<semaphore_mem>>)
      %dma_wait3A = arith.constant 0 : i32
      %dma_wait3A_18 = tpu.memref_slice %arg6[%arg0, %mul3A_13, %dma_wait3A] : memref<2x10112x128xf32, #tpu.memory_space<hbm>> -> memref<1x632x128xf32, #tpu.memory_space<hbm>>
      %dma_wait3A_19 = tpu.memref_squeeze %dma_wait3A_18 : memref<1x632x128xf32, #tpu.memory_space<hbm>> -> memref<632x128xf32, #tpu.memory_space<hbm>>
      %dma_wait3A_20 = arith.constant 0 : i32
      %dma_wait3A_21 = tpu.memref_slice %arg11[%mul3A_11, %dma_wait3A_20] : memref<10112x128xf32, #tpu.memory_space<vmem_shared>> -> memref<632x128xf32, #tpu.memory_space<vmem_shared>>
      tpu.wait_dma2 semaphore(%run_scoped3A : memref<!tpu.dma_semaphore, #tpu.memory_space<semaphore_mem>>) src(%dma_wait3A_21 : memref<632x128xf32, #tpu.memory_space<vmem_shared>>) dst(%dma_wait3A_19 : memref<632x128xf32, #tpu.memory_space<hbm>>)
      tpu.yield
    }) : () -> ()
    return
  }
}

#map = affine_map<(d0, d1) -> (0, 0)>
#map1 = affine_map<(d0, d1) -> (0, 0, 0, 0)>
#map2 = affine_map<(d0, d1) -> (0, 0, 0)>
module attributes {stable_mosaic.version = 14 : i64} {
  func.func @body(%arg0: i32, %arg1: i32, %arg2: memref<10000x128xf32, #tpu.memory_space<hbm>>, %arg3: memref<2x16x79x128xi32, #tpu.memory_space<hbm>>, %arg4: memref<2x16x79x128xi32, #tpu.memory_space<hbm>>, %arg5: memref<2560x128xf32, #tpu.memory_space<hbm>>, %arg6: memref<2x2560x128xf32, #tpu.memory_space<hbm>>, %arg7: memref<79x128xi32, #tpu.memory_space<vmem>>, %arg8: memref<79x128xi32, #tpu.memory_space<vmem>>, %arg9: memref<128x128xf32, #tpu.memory_space<vmem>>, %arg10: memref<!tpu.dma_semaphore, #tpu.memory_space<semaphore_mem>>, %arg11: memref<2560x128xf32, #tpu.memory_space<vmem_shared>>) attributes {dimension_semantics = [#tpu.dimension_semantics<core_parallel>, #tpu.dimension_semantics<subcore_parallel>], iteration_bounds = array<i64: 2, 16>, scalar_prefetch = 0 : i64, scratch_operands = 5 : i64, tpu.core_type = #tpu.core_type<sc_vector_subcore>, window_params = [{transform_indices = #map}, {transform_indices = #map1}, {transform_indices = #map1}, {transform_indices = #map}, {transform_indices = #map2}]} {
    "tpu.region"() ({
      %run_scoped3A = tpu.sem_alloc : memref<!tpu.dma_semaphore, #tpu.memory_space<semaphore_mem>>
      %dma_start3A = arith.constant 0 : i32
      %dma_start3A_14 = arith.constant 0 : i32
      %dma_start3A_15 = tpu.memref_slice %arg3[%arg0, %arg1, %dma_start3A, %dma_start3A_14] : memref<2x16x79x128xi32, #tpu.memory_space<hbm>> -> memref<1x1x79x128xi32, #tpu.memory_space<hbm>>
      %dma_start3A_16 = tpu.memref_squeeze %dma_start3A_15 : memref<1x1x79x128xi32, #tpu.memory_space<hbm>> -> memref<79x128xi32, #tpu.memory_space<hbm>>
      %dma_start3A_17 = arith.constant 0 : i32
      %dma_start3A_18 = arith.constant 0 : i32
      %dma_start3A_19 = tpu.memref_slice %arg3[%arg0, %arg1, %dma_start3A_17, %dma_start3A_18] : memref<2x16x79x128xi32, #tpu.memory_space<hbm>> -> memref<1x1x79x128xi32, #tpu.memory_space<hbm>>
      %dma_start3A_20 = tpu.memref_squeeze %dma_start3A_19 : memref<1x1x79x128xi32, #tpu.memory_space<hbm>> -> memref<79x128xi32, #tpu.memory_space<hbm>>
      tpu.enqueue_dma source(%dma_start3A_20 : memref<79x128xi32, #tpu.memory_space<hbm>>) target(%arg7 : memref<79x128xi32, #tpu.memory_space<vmem>>) target_semaphore(%run_scoped3A : memref<!tpu.dma_semaphore, #tpu.memory_space<semaphore_mem>>)
      %dma_wait3A = arith.constant 0 : i32
      %dma_wait3A_21 = arith.constant 0 : i32
      %dma_wait3A_22 = tpu.memref_slice %arg3[%arg0, %arg1, %dma_wait3A, %dma_wait3A_21] : memref<2x16x79x128xi32, #tpu.memory_space<hbm>> -> memref<1x1x79x128xi32, #tpu.memory_space<hbm>>
      %dma_wait3A_23 = tpu.memref_squeeze %dma_wait3A_22 : memref<1x1x79x128xi32, #tpu.memory_space<hbm>> -> memref<79x128xi32, #tpu.memory_space<hbm>>
      %dma_wait3A_24 = arith.constant 0 : i32
      %dma_wait3A_25 = arith.constant 0 : i32
      %dma_wait3A_26 = tpu.memref_slice %arg3[%arg0, %arg1, %dma_wait3A_24, %dma_wait3A_25] : memref<2x16x79x128xi32, #tpu.memory_space<hbm>> -> memref<1x1x79x128xi32, #tpu.memory_space<hbm>>
      %dma_wait3A_27 = tpu.memref_squeeze %dma_wait3A_26 : memref<1x1x79x128xi32, #tpu.memory_space<hbm>> -> memref<79x128xi32, #tpu.memory_space<hbm>>
      tpu.wait_dma2 semaphore(%run_scoped3A : memref<!tpu.dma_semaphore, #tpu.memory_space<semaphore_mem>>) src(%dma_wait3A_27 : memref<79x128xi32, #tpu.memory_space<hbm>>) dst(%arg7 : memref<79x128xi32, #tpu.memory_space<vmem>>)
      tpu.yield
    }) : () -> ()
    "tpu.region"() ({
      %run_scoped3A = tpu.sem_alloc : memref<!tpu.dma_semaphore, #tpu.memory_space<semaphore_mem>>
      %dma_start3A = arith.constant 0 : i32
      %dma_start3A_14 = arith.constant 0 : i32
      %dma_start3A_15 = tpu.memref_slice %arg4[%arg0, %arg1, %dma_start3A, %dma_start3A_14] : memref<2x16x79x128xi32, #tpu.memory_space<hbm>> -> memref<1x1x79x128xi32, #tpu.memory_space<hbm>>
      %dma_start3A_16 = tpu.memref_squeeze %dma_start3A_15 : memref<1x1x79x128xi32, #tpu.memory_space<hbm>> -> memref<79x128xi32, #tpu.memory_space<hbm>>
      %dma_start3A_17 = arith.constant 0 : i32
      %dma_start3A_18 = arith.constant 0 : i32
      %dma_start3A_19 = tpu.memref_slice %arg4[%arg0, %arg1, %dma_start3A_17, %dma_start3A_18] : memref<2x16x79x128xi32, #tpu.memory_space<hbm>> -> memref<1x1x79x128xi32, #tpu.memory_space<hbm>>
      %dma_start3A_20 = tpu.memref_squeeze %dma_start3A_19 : memref<1x1x79x128xi32, #tpu.memory_space<hbm>> -> memref<79x128xi32, #tpu.memory_space<hbm>>
      tpu.enqueue_dma source(%dma_start3A_20 : memref<79x128xi32, #tpu.memory_space<hbm>>) target(%arg8 : memref<79x128xi32, #tpu.memory_space<vmem>>) target_semaphore(%run_scoped3A : memref<!tpu.dma_semaphore, #tpu.memory_space<semaphore_mem>>)
      %dma_wait3A = arith.constant 0 : i32
      %dma_wait3A_21 = arith.constant 0 : i32
      %dma_wait3A_22 = tpu.memref_slice %arg4[%arg0, %arg1, %dma_wait3A, %dma_wait3A_21] : memref<2x16x79x128xi32, #tpu.memory_space<hbm>> -> memref<1x1x79x128xi32, #tpu.memory_space<hbm>>
      %dma_wait3A_23 = tpu.memref_squeeze %dma_wait3A_22 : memref<1x1x79x128xi32, #tpu.memory_space<hbm>> -> memref<79x128xi32, #tpu.memory_space<hbm>>
      %dma_wait3A_24 = arith.constant 0 : i32
      %dma_wait3A_25 = arith.constant 0 : i32
      %dma_wait3A_26 = tpu.memref_slice %arg4[%arg0, %arg1, %dma_wait3A_24, %dma_wait3A_25] : memref<2x16x79x128xi32, #tpu.memory_space<hbm>> -> memref<1x1x79x128xi32, #tpu.memory_space<hbm>>
      %dma_wait3A_27 = tpu.memref_squeeze %dma_wait3A_26 : memref<1x1x79x128xi32, #tpu.memory_space<hbm>> -> memref<79x128xi32, #tpu.memory_space<hbm>>
      tpu.wait_dma2 semaphore(%run_scoped3A : memref<!tpu.dma_semaphore, #tpu.memory_space<semaphore_mem>>) src(%dma_wait3A_27 : memref<79x128xi32, #tpu.memory_space<hbm>>) dst(%arg8 : memref<79x128xi32, #tpu.memory_space<vmem>>)
      tpu.yield
    }) : () -> ()
    %mul3A = arith.constant 160 : i32
    %mul3A_0 = arith.muli %arg1, %mul3A : i32
    %mul3A_1 = arith.constant 160 : i32
    %mul3A_2 = arith.muli %arg1, %mul3A_1 : i32
    "tpu.region"() ({
      %run_scoped3A = tpu.sem_alloc : memref<!tpu.dma_semaphore, #tpu.memory_space<semaphore_mem>>
      %dma_start3A = arith.constant 0 : i32
      %dma_start3A_14 = tpu.memref_slice %arg11[%mul3A_2, %dma_start3A] : memref<2560x128xf32, #tpu.memory_space<vmem_shared>> -> memref<160x128xf32, #tpu.memory_space<vmem_shared>>
      %dma_start3A_15 = arith.constant 0 : i32
      %dma_start3A_16 = tpu.memref_slice %arg5[%mul3A_0, %dma_start3A_15] : memref<2560x128xf32, #tpu.memory_space<hbm>> -> memref<160x128xf32, #tpu.memory_space<hbm>>
      tpu.enqueue_dma source(%dma_start3A_16 : memref<160x128xf32, #tpu.memory_space<hbm>>) target(%dma_start3A_14 : memref<160x128xf32, #tpu.memory_space<vmem_shared>>) target_semaphore(%run_scoped3A : memref<!tpu.dma_semaphore, #tpu.memory_space<semaphore_mem>>)
      %dma_wait3A = arith.constant 0 : i32
      %dma_wait3A_17 = tpu.memref_slice %arg11[%mul3A_2, %dma_wait3A] : memref<2560x128xf32, #tpu.memory_space<vmem_shared>> -> memref<160x128xf32, #tpu.memory_space<vmem_shared>>
      %dma_wait3A_18 = arith.constant 0 : i32
      %dma_wait3A_19 = tpu.memref_slice %arg5[%mul3A_0, %dma_wait3A_18] : memref<2560x128xf32, #tpu.memory_space<hbm>> -> memref<160x128xf32, #tpu.memory_space<hbm>>
      tpu.wait_dma2 semaphore(%run_scoped3A : memref<!tpu.dma_semaphore, #tpu.memory_space<semaphore_mem>>) src(%dma_wait3A_19 : memref<160x128xf32, #tpu.memory_space<hbm>>) dst(%dma_wait3A_17 : memref<160x128xf32, #tpu.memory_space<vmem_shared>>)
      tpu.yield
    }) : () -> ()
    %barrier3A = arith.constant 0 : index
    tpu.barrier barrier_id(%barrier3A)
    %scan3A = arith.constant 0 : i32
    %scan3A_3 = arith.constant 0 : i32
    %scan3A_4 = arith.constant 79 : i32
    %scan3A_5 = arith.addi %scan3A_3, %scan3A_4 : i32
    %scan3A_6 = arith.constant 1 : i32
    %scan3A_7 = scf.for %scan3A_14 = %scan3A_3 to %scan3A_5 step %scan3A_6 iter_args(%scan3A_15 = %scan3A) -> (i32)  : i32 {
      %dma_start3A = arith.constant 0 : i32
      %dma_start3A_16 = tpu.memref_slice %arg7[%scan3A_14, %dma_start3A] : memref<79x128xi32, #tpu.memory_space<vmem>> -> memref<1x128xi32, #tpu.memory_space<vmem>>
      %dma_start3A_17 = tpu.memref_squeeze %dma_start3A_16 : memref<1x128xi32, #tpu.memory_space<vmem>> -> memref<128xi32, #tpu.memory_space<vmem>>
      %dma_start3A_18 = arith.constant 0 : i32
      %dma_start3A_19 = arith.constant 0 : i32
      %dma_start3A_20 = tpu.memref_slice %arg2[%dma_start3A_18, %dma_start3A_19] : memref<10000x128xf32, #tpu.memory_space<hbm>> -> memref<10000x128xf32, #tpu.memory_space<hbm>>
      tpu.enqueue_indirect_dma source(%dma_start3A_20 : memref<10000x128xf32, #tpu.memory_space<hbm>>) target(%arg9 : memref<128x128xf32, #tpu.memory_space<vmem>>) offsets(%dma_start3A_17 : memref<128xi32, #tpu.memory_space<vmem>>) semaphore(%arg10 : memref<!tpu.dma_semaphore, #tpu.memory_space<semaphore_mem>>)
      %dma_wait3A = arith.constant 0 : i32
      %dma_wait3A_21 = tpu.memref_slice %arg7[%scan3A_14, %dma_wait3A] : memref<79x128xi32, #tpu.memory_space<vmem>> -> memref<1x128xi32, #tpu.memory_space<vmem>>
      %dma_wait3A_22 = tpu.memref_squeeze %dma_wait3A_21 : memref<1x128xi32, #tpu.memory_space<vmem>> -> memref<128xi32, #tpu.memory_space<vmem>>
      %dma_wait3A_23 = arith.constant 0 : i32
      %dma_wait3A_24 = arith.constant 0 : i32
      %dma_wait3A_25 = tpu.memref_slice %arg2[%dma_wait3A_23, %dma_wait3A_24] : memref<10000x128xf32, #tpu.memory_space<hbm>> -> memref<10000x128xf32, #tpu.memory_space<hbm>>
      tpu.wait_indirect_dma semaphore(%arg10 : memref<!tpu.dma_semaphore, #tpu.memory_space<semaphore_mem>>) src(%dma_wait3A_25 : memref<10000x128xf32, #tpu.memory_space<hbm>>) dst(%arg9 : memref<128x128xf32, #tpu.memory_space<vmem>>)
      "tpu.region"() ({
        %run_scoped3A = tpu.sem_alloc : memref<!tpu.dma_semaphore, #tpu.memory_space<semaphore_mem>>
        %dma_start3A_27 = arith.constant 0 : i32
        %dma_start3A_28 = tpu.memref_slice %arg8[%scan3A_14, %dma_start3A_27] : memref<79x128xi32, #tpu.memory_space<vmem>> -> memref<1x128xi32, #tpu.memory_space<vmem>>
        %dma_start3A_29 = tpu.memref_squeeze %dma_start3A_28 : memref<1x128xi32, #tpu.memory_space<vmem>> -> memref<128xi32, #tpu.memory_space<vmem>>
        %dma_start3A_30 = arith.constant 0 : i32
        %dma_start3A_31 = arith.constant 0 : i32
        %dma_start3A_32 = tpu.memref_slice %arg11[%dma_start3A_30, %dma_start3A_31] : memref<2560x128xf32, #tpu.memory_space<vmem_shared>> -> memref<2560x128xf32, #tpu.memory_space<vmem_shared>>
        tpu.enqueue_indirect_dma source(%arg9 : memref<128x128xf32, #tpu.memory_space<vmem>>) target(%dma_start3A_32 : memref<2560x128xf32, #tpu.memory_space<vmem_shared>>) offsets(%dma_start3A_29 : memref<128xi32, #tpu.memory_space<vmem>>) semaphore(%run_scoped3A : memref<!tpu.dma_semaphore, #tpu.memory_space<semaphore_mem>>) {add = true}
        %dma_wait3A_33 = arith.constant 0 : i32
        %dma_wait3A_34 = tpu.memref_slice %arg8[%scan3A_14, %dma_wait3A_33] : memref<79x128xi32, #tpu.memory_space<vmem>> -> memref<1x128xi32, #tpu.memory_space<vmem>>
        %dma_wait3A_35 = tpu.memref_squeeze %dma_wait3A_34 : memref<1x128xi32, #tpu.memory_space<vmem>> -> memref<128xi32, #tpu.memory_space<vmem>>
        %dma_wait3A_36 = arith.constant 0 : i32
        %dma_wait3A_37 = arith.constant 0 : i32
        %dma_wait3A_38 = tpu.memref_slice %arg11[%dma_wait3A_36, %dma_wait3A_37] : memref<2560x128xf32, #tpu.memory_space<vmem_shared>> -> memref<2560x128xf32, #tpu.memory_space<vmem_shared>>
        tpu.wait_indirect_dma semaphore(%run_scoped3A : memref<!tpu.dma_semaphore, #tpu.memory_space<semaphore_mem>>) src(%arg9 : memref<128x128xf32, #tpu.memory_space<vmem>>) dst(%dma_wait3A_38 : memref<2560x128xf32, #tpu.memory_space<vmem_shared>>)
        tpu.yield
      }) : () -> ()
      %scan3A_26 = arith.constant 0 : i32
      scf.yield %scan3A_26 : i32
    }
    %scan3A_8 = arith.constant 79 : i32
    %barrier3A_9 = arith.constant 0 : index
    tpu.barrier barrier_id(%barrier3A_9)
    %mul3A_10 = arith.constant 160 : i32
    %mul3A_11 = arith.muli %arg1, %mul3A_10 : i32
    %mul3A_12 = arith.constant 160 : i32
    %mul3A_13 = arith.muli %arg1, %mul3A_12 : i32
    "tpu.region"() ({
      %run_scoped3A = tpu.sem_alloc : memref<!tpu.dma_semaphore, #tpu.memory_space<semaphore_mem>>
      %dma_start3A = arith.constant 0 : i32
      %dma_start3A_14 = tpu.memref_slice %arg6[%arg0, %mul3A_13, %dma_start3A] : memref<2x2560x128xf32, #tpu.memory_space<hbm>> -> memref<1x160x128xf32, #tpu.memory_space<hbm>>
      %dma_start3A_15 = tpu.memref_squeeze %dma_start3A_14 : memref<1x160x128xf32, #tpu.memory_space<hbm>> -> memref<160x128xf32, #tpu.memory_space<hbm>>
      %dma_start3A_16 = arith.constant 0 : i32
      %dma_start3A_17 = tpu.memref_slice %arg11[%mul3A_11, %dma_start3A_16] : memref<2560x128xf32, #tpu.memory_space<vmem_shared>> -> memref<160x128xf32, #tpu.memory_space<vmem_shared>>
      tpu.enqueue_dma source(%dma_start3A_17 : memref<160x128xf32, #tpu.memory_space<vmem_shared>>) target(%dma_start3A_15 : memref<160x128xf32, #tpu.memory_space<hbm>>) target_semaphore(%run_scoped3A : memref<!tpu.dma_semaphore, #tpu.memory_space<semaphore_mem>>)
      %dma_wait3A = arith.constant 0 : i32
      %dma_wait3A_18 = tpu.memref_slice %arg6[%arg0, %mul3A_13, %dma_wait3A] : memref<2x2560x128xf32, #tpu.memory_space<hbm>> -> memref<1x160x128xf32, #tpu.memory_space<hbm>>
      %dma_wait3A_19 = tpu.memref_squeeze %dma_wait3A_18 : memref<1x160x128xf32, #tpu.memory_space<hbm>> -> memref<160x128xf32, #tpu.memory_space<hbm>>
      %dma_wait3A_20 = arith.constant 0 : i32
      %dma_wait3A_21 = tpu.memref_slice %arg11[%mul3A_11, %dma_wait3A_20] : memref<2560x128xf32, #tpu.memory_space<vmem_shared>> -> memref<160x128xf32, #tpu.memory_space<vmem_shared>>
      tpu.wait_dma2 semaphore(%run_scoped3A : memref<!tpu.dma_semaphore, #tpu.memory_space<semaphore_mem>>) src(%dma_wait3A_21 : memref<160x128xf32, #tpu.memory_space<vmem_shared>>) dst(%dma_wait3A_19 : memref<160x128xf32, #tpu.memory_space<hbm>>)
      tpu.yield
    }) : () -> ()
    return
  }
}

#map = affine_map<(d0, d1) -> (0, 0)>
#map1 = affine_map<(d0, d1) -> (0, 0, 0, 0)>
#map2 = affine_map<(d0, d1) -> (0, 0, 0)>
module attributes {stable_mosaic.version = 14 : i64} {
  func.func @body(%arg0: i32, %arg1: i32, %arg2: memref<2500x128xf32, #tpu.memory_space<hbm>>, %arg3: memref<2x16x79x128xi32, #tpu.memory_space<hbm>>, %arg4: memref<2x16x79x128xi32, #tpu.memory_space<hbm>>, %arg5: memref<10112x128xf32, #tpu.memory_space<hbm>>, %arg6: memref<2x10112x128xf32, #tpu.memory_space<hbm>>, %arg7: memref<79x128xi32, #tpu.memory_space<vmem>>, %arg8: memref<79x128xi32, #tpu.memory_space<vmem>>, %arg9: memref<128x128xf32, #tpu.memory_space<vmem>>, %arg10: memref<!tpu.dma_semaphore, #tpu.memory_space<semaphore_mem>>, %arg11: memref<10112x128xf32, #tpu.memory_space<vmem_shared>>) attributes {dimension_semantics = [#tpu.dimension_semantics<core_parallel>, #tpu.dimension_semantics<subcore_parallel>], iteration_bounds = array<i64: 2, 16>, scalar_prefetch = 0 : i64, scratch_operands = 5 : i64, tpu.core_type = #tpu.core_type<sc_vector_subcore>, window_params = [{transform_indices = #map}, {transform_indices = #map1}, {transform_indices = #map1}, {transform_indices = #map}, {transform_indices = #map2}]} {
    "tpu.region"() ({
      %run_scoped3A = tpu.sem_alloc : memref<!tpu.dma_semaphore, #tpu.memory_space<semaphore_mem>>
      %dma_start3A = arith.constant 0 : i32
      %dma_start3A_14 = arith.constant 0 : i32
      %dma_start3A_15 = tpu.memref_slice %arg3[%arg0, %arg1, %dma_start3A, %dma_start3A_14] : memref<2x16x79x128xi32, #tpu.memory_space<hbm>> -> memref<1x1x79x128xi32, #tpu.memory_space<hbm>>
      %dma_start3A_16 = tpu.memref_squeeze %dma_start3A_15 : memref<1x1x79x128xi32, #tpu.memory_space<hbm>> -> memref<79x128xi32, #tpu.memory_space<hbm>>
      %dma_start3A_17 = arith.constant 0 : i32
      %dma_start3A_18 = arith.constant 0 : i32
      %dma_start3A_19 = tpu.memref_slice %arg3[%arg0, %arg1, %dma_start3A_17, %dma_start3A_18] : memref<2x16x79x128xi32, #tpu.memory_space<hbm>> -> memref<1x1x79x128xi32, #tpu.memory_space<hbm>>
      %dma_start3A_20 = tpu.memref_squeeze %dma_start3A_19 : memref<1x1x79x128xi32, #tpu.memory_space<hbm>> -> memref<79x128xi32, #tpu.memory_space<hbm>>
      tpu.enqueue_dma source(%dma_start3A_20 : memref<79x128xi32, #tpu.memory_space<hbm>>) target(%arg7 : memref<79x128xi32, #tpu.memory_space<vmem>>) target_semaphore(%run_scoped3A : memref<!tpu.dma_semaphore, #tpu.memory_space<semaphore_mem>>)
      %dma_wait3A = arith.constant 0 : i32
      %dma_wait3A_21 = arith.constant 0 : i32
      %dma_wait3A_22 = tpu.memref_slice %arg3[%arg0, %arg1, %dma_wait3A, %dma_wait3A_21] : memref<2x16x79x128xi32, #tpu.memory_space<hbm>> -> memref<1x1x79x128xi32, #tpu.memory_space<hbm>>
      %dma_wait3A_23 = tpu.memref_squeeze %dma_wait3A_22 : memref<1x1x79x128xi32, #tpu.memory_space<hbm>> -> memref<79x128xi32, #tpu.memory_space<hbm>>
      %dma_wait3A_24 = arith.constant 0 : i32
      %dma_wait3A_25 = arith.constant 0 : i32
      %dma_wait3A_26 = tpu.memref_slice %arg3[%arg0, %arg1, %dma_wait3A_24, %dma_wait3A_25] : memref<2x16x79x128xi32, #tpu.memory_space<hbm>> -> memref<1x1x79x128xi32, #tpu.memory_space<hbm>>
      %dma_wait3A_27 = tpu.memref_squeeze %dma_wait3A_26 : memref<1x1x79x128xi32, #tpu.memory_space<hbm>> -> memref<79x128xi32, #tpu.memory_space<hbm>>
      tpu.wait_dma2 semaphore(%run_scoped3A : memref<!tpu.dma_semaphore, #tpu.memory_space<semaphore_mem>>) src(%dma_wait3A_27 : memref<79x128xi32, #tpu.memory_space<hbm>>) dst(%arg7 : memref<79x128xi32, #tpu.memory_space<vmem>>)
      tpu.yield
    }) : () -> ()
    "tpu.region"() ({
      %run_scoped3A = tpu.sem_alloc : memref<!tpu.dma_semaphore, #tpu.memory_space<semaphore_mem>>
      %dma_start3A = arith.constant 0 : i32
      %dma_start3A_14 = arith.constant 0 : i32
      %dma_start3A_15 = tpu.memref_slice %arg4[%arg0, %arg1, %dma_start3A, %dma_start3A_14] : memref<2x16x79x128xi32, #tpu.memory_space<hbm>> -> memref<1x1x79x128xi32, #tpu.memory_space<hbm>>
      %dma_start3A_16 = tpu.memref_squeeze %dma_start3A_15 : memref<1x1x79x128xi32, #tpu.memory_space<hbm>> -> memref<79x128xi32, #tpu.memory_space<hbm>>
      %dma_start3A_17 = arith.constant 0 : i32
      %dma_start3A_18 = arith.constant 0 : i32
      %dma_start3A_19 = tpu.memref_slice %arg4[%arg0, %arg1, %dma_start3A_17, %dma_start3A_18] : memref<2x16x79x128xi32, #tpu.memory_space<hbm>> -> memref<1x1x79x128xi32, #tpu.memory_space<hbm>>
      %dma_start3A_20 = tpu.memref_squeeze %dma_start3A_19 : memref<1x1x79x128xi32, #tpu.memory_space<hbm>> -> memref<79x128xi32, #tpu.memory_space<hbm>>
      tpu.enqueue_dma source(%dma_start3A_20 : memref<79x128xi32, #tpu.memory_space<hbm>>) target(%arg8 : memref<79x128xi32, #tpu.memory_space<vmem>>) target_semaphore(%run_scoped3A : memref<!tpu.dma_semaphore, #tpu.memory_space<semaphore_mem>>)
      %dma_wait3A = arith.constant 0 : i32
      %dma_wait3A_21 = arith.constant 0 : i32
      %dma_wait3A_22 = tpu.memref_slice %arg4[%arg0, %arg1, %dma_wait3A, %dma_wait3A_21] : memref<2x16x79x128xi32, #tpu.memory_space<hbm>> -> memref<1x1x79x128xi32, #tpu.memory_space<hbm>>
      %dma_wait3A_23 = tpu.memref_squeeze %dma_wait3A_22 : memref<1x1x79x128xi32, #tpu.memory_space<hbm>> -> memref<79x128xi32, #tpu.memory_space<hbm>>
      %dma_wait3A_24 = arith.constant 0 : i32
      %dma_wait3A_25 = arith.constant 0 : i32
      %dma_wait3A_26 = tpu.memref_slice %arg4[%arg0, %arg1, %dma_wait3A_24, %dma_wait3A_25] : memref<2x16x79x128xi32, #tpu.memory_space<hbm>> -> memref<1x1x79x128xi32, #tpu.memory_space<hbm>>
      %dma_wait3A_27 = tpu.memref_squeeze %dma_wait3A_26 : memref<1x1x79x128xi32, #tpu.memory_space<hbm>> -> memref<79x128xi32, #tpu.memory_space<hbm>>
      tpu.wait_dma2 semaphore(%run_scoped3A : memref<!tpu.dma_semaphore, #tpu.memory_space<semaphore_mem>>) src(%dma_wait3A_27 : memref<79x128xi32, #tpu.memory_space<hbm>>) dst(%arg8 : memref<79x128xi32, #tpu.memory_space<vmem>>)
      tpu.yield
    }) : () -> ()
    %mul3A = arith.constant 632 : i32
    %mul3A_0 = arith.muli %arg1, %mul3A : i32
    %mul3A_1 = arith.constant 632 : i32
    %mul3A_2 = arith.muli %arg1, %mul3A_1 : i32
    "tpu.region"() ({
      %run_scoped3A = tpu.sem_alloc : memref<!tpu.dma_semaphore, #tpu.memory_space<semaphore_mem>>
      %dma_start3A = arith.constant 0 : i32
      %dma_start3A_14 = tpu.memref_slice %arg11[%mul3A_2, %dma_start3A] : memref<10112x128xf32, #tpu.memory_space<vmem_shared>> -> memref<632x128xf32, #tpu.memory_space<vmem_shared>>
      %dma_start3A_15 = arith.constant 0 : i32
      %dma_start3A_16 = tpu.memref_slice %arg5[%mul3A_0, %dma_start3A_15] : memref<10112x128xf32, #tpu.memory_space<hbm>> -> memref<632x128xf32, #tpu.memory_space<hbm>>
      tpu.enqueue_dma source(%dma_start3A_16 : memref<632x128xf32, #tpu.memory_space<hbm>>) target(%dma_start3A_14 : memref<632x128xf32, #tpu.memory_space<vmem_shared>>) target_semaphore(%run_scoped3A : memref<!tpu.dma_semaphore, #tpu.memory_space<semaphore_mem>>)
      %dma_wait3A = arith.constant 0 : i32
      %dma_wait3A_17 = tpu.memref_slice %arg11[%mul3A_2, %dma_wait3A] : memref<10112x128xf32, #tpu.memory_space<vmem_shared>> -> memref<632x128xf32, #tpu.memory_space<vmem_shared>>
      %dma_wait3A_18 = arith.constant 0 : i32
      %dma_wait3A_19 = tpu.memref_slice %arg5[%mul3A_0, %dma_wait3A_18] : memref<10112x128xf32, #tpu.memory_space<hbm>> -> memref<632x128xf32, #tpu.memory_space<hbm>>
      tpu.wait_dma2 semaphore(%run_scoped3A : memref<!tpu.dma_semaphore, #tpu.memory_space<semaphore_mem>>) src(%dma_wait3A_19 : memref<632x128xf32, #tpu.memory_space<hbm>>) dst(%dma_wait3A_17 : memref<632x128xf32, #tpu.memory_space<vmem_shared>>)
      tpu.yield
    }) : () -> ()
    %barrier3A = arith.constant 0 : index
    tpu.barrier barrier_id(%barrier3A)
    %scan3A = arith.constant 0 : i32
    %scan3A_3 = arith.constant 0 : i32
    %scan3A_4 = arith.constant 79 : i32
    %scan3A_5 = arith.addi %scan3A_3, %scan3A_4 : i32
    %scan3A_6 = arith.constant 1 : i32
    %scan3A_7 = scf.for %scan3A_14 = %scan3A_3 to %scan3A_5 step %scan3A_6 iter_args(%scan3A_15 = %scan3A) -> (i32)  : i32 {
      %dma_start3A = arith.constant 0 : i32
      %dma_start3A_16 = tpu.memref_slice %arg7[%scan3A_14, %dma_start3A] : memref<79x128xi32, #tpu.memory_space<vmem>> -> memref<1x128xi32, #tpu.memory_space<vmem>>
      %dma_start3A_17 = tpu.memref_squeeze %dma_start3A_16 : memref<1x128xi32, #tpu.memory_space<vmem>> -> memref<128xi32, #tpu.memory_space<vmem>>
      %dma_start3A_18 = arith.constant 0 : i32
      %dma_start3A_19 = arith.constant 0 : i32
      %dma_start3A_20 = tpu.memref_slice %arg2[%dma_start3A_18, %dma_start3A_19] : memref<2500x128xf32, #tpu.memory_space<hbm>> -> memref<2500x128xf32, #tpu.memory_space<hbm>>
      tpu.enqueue_indirect_dma source(%dma_start3A_20 : memref<2500x128xf32, #tpu.memory_space<hbm>>) target(%arg9 : memref<128x128xf32, #tpu.memory_space<vmem>>) offsets(%dma_start3A_17 : memref<128xi32, #tpu.memory_space<vmem>>) semaphore(%arg10 : memref<!tpu.dma_semaphore, #tpu.memory_space<semaphore_mem>>)
      %dma_wait3A = arith.constant 0 : i32
      %dma_wait3A_21 = tpu.memref_slice %arg7[%scan3A_14, %dma_wait3A] : memref<79x128xi32, #tpu.memory_space<vmem>> -> memref<1x128xi32, #tpu.memory_space<vmem>>
      %dma_wait3A_22 = tpu.memref_squeeze %dma_wait3A_21 : memref<1x128xi32, #tpu.memory_space<vmem>> -> memref<128xi32, #tpu.memory_space<vmem>>
      %dma_wait3A_23 = arith.constant 0 : i32
      %dma_wait3A_24 = arith.constant 0 : i32
      %dma_wait3A_25 = tpu.memref_slice %arg2[%dma_wait3A_23, %dma_wait3A_24] : memref<2500x128xf32, #tpu.memory_space<hbm>> -> memref<2500x128xf32, #tpu.memory_space<hbm>>
      tpu.wait_indirect_dma semaphore(%arg10 : memref<!tpu.dma_semaphore, #tpu.memory_space<semaphore_mem>>) src(%dma_wait3A_25 : memref<2500x128xf32, #tpu.memory_space<hbm>>) dst(%arg9 : memref<128x128xf32, #tpu.memory_space<vmem>>)
      "tpu.region"() ({
        %run_scoped3A = tpu.sem_alloc : memref<!tpu.dma_semaphore, #tpu.memory_space<semaphore_mem>>
        %dma_start3A_27 = arith.constant 0 : i32
        %dma_start3A_28 = tpu.memref_slice %arg8[%scan3A_14, %dma_start3A_27] : memref<79x128xi32, #tpu.memory_space<vmem>> -> memref<1x128xi32, #tpu.memory_space<vmem>>
        %dma_start3A_29 = tpu.memref_squeeze %dma_start3A_28 : memref<1x128xi32, #tpu.memory_space<vmem>> -> memref<128xi32, #tpu.memory_space<vmem>>
        %dma_start3A_30 = arith.constant 0 : i32
        %dma_start3A_31 = arith.constant 0 : i32
        %dma_start3A_32 = tpu.memref_slice %arg11[%dma_start3A_30, %dma_start3A_31] : memref<10112x128xf32, #tpu.memory_space<vmem_shared>> -> memref<10112x128xf32, #tpu.memory_space<vmem_shared>>
        tpu.enqueue_indirect_dma source(%arg9 : memref<128x128xf32, #tpu.memory_space<vmem>>) target(%dma_start3A_32 : memref<10112x128xf32, #tpu.memory_space<vmem_shared>>) offsets(%dma_start3A_29 : memref<128xi32, #tpu.memory_space<vmem>>) semaphore(%run_scoped3A : memref<!tpu.dma_semaphore, #tpu.memory_space<semaphore_mem>>) {add = true}
        %dma_wait3A_33 = arith.constant 0 : i32
        %dma_wait3A_34 = tpu.memref_slice %arg8[%scan3A_14, %dma_wait3A_33] : memref<79x128xi32, #tpu.memory_space<vmem>> -> memref<1x128xi32, #tpu.memory_space<vmem>>
        %dma_wait3A_35 = tpu.memref_squeeze %dma_wait3A_34 : memref<1x128xi32, #tpu.memory_space<vmem>> -> memref<128xi32, #tpu.memory_space<vmem>>
        %dma_wait3A_36 = arith.constant 0 : i32
        %dma_wait3A_37 = arith.constant 0 : i32
        %dma_wait3A_38 = tpu.memref_slice %arg11[%dma_wait3A_36, %dma_wait3A_37] : memref<10112x128xf32, #tpu.memory_space<vmem_shared>> -> memref<10112x128xf32, #tpu.memory_space<vmem_shared>>
        tpu.wait_indirect_dma semaphore(%run_scoped3A : memref<!tpu.dma_semaphore, #tpu.memory_space<semaphore_mem>>) src(%arg9 : memref<128x128xf32, #tpu.memory_space<vmem>>) dst(%dma_wait3A_38 : memref<10112x128xf32, #tpu.memory_space<vmem_shared>>)
        tpu.yield
      }) : () -> ()
      %scan3A_26 = arith.constant 0 : i32
      scf.yield %scan3A_26 : i32
    }
    %scan3A_8 = arith.constant 79 : i32
    %barrier3A_9 = arith.constant 0 : index
    tpu.barrier barrier_id(%barrier3A_9)
    %mul3A_10 = arith.constant 632 : i32
    %mul3A_11 = arith.muli %arg1, %mul3A_10 : i32
    %mul3A_12 = arith.constant 632 : i32
    %mul3A_13 = arith.muli %arg1, %mul3A_12 : i32
    "tpu.region"() ({
      %run_scoped3A = tpu.sem_alloc : memref<!tpu.dma_semaphore, #tpu.memory_space<semaphore_mem>>
      %dma_start3A = arith.constant 0 : i32
      %dma_start3A_14 = tpu.memref_slice %arg6[%arg0, %mul3A_13, %dma_start3A] : memref<2x10112x128xf32, #tpu.memory_space<hbm>> -> memref<1x632x128xf32, #tpu.memory_space<hbm>>
      %dma_start3A_15 = tpu.memref_squeeze %dma_start3A_14 : memref<1x632x128xf32, #tpu.memory_space<hbm>> -> memref<632x128xf32, #tpu.memory_space<hbm>>
      %dma_start3A_16 = arith.constant 0 : i32
      %dma_start3A_17 = tpu.memref_slice %arg11[%mul3A_11, %dma_start3A_16] : memref<10112x128xf32, #tpu.memory_space<vmem_shared>> -> memref<632x128xf32, #tpu.memory_space<vmem_shared>>
      tpu.enqueue_dma source(%dma_start3A_17 : memref<632x128xf32, #tpu.memory_space<vmem_shared>>) target(%dma_start3A_15 : memref<632x128xf32, #tpu.memory_space<hbm>>) target_semaphore(%run_scoped3A : memref<!tpu.dma_semaphore, #tpu.memory_space<semaphore_mem>>)
      %dma_wait3A = arith.constant 0 : i32
      %dma_wait3A_18 = tpu.memref_slice %arg6[%arg0, %mul3A_13, %dma_wait3A] : memref<2x10112x128xf32, #tpu.memory_space<hbm>> -> memref<1x632x128xf32, #tpu.memory_space<hbm>>
      %dma_wait3A_19 = tpu.memref_squeeze %dma_wait3A_18 : memref<1x632x128xf32, #tpu.memory_space<hbm>> -> memref<632x128xf32, #tpu.memory_space<hbm>>
      %dma_wait3A_20 = arith.constant 0 : i32
      %dma_wait3A_21 = tpu.memref_slice %arg11[%mul3A_11, %dma_wait3A_20] : memref<10112x128xf32, #tpu.memory_space<vmem_shared>> -> memref<632x128xf32, #tpu.memory_space<vmem_shared>>
      tpu.wait_dma2 semaphore(%run_scoped3A : memref<!tpu.dma_semaphore, #tpu.memory_space<semaphore_mem>>) src(%dma_wait3A_21 : memref<632x128xf32, #tpu.memory_space<vmem_shared>>) dst(%dma_wait3A_19 : memref<632x128xf32, #tpu.memory_space<hbm>>)
      tpu.yield
    }) : () -> ()
    return
  }
}

module attributes {stable_mosaic.version = 14 : i64} {
  func.func @_mm0_body(%arg0: memref<10000x128xf32, #tpu.memory_space<vmem>>, %arg1: memref<128x128xf32, #tpu.memory_space<vmem>>, %arg2: memref<128xf32, #tpu.memory_space<vmem>>, %arg3: memref<10000x128xf32, #tpu.memory_space<vmem>>) attributes {dimension_semantics = [], scalar_prefetch = 0 : i64, scratch_operands = 0 : i64, tpu.core_type = #tpu.core_type<tc>} {
    %get3A = arith.constant 0 : index
    %get3A_0 = arith.constant 0 : index
    %get3A_1 = vector.load %arg0[%get3A, %get3A_0] : memref<10000x128xf32, #tpu.memory_space<vmem>>, vector<10000x128xf32>
    %get3A_2 = arith.constant 0 : index
    %get3A_3 = arith.constant 0 : index
    %get3A_4 = vector.load %arg1[%get3A_2, %get3A_3] : memref<128x128xf32, #tpu.memory_space<vmem>>, vector<128x128xf32>
    %dot_general3A = arith.constant dense<0.000000e+00> : vector<10000x128xf32>
    %dot_general3A_5 = tpu.matmul %get3A_1, %get3A_4, %dot_general3A {dimension_numbers = #tpu.dot_dimension_numbers<[1], [0], [0], [1], [0, 0, 1, 1], [], []>, transpose_lhs_hint = false} : vector<10000x128xf32>, vector<128x128xf32>, vector<10000x128xf32> -> vector<10000x128xf32>
    %get3A_6 = arith.constant 0 : index
    %get3A_7 = vector.load %arg2[%get3A_6] : memref<128xf32, #tpu.memory_space<vmem>>, vector<128xf32>
    %broadcast_in_dim3A = vector.shape_cast %get3A_7 : vector<128xf32> to vector<1x128xf32>
    %add3A = vector.broadcast %broadcast_in_dim3A : vector<1x128xf32> to vector<10000x128xf32>
    %add3A_8 = arith.addf %dot_general3A_5, %add3A : vector<10000x128xf32>
    %swap3A = arith.constant 0 : index
    %swap3A_9 = arith.constant 0 : index
    %swap3A_10 = vector.load %arg3[%swap3A, %swap3A_9] : memref<10000x128xf32, #tpu.memory_space<vmem>>, vector<10000x128xf32>
    tpu.vector_store %arg3[%swap3A, %swap3A_9], %add3A_8 {strides = array<i32>} : memref<10000x128xf32, #tpu.memory_space<vmem>>, vector<10000x128xf32>,
    return
  }
}

module attributes {stable_mosaic.version = 14 : i64} {
  func.func @_combe_body(%arg0: memref<2x2560x128xf32, #tpu.memory_space<vmem>>, %arg1: memref<2x2560x128xf32, #tpu.memory_space<vmem>>, %arg2: memref<2500x128xf32, #tpu.memory_space<vmem>>) attributes {dimension_semantics = [], scalar_prefetch = 0 : i64, scratch_operands = 0 : i64, tpu.core_type = #tpu.core_type<tc>} {
    %get3A = arith.constant 0 : index
    %get3A_0 = arith.constant 0 : index
    %get3A_1 = arith.constant 0 : index
    %get3A_2 = vector.load %arg0[%get3A, %get3A_0, %get3A_1] : memref<2x2560x128xf32, #tpu.memory_space<vmem>>, vector<1x2560x128xf32>
    %get3A_3 = vector.shape_cast %get3A_2 : vector<1x2560x128xf32> to vector<2560x128xf32>
    %get3A_4 = arith.constant 1 : index
    %get3A_5 = arith.constant 0 : index
    %get3A_6 = arith.constant 0 : index
    %get3A_7 = vector.load %arg0[%get3A_4, %get3A_5, %get3A_6] : memref<2x2560x128xf32, #tpu.memory_space<vmem>>, vector<1x2560x128xf32>
    %get3A_8 = vector.shape_cast %get3A_7 : vector<1x2560x128xf32> to vector<2560x128xf32>
    %add3A = arith.addf %get3A_3, %get3A_8 : vector<2560x128xf32>
    %get3A_9 = arith.constant 0 : index
    %get3A_10 = arith.constant 0 : index
    %get3A_11 = arith.constant 0 : index
    %get3A_12 = vector.load %arg1[%get3A_9, %get3A_10, %get3A_11] : memref<2x2560x128xf32, #tpu.memory_space<vmem>>, vector<1x2560x1xf32>
    %get3A_13 = vector.shape_cast %get3A_12 : vector<1x2560x1xf32> to vector<2560x1xf32>
    %get3A_14 = arith.constant 1 : index
    %get3A_15 = arith.constant 0 : index
    %get3A_16 = arith.constant 0 : index
    %get3A_17 = vector.load %arg1[%get3A_14, %get3A_15, %get3A_16] : memref<2x2560x128xf32, #tpu.memory_space<vmem>>, vector<1x2560x1xf32>
    %get3A_18 = vector.shape_cast %get3A_17 : vector<1x2560x1xf32> to vector<2560x1xf32>
    %add3A_19 = arith.addf %get3A_13, %get3A_18 : vector<2560x1xf32>
    %jit3A = arith.constant 1.000000e+00 : f32
    %max3A = vector.broadcast %jit3A : f32 to vector<2560x1xf32>
    %max3A_20 = arith.maximumf %max3A, %add3A_19 : vector<2560x1xf32>
    %div3A = vector.broadcast %max3A_20 : vector<2560x1xf32> to vector<2560x128xf32>
    %div3A_21 = arith.divf %add3A, %div3A : vector<2560x128xf32>
    %slice3A = vector.extract_strided_slice %div3A_21 {offsets = [0, 0], sizes = [2500, 128], strides = [1, 1]} : vector<2560x128xf32> to vector<2500x128xf32>
    %swap3A = arith.constant 0 : index
    %swap3A_22 = arith.constant 0 : index
    %swap3A_23 = vector.load %arg2[%swap3A, %swap3A_22] : memref<2500x128xf32, #tpu.memory_space<vmem>>, vector<2500x128xf32>
    tpu.vector_store %arg2[%swap3A, %swap3A_22], %slice3A {strides = array<i32>} : memref<2500x128xf32, #tpu.memory_space<vmem>>, vector<2500x128xf32>,
    return
  }
}

module attributes {stable_mosaic.version = 14 : i64} {
  func.func @_prep_body(%arg0: memref<1024x8xf32, #tpu.memory_space<vmem>>, %arg1: memref<8x128xf32, #tpu.memory_space<vmem>>, %arg2: memref<128xf32, #tpu.memory_space<vmem>>, %arg3: memref<128x128xf32, #tpu.memory_space<vmem>>, %arg4: memref<128xf32, #tpu.memory_space<vmem>>, %arg5: memref<128x128xf32, #tpu.memory_space<vmem>>, %arg6: memref<128xf32, #tpu.memory_space<vmem>>, %arg7: memref<128x128xf32, #tpu.memory_space<vmem>>, %arg8: memref<128xf32, #tpu.memory_space<vmem>>, %arg9: memref<3x128xf32, #tpu.memory_space<vmem>>) attributes {dimension_semantics = [], scalar_prefetch = 0 : i64, scratch_operands = 0 : i64, tpu.core_type = #tpu.core_type<tc>} {
    %get3A = arith.constant 0 : index
    %get3A_0 = arith.constant 0 : index
    %get3A_1 = vector.load %arg0[%get3A, %get3A_0] : memref<1024x8xf32, #tpu.memory_space<vmem>>, vector<1024x8xf32>
    %get3A_2 = arith.constant 0 : index
    %get3A_3 = arith.constant 0 : index
    %get3A_4 = vector.load %arg1[%get3A_2, %get3A_3] : memref<8x128xf32, #tpu.memory_space<vmem>>, vector<8x128xf32>
    %dot_general3A = arith.constant dense<0.000000e+00> : vector<1024x128xf32>
    %dot_general3A_5 = tpu.matmul %get3A_1, %get3A_4, %dot_general3A {dimension_numbers = #tpu.dot_dimension_numbers<[1], [0], [0], [1], [0, 0, 1, 1], [], []>, transpose_lhs_hint = false} : vector<1024x8xf32>, vector<8x128xf32>, vector<1024x128xf32> -> vector<1024x128xf32>
    %get3A_6 = arith.constant 0 : index
    %get3A_7 = vector.load %arg2[%get3A_6] : memref<128xf32, #tpu.memory_space<vmem>>, vector<128xf32>
    %broadcast_in_dim3A = vector.shape_cast %get3A_7 : vector<128xf32> to vector<1x128xf32>
    %add3A = vector.broadcast %broadcast_in_dim3A : vector<1x128xf32> to vector<1024x128xf32>
    %add3A_8 = arith.addf %dot_general3A_5, %add3A : vector<1024x128xf32>
    %max3A = arith.constant 0.000000e+00 : f32
    %max3A_9 = vector.broadcast %max3A : f32 to vector<1024x128xf32>
    %max3A_10 = arith.maximumf %add3A_8, %max3A_9 : vector<1024x128xf32>
    %reduce_sum3A = arith.constant dense<0.000000e+00> : vector<128xf32>
    %reduce_sum3A_11 = vector.multi_reduction <add>, %max3A_10, %reduce_sum3A [0] : vector<1024x128xf32> to vector<128xf32>
    %broadcast_in_dim3A_12 = vector.shape_cast %reduce_sum3A_11 : vector<128xf32> to vector<1x128xf32>
    %div3A = arith.constant 1.024000e+03 : f32
    %div3A_13 = vector.broadcast %div3A : f32 to vector<1x128xf32>
    %div3A_14 = arith.divf %broadcast_in_dim3A_12, %div3A_13 : vector<1x128xf32>
    %get3A_15 = arith.constant 0 : index
    %get3A_16 = arith.constant 0 : index
    %get3A_17 = vector.load %arg3[%get3A_15, %get3A_16] : memref<128x128xf32, #tpu.memory_space<vmem>>, vector<128x128xf32>
    %dot_general3A_18 = arith.constant dense<0.000000e+00> : vector<1x128xf32>
    %dot_general3A_19 = tpu.matmul %div3A_14, %get3A_17, %dot_general3A_18 {dimension_numbers = #tpu.dot_dimension_numbers<[1], [0], [0], [1], [0, 0, 1, 1], [], []>, transpose_lhs_hint = false} : vector<1x128xf32>, vector<128x128xf32>, vector<1x128xf32> -> vector<1x128xf32>
    %get3A_20 = arith.constant 0 : index
    %get3A_21 = vector.load %arg4[%get3A_20] : memref<128xf32, #tpu.memory_space<vmem>>, vector<128xf32>
    %broadcast_in_dim3A_22 = vector.shape_cast %get3A_21 : vector<128xf32> to vector<1x128xf32>
    %add3A_23 = arith.addf %dot_general3A_19, %broadcast_in_dim3A_22 : vector<1x128xf32>
    %get3A_24 = arith.constant 0 : index
    %get3A_25 = arith.constant 0 : index
    %get3A_26 = vector.load %arg5[%get3A_24, %get3A_25] : memref<128x128xf32, #tpu.memory_space<vmem>>, vector<128x128xf32>
    %dot_general3A_27 = arith.constant dense<0.000000e+00> : vector<1x128xf32>
    %dot_general3A_28 = tpu.matmul %add3A_23, %get3A_26, %dot_general3A_27 {dimension_numbers = #tpu.dot_dimension_numbers<[1], [0], [0], [1], [0, 0, 1, 1], [], []>, transpose_lhs_hint = false} : vector<1x128xf32>, vector<128x128xf32>, vector<1x128xf32> -> vector<1x128xf32>
    %get3A_29 = arith.constant 0 : index
    %get3A_30 = vector.load %arg6[%get3A_29] : memref<128xf32, #tpu.memory_space<vmem>>, vector<128xf32>
    %broadcast_in_dim3A_31 = vector.shape_cast %get3A_30 : vector<128xf32> to vector<1x128xf32>
    %add3A_32 = arith.addf %dot_general3A_28, %broadcast_in_dim3A_31 : vector<1x128xf32>
    %get3A_33 = arith.constant 0 : index
    %get3A_34 = arith.constant 0 : index
    %get3A_35 = vector.load %arg7[%get3A_33, %get3A_34] : memref<128x128xf32, #tpu.memory_space<vmem>>, vector<128x128xf32>
    %dot_general3A_36 = arith.constant dense<0.000000e+00> : vector<1x128xf32>
    %dot_general3A_37 = tpu.matmul %add3A_32, %get3A_35, %dot_general3A_36 {dimension_numbers = #tpu.dot_dimension_numbers<[1], [0], [0], [1], [0, 0, 1, 1], [], []>, transpose_lhs_hint = false} : vector<1x128xf32>, vector<128x128xf32>, vector<1x128xf32> -> vector<1x128xf32>
    %get3A_38 = arith.constant 0 : index
    %get3A_39 = vector.load %arg8[%get3A_38] : memref<128xf32, #tpu.memory_space<vmem>>, vector<128xf32>
    %broadcast_in_dim3A_40 = vector.shape_cast %get3A_39 : vector<128xf32> to vector<1x128xf32>
    %add3A_41 = arith.addf %dot_general3A_37, %broadcast_in_dim3A_40 : vector<1x128xf32>
    %swap3A = arith.constant 0 : index
    %swap3A_42 = arith.constant 0 : index
    %swap3A_43 = vector.load %arg9[%swap3A, %swap3A_42] : memref<3x128xf32, #tpu.memory_space<vmem>>, vector<1x128xf32>
    tpu.vector_store %arg9[%swap3A, %swap3A_42], %add3A_23 {strides = array<i32>} : memref<3x128xf32, #tpu.memory_space<vmem>>, vector<1x128xf32>,
    %swap3A_44 = arith.constant 1 : index
    %swap3A_45 = arith.constant 0 : index
    %swap3A_46 = vector.load %arg9[%swap3A_44, %swap3A_45] : memref<3x128xf32, #tpu.memory_space<vmem>>, vector<1x128xf32>
    tpu.vector_store %arg9[%swap3A_44, %swap3A_45], %add3A_32 {strides = array<i32>} : memref<3x128xf32, #tpu.memory_space<vmem>>, vector<1x128xf32>,
    %swap3A_47 = arith.constant 2 : index
    %swap3A_48 = arith.constant 0 : index
    %swap3A_49 = vector.load %arg9[%swap3A_47, %swap3A_48] : memref<3x128xf32, #tpu.memory_space<vmem>>, vector<1x128xf32>
    tpu.vector_store %arg9[%swap3A_47, %swap3A_48], %add3A_41 {strides = array<i32>} : memref<3x128xf32, #tpu.memory_space<vmem>>, vector<1x128xf32>,
    return
  }
}

module attributes {stable_mosaic.version = 14 : i64} {
  func.func @_final_body(%arg0: memref<2x10112x128xf32, #tpu.memory_space<vmem>>, %arg1: memref<2x10112x128xf32, #tpu.memory_space<vmem>>, %arg2: memref<1x128xf32, #tpu.memory_space<vmem>>, %arg3: memref<10000x128xf32, #tpu.memory_space<vmem>>) attributes {dimension_semantics = [], scalar_prefetch = 0 : i64, scratch_operands = 0 : i64, tpu.core_type = #tpu.core_type<tc>} {
    %get3A = arith.constant 0 : index
    %get3A_0 = arith.constant 0 : index
    %get3A_1 = arith.constant 0 : index
    %get3A_2 = vector.load %arg0[%get3A, %get3A_0, %get3A_1] : memref<2x10112x128xf32, #tpu.memory_space<vmem>>, vector<1x10112x128xf32>
    %get3A_3 = vector.shape_cast %get3A_2 : vector<1x10112x128xf32> to vector<10112x128xf32>
    %get3A_4 = arith.constant 1 : index
    %get3A_5 = arith.constant 0 : index
    %get3A_6 = arith.constant 0 : index
    %get3A_7 = vector.load %arg0[%get3A_4, %get3A_5, %get3A_6] : memref<2x10112x128xf32, #tpu.memory_space<vmem>>, vector<1x10112x128xf32>
    %get3A_8 = vector.shape_cast %get3A_7 : vector<1x10112x128xf32> to vector<10112x128xf32>
    %add3A = arith.addf %get3A_3, %get3A_8 : vector<10112x128xf32>
    %get3A_9 = arith.constant 0 : index
    %get3A_10 = arith.constant 0 : index
    %get3A_11 = arith.constant 0 : index
    %get3A_12 = vector.load %arg1[%get3A_9, %get3A_10, %get3A_11] : memref<2x10112x128xf32, #tpu.memory_space<vmem>>, vector<1x10112x1xf32>
    %get3A_13 = vector.shape_cast %get3A_12 : vector<1x10112x1xf32> to vector<10112x1xf32>
    %get3A_14 = arith.constant 1 : index
    %get3A_15 = arith.constant 0 : index
    %get3A_16 = arith.constant 0 : index
    %get3A_17 = vector.load %arg1[%get3A_14, %get3A_15, %get3A_16] : memref<2x10112x128xf32, #tpu.memory_space<vmem>>, vector<1x10112x1xf32>
    %get3A_18 = vector.shape_cast %get3A_17 : vector<1x10112x1xf32> to vector<10112x1xf32>
    %add3A_19 = arith.addf %get3A_13, %get3A_18 : vector<10112x1xf32>
    %jit3A = arith.constant 1.000000e+00 : f32
    %max3A = vector.broadcast %jit3A : f32 to vector<10112x1xf32>
    %max3A_20 = arith.maximumf %max3A, %add3A_19 : vector<10112x1xf32>
    %div3A = vector.broadcast %max3A_20 : vector<10112x1xf32> to vector<10112x128xf32>
    %div3A_21 = arith.divf %add3A, %div3A : vector<10112x128xf32>
    %get3A_22 = arith.constant 0 : index
    %get3A_23 = arith.constant 0 : index
    %get3A_24 = vector.load %arg2[%get3A_22, %get3A_23] : memref<1x128xf32, #tpu.memory_space<vmem>>, vector<1x128xf32>
    %add3A_25 = arith.constant 1.000000e+00 : f32
    %add3A_26 = vector.broadcast %add3A_25 : f32 to vector<1x128xf32>
    %add3A_27 = arith.addf %add3A_26, %get3A_24 : vector<1x128xf32>
    %mul3A = vector.broadcast %add3A_27 : vector<1x128xf32> to vector<10112x128xf32>
    %mul3A_28 = arith.mulf %div3A_21, %mul3A : vector<10112x128xf32>
    %max3A_29 = arith.constant 0.000000e+00 : f32
    %max3A_30 = vector.broadcast %max3A_29 : f32 to vector<10112x128xf32>
    %max3A_31 = arith.maximumf %mul3A_28, %max3A_30 : vector<10112x128xf32>
    %slice3A = vector.extract_strided_slice %max3A_31 {offsets = [0, 0], sizes = [10000, 128], strides = [1, 1]} : vector<10112x128xf32> to vector<10000x128xf32>
    %swap3A = arith.constant 0 : index
    %swap3A_32 = arith.constant 0 : index
    %swap3A_33 = vector.load %arg3[%swap3A, %swap3A_32] : memref<10000x128xf32, #tpu.memory_space<vmem>>, vector<10000x128xf32>
    tpu.vector_store %arg3[%swap3A, %swap3A_32], %slice3A {strides = array<i32>} : memref<10000x128xf32, #tpu.memory_space<vmem>>, vector<10000x128xf32>,
    return
  }
}

module attributes {stable_mosaic.version = 14 : i64} {
  func.func @_cvm_body(%arg0: memref<2x10112x128xf32, #tpu.memory_space<vmem>>, %arg1: memref<2x10112x128xf32, #tpu.memory_space<vmem>>, %arg2: memref<1x128xf32, #tpu.memory_space<vmem>>, %arg3: memref<128x128xf32, #tpu.memory_space<vmem>>, %arg4: memref<128xf32, #tpu.memory_space<vmem>>, %arg5: memref<10000x128xf32, #tpu.memory_space<vmem>>) attributes {dimension_semantics = [], scalar_prefetch = 0 : i64, scratch_operands = 0 : i64, tpu.core_type = #tpu.core_type<tc>} {
    %get3A = arith.constant 0 : index
    %get3A_0 = arith.constant 0 : index
    %get3A_1 = arith.constant 0 : index
    %get3A_2 = vector.load %arg0[%get3A, %get3A_0, %get3A_1] : memref<2x10112x128xf32, #tpu.memory_space<vmem>>, vector<1x10112x128xf32>
    %get3A_3 = vector.shape_cast %get3A_2 : vector<1x10112x128xf32> to vector<10112x128xf32>
    %get3A_4 = arith.constant 1 : index
    %get3A_5 = arith.constant 0 : index
    %get3A_6 = arith.constant 0 : index
    %get3A_7 = vector.load %arg0[%get3A_4, %get3A_5, %get3A_6] : memref<2x10112x128xf32, #tpu.memory_space<vmem>>, vector<1x10112x128xf32>
    %get3A_8 = vector.shape_cast %get3A_7 : vector<1x10112x128xf32> to vector<10112x128xf32>
    %add3A = arith.addf %get3A_3, %get3A_8 : vector<10112x128xf32>
    %get3A_9 = arith.constant 0 : index
    %get3A_10 = arith.constant 0 : index
    %get3A_11 = arith.constant 0 : index
    %get3A_12 = vector.load %arg1[%get3A_9, %get3A_10, %get3A_11] : memref<2x10112x128xf32, #tpu.memory_space<vmem>>, vector<1x10112x1xf32>
    %get3A_13 = vector.shape_cast %get3A_12 : vector<1x10112x1xf32> to vector<10112x1xf32>
    %get3A_14 = arith.constant 1 : index
    %get3A_15 = arith.constant 0 : index
    %get3A_16 = arith.constant 0 : index
    %get3A_17 = vector.load %arg1[%get3A_14, %get3A_15, %get3A_16] : memref<2x10112x128xf32, #tpu.memory_space<vmem>>, vector<1x10112x1xf32>
    %get3A_18 = vector.shape_cast %get3A_17 : vector<1x10112x1xf32> to vector<10112x1xf32>
    %add3A_19 = arith.addf %get3A_13, %get3A_18 : vector<10112x1xf32>
    %jit3A = arith.constant 1.000000e+00 : f32
    %max3A = vector.broadcast %jit3A : f32 to vector<10112x1xf32>
    %max3A_20 = arith.maximumf %max3A, %add3A_19 : vector<10112x1xf32>
    %div3A = vector.broadcast %max3A_20 : vector<10112x1xf32> to vector<10112x128xf32>
    %div3A_21 = arith.divf %add3A, %div3A : vector<10112x128xf32>
    %get3A_22 = arith.constant 0 : index
    %get3A_23 = arith.constant 0 : index
    %get3A_24 = vector.load %arg2[%get3A_22, %get3A_23] : memref<1x128xf32, #tpu.memory_space<vmem>>, vector<1x128xf32>
    %add3A_25 = arith.constant 1.000000e+00 : f32
    %add3A_26 = vector.broadcast %add3A_25 : f32 to vector<1x128xf32>
    %add3A_27 = arith.addf %add3A_26, %get3A_24 : vector<1x128xf32>
    %mul3A = vector.broadcast %add3A_27 : vector<1x128xf32> to vector<10112x128xf32>
    %mul3A_28 = arith.mulf %div3A_21, %mul3A : vector<10112x128xf32>
    %max3A_29 = arith.constant 0.000000e+00 : f32
    %max3A_30 = vector.broadcast %max3A_29 : f32 to vector<10112x128xf32>
    %max3A_31 = arith.maximumf %mul3A_28, %max3A_30 : vector<10112x128xf32>
    %slice3A = vector.extract_strided_slice %max3A_31 {offsets = [0, 0], sizes = [10000, 128], strides = [1, 1]} : vector<10112x128xf32> to vector<10000x128xf32>
    %get3A_32 = arith.constant 0 : index
    %get3A_33 = arith.constant 0 : index
    %get3A_34 = vector.load %arg3[%get3A_32, %get3A_33] : memref<128x128xf32, #tpu.memory_space<vmem>>, vector<128x128xf32>
    %dot_general3A = arith.constant dense<0.000000e+00> : vector<10000x128xf32>
    %dot_general3A_35 = tpu.matmul %slice3A, %get3A_34, %dot_general3A {dimension_numbers = #tpu.dot_dimension_numbers<[1], [0], [0], [1], [0, 0, 1, 1], [], []>, transpose_lhs_hint = false} : vector<10000x128xf32>, vector<128x128xf32>, vector<10000x128xf32> -> vector<10000x128xf32>
    %get3A_36 = arith.constant 0 : index
    %get3A_37 = vector.load %arg4[%get3A_36] : memref<128xf32, #tpu.memory_space<vmem>>, vector<128xf32>
    %broadcast_in_dim3A = vector.shape_cast %get3A_37 : vector<128xf32> to vector<1x128xf32>
    %add3A_38 = vector.broadcast %broadcast_in_dim3A : vector<1x128xf32> to vector<10000x128xf32>
    %add3A_39 = arith.addf %dot_general3A_35, %add3A_38 : vector<10000x128xf32>
    %swap3A = arith.constant 0 : index
    %swap3A_40 = arith.constant 0 : index
    %swap3A_41 = vector.load %arg5[%swap3A, %swap3A_40] : memref<10000x128xf32, #tpu.memory_space<vmem>>, vector<10000x128xf32>
    tpu.vector_store %arg5[%swap3A, %swap3A_40], %add3A_39 {strides = array<i32>} : memref<10000x128xf32, #tpu.memory_space<vmem>>, vector<10000x128xf32>,
    return
  }
}

</mosaic_0001>

<sc_bundles>
// kernel: kernel.18.cloned.1.call-start
scs
__scs_entry_jumppad:
0x0: {  	(pc) =	sbr.rel $0x88, $3  }
0x1: {  	(tag) =	ssettag $0x0;
	lr =	simm.s32 $0x1  }
0x2: {  	[smem:$0x3F8F] =	sst lr;
	_ =	strace $0xD0000000  }
0x3: {  	_ = 	snop  }
0x4: {  	_ = 	snop  }
0x5: {  	_ = 	snop  }
0x6: {  	_ = 	snop  }
0x7: {  	_ = 	snop  }
__scs_overlays_trampoline_lowered:
0x8: {  	[smem:$0x3F9E] =	sst s0  }
0x9: {  	[smem:$0x3F9F] =	sst s1  }
0xa: {  	[smem:$0x3FA0] =	sst s2  }
0xb: {  	[smem:$0x3FA1] =	sst s3  }
0xc: {  	[smem:$0x3FA2] =	sst s4  }
0xd: {  	[smem:$0x3FA3] =	sst s5  }
0xe: {  	[smem:$0x3FA4] =	sst s6  }
0xf: {  	[smem:$0x3FA5] =	sst s7  }
0x10: {  	[smem:$0x3FA6] =	sst s8  }
0x11: {  	[smem:$0x3FA7] =	sst s9;
	s0 =	simm.s32 @!p0 $0x0  }
0x12: {  	s1 =	sld [smem:$0x3F8D];
	s0 =	simm.s32 @p0 $0x1  }
0x13: {  	[smem:$0x3FA8] =	sst s0;
	s0 =	simm.s32 @!p1 $0x0  }
0x14: {  	s2 =	sld [smem:$0x3F8C];
	s0 =	simm.s32 @p1 $0x1  }
0x15: {  	[smem:$0x3FA9] =	sst s0;
	s0 =	simm.s32 @!p2 $0x0  }
0x16: {  	s3 =	sld [smem:$0x3FDB];
	s0 =	simm.s32 @p2 $0x1  }
0x17: {  	s4 =	simm.s32 $0x1BF5;
	[smem:$0x3FAB] =	sst s0  }
0x18: {  	s0 =	sld [smem:$0x3F8E];
	_ =	swait.ge [sflag:s4], $0x0  }
0x19: {  	s7 =	sld [smem:$0x3F8F]  }
0x1a: {  	s8 =	sadd.s32 $0xFFFFE003, lr  }
0x1b: {  	s9 =	sadd.s32 $0xFFFFFEF7, lr;
	s5 =	simm.s32 $0xFFFFFFFF;
	p2 =	slt.u32 s8, $0xFFFFF086  }
0x1c: {  	p1 =	slt.u32 s9, $0xF7A;
	s5 =	simm.s32 @!p2 $0x0  }
0x1d: {  	s5 =	simm.s32 @p1 $0x1;
	p0 =	seq.s32 s7, s2  }
0x1e: {  	s7 =	smul.u32 @!p0 $0xF7A, s2;
	p2 =	seq.s32 @!p0 s5, $0x0  }
0x1f: {  	s9 =	smul.u32 $0xF7A, s1;
	s8 =	simm.s32 @!p0 $0x1BF5;
	p2 =	por !p2, p0  }
0x20: {  	[sflag:s8] =	ssyncset.s32 @!p0 $0xFFFFF086;
	s6 =	sadd.s32 @!p0 s3, s7;
	s7 =	simm.s32 @!p0 $0x108  }
0x21: {  	s3 =	sadd.s32 s3, s9;
	s6 =	sadd.s32 @!p0 $0x88, s6;
	s7 =	simm.s32 @p2 $0x1082  }
0x22: {  	[simem:s7], [sflag:s8] =	dma.local @!p0 [hbm:s6], $0xF7A  }
0x23: {  	s9 =	sor.u32 $0xD0000000, s2;
	s6 =	simm.s32 $0x108;
	_ =	swait.ge @!p0 [sflag:s8], $0x0  }
0x24: {  	s3 =	sadd.s32 $0x88, s3;
	s6 =	simm.s32 @!p1 $0x1082;
	[sflag:s4] =	ssyncset.s32 $0xFFFFF086  }
0x25: {  	[simem:s6], [sflag:s4] =	dma.local [hbm:s3], $0xF7A  }
0x26: {  	[smem:$0x3F8F] =	sst s1;
	(tag) =	ssettag s2;
	_ =	strace s9  }
0x27: {  	s1 =	sld [smem:$0x3F9F]  }
0x28: {  	s2 =	sld [smem:$0x3FA0]  }
0x29: {  	s4 =	sld [smem:$0x3FA2]  }
0x2a: {  	p0 =	seq.s32 s5, $0x0;
	s5 =	sld [smem:$0x3FA3]  }
0x2b: {  	s6 =	sld [smem:$0x3FA4]  }
0x2c: {  	s7 =	sld [smem:$0x3FA5]  }
0x2d: {  	s3 =	simm.s32 $0x108;
	s8 =	sld [smem:$0x3FA6]  }
0x2e: {  	s3 =	simm.s32 @!p0 $0x1082;
	s9 =	sld [smem:$0x3FA7]  }
0x2f: {  	lr =	sadd.s32 s0, s3;
	s0 =	sld [smem:$0x3F9E]  }
0x30: {  	s3 =	sld [smem:$0x3FA1]  }
0x31: {  	[smem:$0x3FAA] =	sst s10  }
0x32: {  	s10 =	sld [smem:$0x3FA8];
	_ =	sdelay $0x3  }
0x33: {  	p0 =	seq.s32 s10, $0x1;
	s10 =	sld [smem:$0x3FAA];
	_ =	sdelay $0x3  }
0x34: {  	[smem:$0x3FAA] =	sst s10  }
0x35: {  	s10 =	sld [smem:$0x3FA9];
	_ =	sdelay $0x3  }
0x36: {  	p1 =	seq.s32 s10, $0x1;
	s10 =	sld [smem:$0x3FAA];
	_ =	sdelay $0x3  }
0x37: {  	[smem:$0x3FAA] =	sst s10  }
0x38: {  	s10 =	sld [smem:$0x3FAB]  }
0x39: {  	_ = 	snop;
	(pc) =	sbr.ind lr, $3  }
0x3a: {  	_ = 	snop  }
0x3b: {  	_ = 	snop  }
0x3c: {  	p2 =	seq.s32 s10, $0x1;
	s10 =	sld [smem:$0x3FAA]  }
0x3d: {  	_ =	shalt  }
0x3e: {  	_ =	shalt  }
0x3f: {  	_ =	shalt  }
0x40: {  	_ =	shalt  }
0x41: {  	_ =	shalt  }
0x42: {  	_ =	shalt  }
0x43: {  	_ =	shalt  }
0x44: {  	_ =	shalt  }
0x45: {  	_ =	shalt  }
0x46: {  	_ =	shalt  }
0x47: {  	_ =	shalt  }
0x48: {  	_ =	shalt  }
0x49: {  	_ =	shalt  }
0x4a: {  	_ =	shalt  }
0x4b: {  	_ =	shalt  }
0x4c: {  	_ =	shalt  }
0x4d: {  	_ =	shalt  }
0x4e: {  	_ =	shalt  }
0x4f: {  	_ =	shalt  }
0x50: {  	_ =	shalt  }
0x51: {  	_ =	shalt  }
0x52: {  	_ =	shalt  }
0x53: {  	_ =	shalt  }
0x54: {  	_ =	shalt  }
0x55: {  	_ =	shalt  }
0x56: {  	_ =	shalt  }
0x57: {  	_ =	shalt  }
0x58: {  	_ =	shalt  }
0x59: {  	_ =	shalt  }
0x5a: {  	_ =	shalt  }
0x5b: {  	_ =	shalt  }
0x5c: {  	_ =	shalt  }
0x5d: {  	_ =	shalt  }
0x5e: {  	_ =	shalt  }
0x5f: {  	_ =	shalt  }
0x60: {  	_ =	shalt  }
0x61: {  	_ =	shalt  }
0x62: {  	_ =	shalt  }
0x63: {  	_ =	shalt  }
0x64: {  	_ =	shalt  }
0x65: {  	_ =	shalt  }
0x66: {  	_ =	shalt  }
0x67: {  	_ =	shalt  }
0x68: {  	_ =	shalt  }
0x69: {  	_ =	shalt  }
0x6a: {  	_ =	shalt  }
0x6b: {  	_ =	shalt  }
0x6c: {  	_ =	shalt  }
0x6d: {  	_ =	shalt  }
0x6e: {  	_ =	shalt  }
0x6f: {  	_ =	shalt  }
0x70: {  	_ =	shalt  }
0x71: {  	_ =	shalt  }
0x72: {  	_ =	shalt  }
0x73: {  	_ =	shalt  }
0x74: {  	_ =	shalt  }
0x75: {  	_ =	shalt  }
0x76: {  	_ =	shalt  }
0x77: {  	_ =	shalt  }
0x78: {  	_ =	shalt  }
0x79: {  	_ =	shalt  }
0x7a: {  	_ =	shalt  }
0x7b: {  	_ =	shalt  }
0x7c: {  	_ =	shalt  }
0x7d: {  	_ =	shalt  }
0x7e: {  	_ =	shalt  }
0x7f: {  	_ =	shalt  }
0x80: {  	_ =	shalt  }
0x81: {  	_ =	shalt  }
0x82: {  	_ =	shalt  }
0x83: {  	_ =	shalt  }
0x84: {  	_ =	shalt  }
0x85: {  	_ =	shalt  }
0x86: {  	_ =	shalt  }
0x87: {  	_ =	shalt  }
.Lfunc_end0:
.L_simem_size_0:
called_computation_lowered:
.L_overlay_start_0:
0x88: {  	s2 =	sld [smem:$0x3FD9]  }
0x89: {  	s3 =	sld [smem:$0x3FFE];
	_ =	sdelay $0x1  }
0x8a: {  	s1 =	srdreg.scid  }
0x8b: {  	s0 =	sand.u32 $0x1, s1  }
0x8c: {  	s16 =	sshll.u32 s0, $0xA;
	s2 =	sadd.s32 s3, s2  }
0x8d: {  	s2 =	sadd.s32 s2, s16  }
0x8e: {  	[smem:$0x3FB6] =	sst s2  }
0x8f: {  	_ = 	snop  }
0x90: {  	(tm) =	ssettm $0x1  }
0x91: {  	s17 =	sld [smem:$0x3FFB];
	_ =	sdelay $0x3  }
0x92: {  	_ =	strace s17  }
0x93: {  	s2 =	sld [smem:$0x3FFC];
	_ =	sdelay $0x3  }
0x94: {  	_ =	strace s2  }
0x95: {  	s2 =	sld [smem:$0x3FFD];
	_ =	sdelay $0x3  }
0x96: {  	_ =	strace s2  }
0x97: {  	_ =	strace $0x8FFFFFFF  }
0x98: {  	s18 =	sld [smem:$0x3FDB];
	_ =	sdelay $0x1  }
0x99: {  	s19 =	simm.s32 $_scs_section_size  }
0x9a: {  	s4 =	simm.s32 $_size__tile_overlayer_lowered;
	s5 =	simm.s32 $_tile_overlayer_lowered  }
0x9b: {  	s22 =	simm.s32 $0x1BFF;
	s21 =	sshll.u32 s5, $0x1;
	s2 =	sadd.s32 s19, s18  }
0x9c: {  	s6 =	simm.s32 $0x0;
	s20 =	sshll.u32 s4, $0x1;
	s4 =	sadd.s32 s21, s2  }
0x9d: {  	[timem:s6], [sflag:s22] =	dma.local [hbm:s4], s20  }
0x9e: {  	_ =	swait.ge [sflag:s22], s20  }
0x9f: {  	s3 =	ssub.s32 $0x0, s20;
	[sflag:s22] =	ssyncset.done $0x0  }
0xa0: {  	[sflag:s22] =	ssyncadd.s32 s3;
	_ =	sdelay $0x1  }
0xa1: {  	s23 =	simm.s32 $0x1B8B  }
0xa2: {  	_ =	swait.ge [sflag:s23], $0x1  }
0xa3: {  	[sflag:s23] =	ssyncset.done $0x0  }
0xa4: {  	s25 =	simm.s32 $0x1B8E;
	s24 =	sld [smem:$0x3FFE];
	[sflag:s23] =	ssyncadd.s32 $0xFFFFFFFF  }
0xa5: {  	s26 =	simm.s32 $execute0_lowered;
	[smem:$0x3FD2] =	sst s25  }
0xa6: {  	s4 =	sshll.u32 s26, $0x1;
	_ =	strace $0x80000046;
	[dreg:$0x1] =	wrdreg $0xFFFFFFFF  }
0xa7: {  	s28 =	simm.s32 $_size_execute0_lowered;
	s2 =	sadd.s32 s2, s4;
	[dreg:$0x0] =	wrdreg $0x0  }
0xa8: {  	s4 =	sshll.u32 s28, $0x1;
	[dreg:$0x2] =	wrdreg s2  }
0xa9: {  	[dreg:$0x3] =	wrdreg s4  }
0xaa: {  	[dreg:$0x4] =	wrdreg $0xC0  }
0xab: {  	_ =	task [dreg:s6], $0x5FFFF  }
0xac: {  	[dreg:$0x1] =	wrdreg $0xFFFFFFFF  }
0xad: {  	[dreg:$0x0] =	wrdreg $0x60  }
0xae: {  	[dreg:$0x2] =	wrdreg s24  }
0xaf: {  	[dreg:$0x3] =	wrdreg $0x90000  }
0xb0: {  	[dreg:$0x4] =	wrdreg $0xA  }
0xb1: {  	_ =	task.clear_ibuf [dreg:s6], $0x5FFFF;
	_ =	strace $0x90000046  }
0xb2: {  	s29 =	simm.s32 $0xA;
	_ =	strace $0x80000048  }
0xb3: {  	_ =	swait.ge [sflag:s29], $0x1  }
0xb4: {  	[sflag:s29] =	ssyncadd.s32 $0xFFFFFFFF  }
0xb5: {  	_ =	strace $0x90000048  }
0xb6: {  	_ =	sfence  }
0xb7: {  	s30 =	sld [smem:$0x0];
	_ =	sdelay $0x2  }
0xb8: {  	s31 =	sshll.u32 s1, $0xD;
	s1 =	sshrl.u32 s1, $0x2  }
0xb9: {  	s3 =	sand.u32 $0x4000, s31;
	s1 =	sadd.s32 s1, s30  }
0xba: {  	s0 =	sor.u32 s3, s0;
	s1 =	sshll.u32 s1, $0x11  }
0xbb: {  	s0 =	sor.u32 s1, s0  }
0xbc: {  	s0 =	sadd.s32 $0x8F2B, s0  }
0xbd: {  	[sflag:s0] =	ssyncadd.remote.s32 $0x1  }
0xbe: {  	_ =	sfence.sel $0xFFFF  }
0xbf: {  	[dreg:$0x0] =	wrdreg $0xFFFFFFFF;
	(pc) =	sbr.abs _section_cstart, $3  }
0xc0: {  	[dreg:$0x1] =	wrdreg $0xFFFFFFFF  }
0xc1: {  	_ =	task.clear_ibuf [dreg:s6], $0x2FFFF;
	_ =	strace $0x9FFFFFFF  }
0xc2: {  	(tm) =	ssettm $0x7FFFFFFF  }
0xc3: {  	_ =	shalt  }
tec
execute0_lowered:
.L_overlay_start_1:
0x0: {  	(tag) =	ssettag $0x1  }
0x1: {  	s5 =	rddreg [dreg:$0x0]  }
0x2: {  	s0 =	srdreg.scid;
	s2 =	rddreg [dreg:$0x1]  }
0x3: {  	s1 =	rddreg [dreg:$0x2];
	s3 =	simm.s32 $0x0;
	s6 =	sand.u32 $0x1, s0  }
0x4: {  	s14 =	simm.s32 $0x80;
	s0 =	stileid.u32;
	s4 =	smul.u32 $0x28000, s6  }
0x5: {  	s15 =	simm.s32 $0x5000;
	s16 =	simm.s32 $0x1;
	s7 =	smul.u32 $0x2800, s0  }
0x6: {  	s17 =	simm.s32 $0x0;
	[smem:$0x7FF] =	sst s3;
	s28 =	smul.u32 $0x5000, s0  }
0x7: {  	_ =	strace $0x80000047;
	s9 =	smul.u32 $0x50000, s6;
	s6 =	ssub.s32 $0x2, s6  }
0x8: {  	s29 =	smul.u32 $0x14000, s0;
	s31 =	sshll.u32 s0, $0x6;
	s11 =	sshrl.u32 s6, $0x1  }
0x9: {  	s4 =	sadd.s32 s7, s4;
	s10 =	sshrl.u32 s28, $0x3;
	s7 =	sadd.s32 s28, s9  }
0xa: {  	s11 =	ssub.s32 s6, s11;
	s30 =	sshrl.u32 s29, $0x2;
	s8 =	sshrl.u32 s4, $0x3  }
0xb: {  	s4 =	sadd.s32 $0x25400, s5;
	s10 =	sadd.s32 s10, s5;
	s7 =	sshrl.u32 s7, $0x3  }
0xc: {  	s13 =	sadd.s32 s30, s2;
	s9 =	smax.u32 s11, $0x1;
	s11 =	simm.s32 $0x2800  }
0xd: {  	s8 =	sadd.s32 s8, s5;
	s12 =	sadd.s32 s7, s5;
	s7 =	sadd.s32 $0x1B400, s10  }
0xe: {  	s10 =	simm.s32 $0x2;
	s13 =	sshrl.u32 s13, $0x3;
	s5 =	sadd.s32 $0x7400, s8  }
0xf: {  	s6 =	sadd.s32 $0x11400, s8;
	s8 =	sadd.s32 $0x4C600, s12;
	s12 =	sor.u32 $0x1C02, s31  }
.LBB2_1:
0x10: {  	[tilespmem:s3], [sflag:$0x2] =	stream.linear.gather [hbm4b:s5+s3], $0x2780, $0x38;
	[tilespmem:$0xE000] =	vst v63  }
0x11: {  	_ =	swait.ge [sflag:s10], $0x2780  }
0x12: {  	[sflag:s10] =	ssyncset.done $0x0  }
0x13: {  	[sflag:s10] =	ssyncadd.s32 $0xFFFFD880  }
0x14: {  	[tilespmem:s11], [sflag:$0x2] =	stream.linear.gather [hbm4b:s6+s3], $0x2780, $0x38;
	[tilespmem:$0xE000] =	vst v63  }
0x15: {  	_ =	swait.ge [sflag:s10], $0x2780  }
0x16: {  	[sflag:s10] =	ssyncset.done $0x0  }
0x17: {  	[sflag:s10] =	ssyncadd.s32 $0xFFFFD880  }
0x18: {  	[spmem:s13], [sflag:s12] =	dma.local [hbm:s7], $0xA00  }
0x19: {  	_ =	swait.ge [sflag:s10], $0xA00  }
0x1a: {  	[sflag:s10] =	ssyncset.done $0x0  }
0x1b: {  	[sflag:s10] =	ssyncadd.s32 $0xFFFFF600  }
0x1c: {  	s18 =	simm.s32 $0x0;
	[bflag:$0x0] =	sbarrier.arrive $0xFFFF  }
0x1d: {  	[tilespmem:s15], [sflag:$0x1] =	stream.indirect.gather [hbm4b:s4+s14], $0x80, s18, s14, $0xb8;
	[tilespmem:$0xE000] =	vst v63  }
0x1e: {  	_ =	swait.ge [sflag:s16], $0x4000  }
0x1f: {  	[sflag:s16] =	ssyncset.done $0x0  }
0x20: {  	s31 =	simm.s32 $0x2800;
	[sflag:s16] =	ssyncadd.s32 $0xFFFFC000  }
0x21: {  	[spmem:s2] =	stream.indirect.scatter.add.f32 [tilespmem:s15], [sflag:$0x2], $0x80, s31, s14, $0xb8;
	[tilespmem:$0xE000] =	vst v63  }
0x22: {  	_ =	swait.ge [sflag:s10], $0x4000  }
0x23: {  	s19 =	simm.s32 $0x400;
	s18 =	simm.s32 $0x200;
	[sflag:s10] =	ssyncset.done $0x0  }
.LBB2_2:
0x24: {  	s20 =	sshra.s32 s18, $0x2  }
0x25: {  	[sflag:s10] =	ssyncadd.s32 $0xFFFFC000;
	s18 =	smov.u32 s19;
	s21 =	sadd.s32 $0x200, s19  }
0x26: {  	[tilespmem:s15], [sflag:$0x1] =	stream.indirect.gather [hbm4b:s4+s14], $0x80, s20, s14, $0xb8;
	[tilespmem:$0xE000] =	vst v63  }
0x27: {  	p0 =	sne.s32 s19, $0x9C00;
	_ =	swait.ge [sflag:s16], $0x4000  }
.Ltmp0:
0x28: {  	[sflag:s16] =	ssyncset.done $0x0;
	(pc) =	sbr.rel @p0 .LBB2_2-.Ltmp0, $4  }
0x29: {  	s19 =	sadd.s32 $0x2800, s20;
	[sflag:s16] =	ssyncadd.s32 $0xFFFFC000  }
0x2a: {  	[spmem:s2] =	stream.indirect.scatter.add.f32 [tilespmem:s15], [sflag:$0x2], $0x80, s19, s14, $0xb8;
	[tilespmem:$0xE000] =	vst v63  }
0x2b: {  	_ =	swait.ge [sflag:s10], $0x4000  }
0x2c: {  	s19 =	smov.u32 s21;
	[sflag:s10] =	ssyncset.done $0x0  }
0x2d: {  	s18 =	sshra.s32 s18, $0x2;
	[sflag:s10] =	ssyncadd.s32 $0xFFFFC000  }
0x2e: {  	[tilespmem:s15], [sflag:$0x1] =	stream.indirect.gather [hbm4b:s4+s14], $0x80, s18, s14, $0xb8;
	[tilespmem:$0xE000] =	vst v63  }
0x2f: {  	_ =	swait.ge [sflag:s16], $0x4000  }
0x30: {  	[sflag:s16] =	ssyncset.done $0x0  }
0x31: {  	s18 =	sadd.s32 $0x2800, s18;
	[sflag:s16] =	ssyncadd.s32 $0xFFFFC000  }
0x32: {  	[spmem:s2] =	stream.indirect.scatter.add.f32 [tilespmem:s15], [sflag:$0x2], $0x80, s18, s14, $0xb8;
	[tilespmem:$0xE000] =	vst v63  }
0x33: {  	_ =	swait.ge [sflag:s10], $0x4000  }
0x34: {  	s17 =	sadd.s32 $0x1, s17;
	[sflag:s10] =	ssyncset.done $0x0  }
0x35: {  	p0 =	sne.s32 s17, s9;
	[sflag:s10] =	ssyncadd.s32 $0xFFFFC000  }
.Ltmp1:
0x36: {  	[bflag:$0x0] =	sbarrier.arrive $0xFFFF;
	(pc) =	sbr.rel @p0 .LBB2_1-.Ltmp1, $4  }
0x37: {  	[hbm:s8], [sflag:s12] =	dma.local [spmem:s13], $0xA00  }
0x38: {  	_ =	swait.ge [sflag:s10], $0xA00  }
0x39: {  	[sflag:s10] =	ssyncset.done $0x0  }
0x3a: {  	[sflag:s10] =	ssyncadd.s32 $0xFFFFF600  }
0x3b: {  	_ =	sfence.sel $0x180000  }
0x3c: {  	[bflag:$0x0] =	sbarrier.arrive $0xFFFF  }
0x3d: {  	p0 =	sne.s32 s0, $0x0;
	_ =	strace $0x90000047  }
0x3e: {  	s0 =	sadd.s32 @!p0 $0x100000, s1;
	[bflag:$0x2] =	sbarrier.arrive $0xFFFF  }
0x3f: {  	[sflag:s0] =	ssyncadd.tile.s32 @!p0 $0x1;
	_ =	shalt  }
.Lfunc_end2:
_tile_overlayer_lowered:
.L_overlay_start_2:
0x40: {  	(tag) =	ssettag $0x2  }
0x41: {  	s0 =	rddreg [dreg:$0x0];
	s2 =	stileid.u32  }
0x42: {  	s1 =	rddreg [dreg:$0x1];
	p0 =	sne.s32 s2, $0x0  }
0x43: {  	s3 =	rddreg [dreg:$0x2];
	[bflag:$0x3] =	sbarrier.arrive $0xFFFF;
	s2 =	simm.s32 @!p0 $0x1C02  }
0x44: {  	[timem:s3], [sflag:s2] =	dma.local @!p0 [hbm:s0], s1  }
0x45: {  	s0 =	simm.s32 @!p0 $0x2  }
0x46: {  	_ =	swait.ge @!p0 [sflag:s0], s1  }
0x47: {  	s1 =	ssub.s32 @!p0 $0x0, s1;
	[sflag:s0] =	ssyncset.done @!p0 $0x0  }
0x48: {  	[sflag:s0] =	ssyncadd.s32 @!p0 s1  }
0x49: {  	[bflag:$0x3] =	sbarrier.arrive $0xFFFF  }
0x4a: {  	_ =	shalt  }

// kernel: kernel.21.cloned.1.call-start
scs
__scs_entry_jumppad:
0x0: {  	(pc) =	sbr.rel $0x88, $3  }
0x1: {  	(tag) =	ssettag $0x0;
	lr =	simm.s32 $0x1  }
0x2: {  	[smem:$0x3F8F] =	sst lr;
	_ =	strace $0xD0000000  }
0x3: {  	_ = 	snop  }
0x4: {  	_ = 	snop  }
0x5: {  	_ = 	snop  }
0x6: {  	_ = 	snop  }
0x7: {  	_ = 	snop  }
__scs_overlays_trampoline_lowered:
0x8: {  	[smem:$0x3F9E] =	sst s0  }
0x9: {  	[smem:$0x3F9F] =	sst s1  }
0xa: {  	[smem:$0x3FA0] =	sst s2  }
0xb: {  	[smem:$0x3FA1] =	sst s3  }
0xc: {  	[smem:$0x3FA2] =	sst s4  }
0xd: {  	[smem:$0x3FA3] =	sst s5  }
0xe: {  	[smem:$0x3FA4] =	sst s6  }
0xf: {  	[smem:$0x3FA5] =	sst s7  }
0x10: {  	[smem:$0x3FA6] =	sst s8  }
0x11: {  	[smem:$0x3FA7] =	sst s9;
	s0 =	simm.s32 @!p0 $0x0  }
0x12: {  	s1 =	sld [smem:$0x3F8D];
	s0 =	simm.s32 @p0 $0x1  }
0x13: {  	[smem:$0x3FA8] =	sst s0;
	s0 =	simm.s32 @!p1 $0x0  }
0x14: {  	s2 =	sld [smem:$0x3F8C];
	s0 =	simm.s32 @p1 $0x1  }
0x15: {  	[smem:$0x3FA9] =	sst s0;
	s0 =	simm.s32 @!p2 $0x0  }
0x16: {  	s3 =	sld [smem:$0x3FDB];
	s0 =	simm.s32 @p2 $0x1  }
0x17: {  	s4 =	simm.s32 $0x1BF5;
	[smem:$0x3FAB] =	sst s0  }
0x18: {  	s0 =	sld [smem:$0x3F8E];
	_ =	swait.ge [sflag:s4], $0x0  }
0x19: {  	s7 =	sld [smem:$0x3F8F]  }
0x1a: {  	s8 =	sadd.s32 $0xFFFFE003, lr  }
0x1b: {  	s9 =	sadd.s32 $0xFFFFFEF7, lr;
	s5 =	simm.s32 $0xFFFFFFFF;
	p2 =	slt.u32 s8, $0xFFFFF086  }
0x1c: {  	p1 =	slt.u32 s9, $0xF7A;
	s5 =	simm.s32 @!p2 $0x0  }
0x1d: {  	s5 =	simm.s32 @p1 $0x1;
	p0 =	seq.s32 s7, s2  }
0x1e: {  	s7 =	smul.u32 @!p0 $0xF7A, s2;
	p2 =	seq.s32 @!p0 s5, $0x0  }
0x1f: {  	s9 =	smul.u32 $0xF7A, s1;
	s8 =	simm.s32 @!p0 $0x1BF5;
	p2 =	por !p2, p0  }
0x20: {  	[sflag:s8] =	ssyncset.s32 @!p0 $0xFFFFF086;
	s6 =	sadd.s32 @!p0 s3, s7;
	s7 =	simm.s32 @!p0 $0x108  }
0x21: {  	s3 =	sadd.s32 s3, s9;
	s6 =	sadd.s32 @!p0 $0x88, s6;
	s7 =	simm.s32 @p2 $0x1082  }
0x22: {  	[simem:s7], [sflag:s8] =	dma.local @!p0 [hbm:s6], $0xF7A  }
0x23: {  	s9 =	sor.u32 $0xD0000000, s2;
	s6 =	simm.s32 $0x108;
	_ =	swait.ge @!p0 [sflag:s8], $0x0  }
0x24: {  	s3 =	sadd.s32 $0x88, s3;
	s6 =	simm.s32 @!p1 $0x1082;
	[sflag:s4] =	ssyncset.s32 $0xFFFFF086  }
0x25: {  	[simem:s6], [sflag:s4] =	dma.local [hbm:s3], $0xF7A  }
0x26: {  	[smem:$0x3F8F] =	sst s1;
	(tag) =	ssettag s2;
	_ =	strace s9  }
0x27: {  	s1 =	sld [smem:$0x3F9F]  }
0x28: {  	s2 =	sld [smem:$0x3FA0]  }
0x29: {  	s4 =	sld [smem:$0x3FA2]  }
0x2a: {  	p0 =	seq.s32 s5, $0x0;
	s5 =	sld [smem:$0x3FA3]  }
0x2b: {  	s6 =	sld [smem:$0x3FA4]  }
0x2c: {  	s7 =	sld [smem:$0x3FA5]  }
0x2d: {  	s3 =	simm.s32 $0x108;
	s8 =	sld [smem:$0x3FA6]  }
0x2e: {  	s3 =	simm.s32 @!p0 $0x1082;
	s9 =	sld [smem:$0x3FA7]  }
0x2f: {  	lr =	sadd.s32 s0, s3;
	s0 =	sld [smem:$0x3F9E]  }
0x30: {  	s3 =	sld [smem:$0x3FA1]  }
0x31: {  	[smem:$0x3FAA] =	sst s10  }
0x32: {  	s10 =	sld [smem:$0x3FA8];
	_ =	sdelay $0x3  }
0x33: {  	p0 =	seq.s32 s10, $0x1;
	s10 =	sld [smem:$0x3FAA];
	_ =	sdelay $0x3  }
0x34: {  	[smem:$0x3FAA] =	sst s10  }
0x35: {  	s10 =	sld [smem:$0x3FA9];
	_ =	sdelay $0x3  }
0x36: {  	p1 =	seq.s32 s10, $0x1;
	s10 =	sld [smem:$0x3FAA];
	_ =	sdelay $0x3  }
0x37: {  	[smem:$0x3FAA] =	sst s10  }
0x38: {  	s10 =	sld [smem:$0x3FAB]  }
0x39: {  	_ = 	snop;
	(pc) =	sbr.ind lr, $3  }
0x3a: {  	_ = 	snop  }
0x3b: {  	_ = 	snop  }
0x3c: {  	p2 =	seq.s32 s10, $0x1;
	s10 =	sld [smem:$0x3FAA]  }
0x3d: {  	_ =	shalt  }
0x3e: {  	_ =	shalt  }
0x3f: {  	_ =	shalt  }
0x40: {  	_ =	shalt  }
0x41: {  	_ =	shalt  }
0x42: {  	_ =	shalt  }
0x43: {  	_ =	shalt  }
0x44: {  	_ =	shalt  }
0x45: {  	_ =	shalt  }
0x46: {  	_ =	shalt  }
0x47: {  	_ =	shalt  }
0x48: {  	_ =	shalt  }
0x49: {  	_ =	shalt  }
0x4a: {  	_ =	shalt  }
0x4b: {  	_ =	shalt  }
0x4c: {  	_ =	shalt  }
0x4d: {  	_ =	shalt  }
0x4e: {  	_ =	shalt  }
0x4f: {  	_ =	shalt  }
0x50: {  	_ =	shalt  }
0x51: {  	_ =	shalt  }
0x52: {  	_ =	shalt  }
0x53: {  	_ =	shalt  }
0x54: {  	_ =	shalt  }
0x55: {  	_ =	shalt  }
0x56: {  	_ =	shalt  }
0x57: {  	_ =	shalt  }
0x58: {  	_ =	shalt  }
0x59: {  	_ =	shalt  }
0x5a: {  	_ =	shalt  }
0x5b: {  	_ =	shalt  }
0x5c: {  	_ =	shalt  }
0x5d: {  	_ =	shalt  }
0x5e: {  	_ =	shalt  }
0x5f: {  	_ =	shalt  }
0x60: {  	_ =	shalt  }
0x61: {  	_ =	shalt  }
0x62: {  	_ =	shalt  }
0x63: {  	_ =	shalt  }
0x64: {  	_ =	shalt  }
0x65: {  	_ =	shalt  }
0x66: {  	_ =	shalt  }
0x67: {  	_ =	shalt  }
0x68: {  	_ =	shalt  }
0x69: {  	_ =	shalt  }
0x6a: {  	_ =	shalt  }
0x6b: {  	_ =	shalt  }
0x6c: {  	_ =	shalt  }
0x6d: {  	_ =	shalt  }
0x6e: {  	_ =	shalt  }
0x6f: {  	_ =	shalt  }
0x70: {  	_ =	shalt  }
0x71: {  	_ =	shalt  }
0x72: {  	_ =	shalt  }
0x73: {  	_ =	shalt  }
0x74: {  	_ =	shalt  }
0x75: {  	_ =	shalt  }
0x76: {  	_ =	shalt  }
0x77: {  	_ =	shalt  }
0x78: {  	_ =	shalt  }
0x79: {  	_ =	shalt  }
0x7a: {  	_ =	shalt  }
0x7b: {  	_ =	shalt  }
0x7c: {  	_ =	shalt  }
0x7d: {  	_ =	shalt  }
0x7e: {  	_ =	shalt  }
0x7f: {  	_ =	shalt  }
0x80: {  	_ =	shalt  }
0x81: {  	_ =	shalt  }
0x82: {  	_ =	shalt  }
0x83: {  	_ =	shalt  }
0x84: {  	_ =	shalt  }
0x85: {  	_ =	shalt  }
0x86: {  	_ =	shalt  }
0x87: {  	_ =	shalt  }
.Lfunc_end0:
.L_simem_size_0:
called_computation.1_lowered:
.L_overlay_start_0:
0x88: {  	s2 =	sld [smem:$0x3FD9]  }
0x89: {  	s3 =	sld [smem:$0x3FFE];
	_ =	sdelay $0x1  }
0x8a: {  	s1 =	srdreg.scid  }
0x8b: {  	s0 =	sand.u32 $0x1, s1  }
0x8c: {  	s17 =	sshll.u32 s0, $0xA;
	s2 =	sadd.s32 s3, s2  }
0x8d: {  	s2 =	sadd.s32 s2, s17  }
0x8e: {  	[smem:$0x3FB6] =	sst s2  }
0x8f: {  	_ = 	snop  }
0x90: {  	(tm) =	ssettm $0x1  }
0x91: {  	s18 =	sld [smem:$0x3FFB];
	_ =	sdelay $0x3  }
0x92: {  	_ =	strace s18  }
0x93: {  	s2 =	sld [smem:$0x3FFC];
	_ =	sdelay $0x3  }
0x94: {  	_ =	strace s2  }
0x95: {  	s2 =	sld [smem:$0x3FFD];
	_ =	sdelay $0x3  }
0x96: {  	_ =	strace s2  }
0x97: {  	_ =	strace $0x8FFFFFFF  }
0x98: {  	s19 =	sld [smem:$0x3FDB];
	_ =	sdelay $0x1  }
0x99: {  	s20 =	simm.s32 $_scs_section_size  }
0x9a: {  	s4 =	simm.s32 $_size__tile_overlayer_lowered;
	s5 =	simm.s32 $_tile_overlayer_lowered  }
0x9b: {  	s6 =	simm.s32 $0x1BFF;
	s21 =	sshll.u32 s5, $0x1;
	s3 =	sadd.s32 s20, s19  }
0x9c: {  	s22 =	simm.s32 $0x0;
	s4 =	sshll.u32 s4, $0x1;
	s5 =	sadd.s32 s21, s3  }
0x9d: {  	[timem:s22], [sflag:s6] =	dma.local [hbm:s5], s4  }
0x9e: {  	_ =	swait.ge [sflag:s6], s4  }
0x9f: {  	s4 =	ssub.s32 $0x0, s4;
	[sflag:s6] =	ssyncset.done $0x0  }
0xa0: {  	[sflag:s6] =	ssyncadd.s32 s4;
	_ =	sdelay $0x1  }
0xa1: {  	s23 =	simm.s32 $0x1B8B  }
0xa2: {  	_ =	swait.ge [sflag:s23], $0x1  }
0xa3: {  	[sflag:s23] =	ssyncset.done $0x0  }
0xa4: {  	[sflag:s23] =	ssyncadd.s32 $0xFFFFFFFF  }
0xa5: {  	s4 =	sld [smem:$0x0]  }
0xa6: {  	s5 =	sand.u32 $0xFFFFFFFE, s1  }
0xa7: {  	p0 =	sne.s32 s1, s5  }
0xa8: {  	s5 =	sshll.u32 @p0 s5, $0xE  }
0xa9: {  	s5 =	sadd.s32 @p0 $0x11B8D, s5;
	s6 =	sshll.u32 @p0 s4, $0x11  }
0xaa: {  	s5 =	sor.u32 @p0 s6, s5  }
0xab: {  	[sflag:s5] =	ssyncadd.remote.s32 @p0 $0x1;
	_ =	sdelay $0x1  }
0xac: {  	s5 =	simm.s32 @p0 $0x1B8D  }
0xad: {  	_ =	swait.eq @p0 [sflag:s5], $0x1  }
0xae: {  	[sflag:s5] =	ssyncadd.s32 @p0 $0xFFFFFFFF  }
0xaf: {  	s6 =	sshll.u32 @!p0 s1, $0xE  }
0xb0: {  	s6 =	sor.u32 @!p0 $0x4000, s6;
	s5 =	simm.s32 @!p0 $0x1B8D  }
0xb1: {  	s4 =	sshll.u32 @!p0 s4, $0x11;
	s6 =	sadd.s32 @!p0 $0x11B8D, s6;
	_ =	swait.eq @!p0 [sflag:s5], $0x1  }
0xb2: {  	s4 =	sor.u32 @!p0 s4, s6;
	[sflag:s5] =	ssyncadd.s32 @!p0 $0xFFFFFFFF  }
0xb3: {  	s25 =	simm.s32 $0x1B8E;
	s24 =	sld [smem:$0x3FFE];
	[sflag:s4] =	ssyncadd.remote.s32 @!p0 $0x1  }
0xb4: {  	s26 =	simm.s32 $execute0_lowered;
	[smem:$0x3FD2] =	sst s25  }
0xb5: {  	s5 =	sshll.u32 s26, $0x1;
	_ =	strace $0x8000004C;
	[dreg:$0x1] =	wrdreg $0xFFFFFFFF  }
0xb6: {  	s28 =	simm.s32 $_size_execute0_lowered;
	s3 =	sadd.s32 s3, s5;
	[dreg:$0x0] =	wrdreg $0x0  }
0xb7: {  	s5 =	sshll.u32 s28, $0x1;
	[dreg:$0x2] =	wrdreg s3  }
0xb8: {  	[dreg:$0x3] =	wrdreg s5  }
0xb9: {  	[dreg:$0x4] =	wrdreg $0xC0  }
0xba: {  	_ =	task [dreg:s22], $0x5FFFF  }
0xbb: {  	[dreg:$0x1] =	wrdreg $0xFFFFFFFF  }
0xbc: {  	[dreg:$0x0] =	wrdreg $0x60  }
0xbd: {  	[dreg:$0x2] =	wrdreg s24  }
0xbe: {  	[dreg:$0x3] =	wrdreg $0x90000  }
0xbf: {  	[dreg:$0x4] =	wrdreg $0x9  }
0xc0: {  	_ =	task.clear_ibuf [dreg:s22], $0x5FFFF;
	_ =	strace $0x9000004C  }
0xc1: {  	s29 =	simm.s32 $0x9;
	_ =	strace $0x8000004E  }
0xc2: {  	_ =	swait.ge [sflag:s29], $0x1  }
0xc3: {  	[sflag:s29] =	ssyncadd.s32 $0xFFFFFFFF  }
0xc4: {  	_ =	strace $0x9000004E  }
0xc5: {  	_ =	sfence  }
0xc6: {  	s30 =	sld [smem:$0x0];
	_ =	sdelay $0x2  }
0xc7: {  	s31 =	sshll.u32 s1, $0xD;
	s1 =	sshrl.u32 s1, $0x2  }
0xc8: {  	s4 =	sand.u32 $0x4000, s31;
	s1 =	sadd.s32 s1, s30  }
0xc9: {  	s0 =	sor.u32 s4, s0;
	s1 =	sshll.u32 s1, $0x11  }
0xca: {  	s0 =	sor.u32 s1, s0  }
0xcb: {  	s0 =	sadd.s32 $0x8F2B, s0  }
0xcc: {  	[sflag:s0] =	ssyncadd.remote.s32 $0x1  }
0xcd: {  	_ =	sfence.sel $0xFFFF  }
0xce: {  	[dreg:$0x0] =	wrdreg $0xFFFFFFFF;
	(pc) =	sbr.abs _section_cstart, $3  }
0xcf: {  	[dreg:$0x1] =	wrdreg $0xFFFFFFFF  }
0xd0: {  	_ =	task.clear_ibuf [dreg:s22], $0x2FFFF;
	_ =	strace $0x9FFFFFFF  }
0xd1: {  	(tm) =	ssettm $0x7FFFFFFF  }
tec
execute0_lowered:
.L_overlay_start_1:
0x0: {  	(tag) =	ssettag $0x1  }
0x1: {  	s5 =	rddreg [dreg:$0x0]  }
0x2: {  	s0 =	srdreg.scid;
	s2 =	rddreg [dreg:$0x1]  }
0x3: {  	s1 =	rddreg [dreg:$0x2];
	s3 =	simm.s32 $0x0;
	s6 =	sand.u32 $0x1, s0  }
0x4: {  	s14 =	simm.s32 $0x80;
	s0 =	stileid.u32;
	s4 =	smul.u32 $0x28000, s6  }
0x5: {  	s15 =	simm.s32 $0x5000;
	s16 =	simm.s32 $0x1;
	s7 =	smul.u32 $0x2800, s0  }
0x6: {  	s17 =	simm.s32 $0x0;
	[smem:$0x7FF] =	sst s3;
	s28 =	smul.u32 $0x13C00, s0  }
0x7: {  	_ =	strace $0x8000004D;
	s9 =	smul.u32 $0x13C000, s6;
	s6 =	ssub.s32 $0x2, s6  }
0x8: {  	s29 =	smul.u32 $0x4F000, s0;
	s31 =	sshll.u32 s0, $0x6;
	s11 =	sshrl.u32 s6, $0x1  }
0x9: {  	s4 =	sadd.s32 s7, s4;
	s10 =	sshrl.u32 s28, $0x3;
	s7 =	sadd.s32 s28, s9  }
0xa: {  	s11 =	ssub.s32 s6, s11;
	s30 =	sshrl.u32 s29, $0x2;
	s8 =	sshrl.u32 s4, $0x3  }
0xb: {  	s4 =	sadd.s32 $0xAFE00, s5;
	s10 =	sadd.s32 s10, s5;
	s7 =	sshrl.u32 s7, $0x3  }
0xc: {  	s13 =	sadd.s32 s30, s2;
	s9 =	smax.u32 s11, $0x1;
	s11 =	simm.s32 $0x2800  }
0xd: {  	s8 =	sadd.s32 s8, s5;
	s12 =	sadd.s32 s7, s5;
	s7 =	sadd.s32 $0x88600, s10  }
0xe: {  	s10 =	simm.s32 $0x2;
	s13 =	sshrl.u32 s13, $0x3;
	s5 =	sadd.s32 $0x7E600, s8  }
0xf: {  	s6 =	sadd.s32 $0x74600, s8;
	s8 =	sadd.s32 $0xB9C00, s12;
	s12 =	sor.u32 $0x1C02, s31  }
.LBB2_1:
0x10: {  	[tilespmem:s3], [sflag:$0x2] =	stream.linear.gather [hbm4b:s5+s3], $0x2780, $0x38;
	[tilespmem:$0x1CC00] =	vst v63  }
0x11: {  	_ =	swait.ge [sflag:s10], $0x2780  }
0x12: {  	[sflag:s10] =	ssyncset.done $0x0  }
0x13: {  	[sflag:s10] =	ssyncadd.s32 $0xFFFFD880  }
0x14: {  	[tilespmem:s11], [sflag:$0x2] =	stream.linear.gather [hbm4b:s6+s3], $0x2780, $0x38;
	[tilespmem:$0x1CC00] =	vst v63  }
0x15: {  	_ =	swait.ge [sflag:s10], $0x2780  }
0x16: {  	[sflag:s10] =	ssyncset.done $0x0  }
0x17: {  	[sflag:s10] =	ssyncadd.s32 $0xFFFFD880  }
0x18: {  	[spmem:s13], [sflag:s12] =	dma.local [hbm:s7], $0x2780  }
0x19: {  	_ =	swait.ge [sflag:s10], $0x2780  }
0x1a: {  	[sflag:s10] =	ssyncset.done $0x0  }
0x1b: {  	[sflag:s10] =	ssyncadd.s32 $0xFFFFD880  }
0x1c: {  	s18 =	simm.s32 $0x0;
	[bflag:$0x0] =	sbarrier.arrive $0xFFFF  }
0x1d: {  	[tilespmem:s15], [sflag:$0x1] =	stream.indirect.gather [hbm4b:s4+s14], $0x80, s18, s14, $0xb8;
	[tilespmem:$0x1CC00] =	vst v63  }
0x1e: {  	_ =	swait.ge [sflag:s16], $0x4000  }
0x1f: {  	[sflag:s16] =	ssyncset.done $0x0  }
0x20: {  	s31 =	simm.s32 $0x2800;
	[sflag:s16] =	ssyncadd.s32 $0xFFFFC000  }
0x21: {  	[spmem:s2] =	stream.indirect.scatter.add.f32 [tilespmem:s15], [sflag:$0x2], $0x80, s31, s14, $0xb8;
	[tilespmem:$0x1CC00] =	vst v63  }
0x22: {  	_ =	swait.ge [sflag:s10], $0x4000  }
0x23: {  	s19 =	simm.s32 $0x400;
	s18 =	simm.s32 $0x200;
	[sflag:s10] =	ssyncset.done $0x0  }
.LBB2_2:
0x24: {  	s20 =	sshra.s32 s18, $0x2  }
0x25: {  	[sflag:s10] =	ssyncadd.s32 $0xFFFFC000;
	s18 =	smov.u32 s19;
	s21 =	sadd.s32 $0x200, s19  }
0x26: {  	[tilespmem:s15], [sflag:$0x1] =	stream.indirect.gather [hbm4b:s4+s14], $0x80, s20, s14, $0xb8;
	[tilespmem:$0x1CC00] =	vst v63  }
0x27: {  	p0 =	sne.s32 s19, $0x9C00;
	_ =	swait.ge [sflag:s16], $0x4000  }
.Ltmp0:
0x28: {  	[sflag:s16] =	ssyncset.done $0x0;
	(pc) =	sbr.rel @p0 .LBB2_2-.Ltmp0, $4  }
0x29: {  	s19 =	sadd.s32 $0x2800, s20;
	[sflag:s16] =	ssyncadd.s32 $0xFFFFC000  }
0x2a: {  	[spmem:s2] =	stream.indirect.scatter.add.f32 [tilespmem:s15], [sflag:$0x2], $0x80, s19, s14, $0xb8;
	[tilespmem:$0x1CC00] =	vst v63  }
0x2b: {  	_ =	swait.ge [sflag:s10], $0x4000  }
0x2c: {  	s19 =	smov.u32 s21;
	[sflag:s10] =	ssyncset.done $0x0  }
0x2d: {  	s18 =	sshra.s32 s18, $0x2;
	[sflag:s10] =	ssyncadd.s32 $0xFFFFC000  }
0x2e: {  	[tilespmem:s15], [sflag:$0x1] =	stream.indirect.gather [hbm4b:s4+s14], $0x80, s18, s14, $0xb8;
	[tilespmem:$0x1CC00] =	vst v63  }
0x2f: {  	_ =	swait.ge [sflag:s16], $0x4000  }
0x30: {  	[sflag:s16] =	ssyncset.done $0x0  }
0x31: {  	s18 =	sadd.s32 $0x2800, s18;
	[sflag:s16] =	ssyncadd.s32 $0xFFFFC000  }
0x32: {  	[spmem:s2] =	stream.indirect.scatter.add.f32 [tilespmem:s15], [sflag:$0x2], $0x80, s18, s14, $0xb8;
	[tilespmem:$0x1CC00] =	vst v63  }
0x33: {  	_ =	swait.ge [sflag:s10], $0x4000  }
0x34: {  	s17 =	sadd.s32 $0x1, s17;
	[sflag:s10] =	ssyncset.done $0x0  }
0x35: {  	p0 =	sne.s32 s17, s9;
	[sflag:s10] =	ssyncadd.s32 $0xFFFFC000  }
.Ltmp1:
0x36: {  	[bflag:$0x0] =	sbarrier.arrive $0xFFFF;
	(pc) =	sbr.rel @p0 .LBB2_1-.Ltmp1, $4  }
0x37: {  	[hbm:s8], [sflag:s12] =	dma.local [spmem:s13], $0x2780  }
0x38: {  	_ =	swait.ge [sflag:s10], $0x2780  }
0x39: {  	[sflag:s10] =	ssyncset.done $0x0  }
0x3a: {  	[sflag:s10] =	ssyncadd.s32 $0xFFFFD880  }
0x3b: {  	_ =	sfence.sel $0x180000  }
0x3c: {  	[bflag:$0x0] =	sbarrier.arrive $0xFFFF  }
0x3d: {  	p0 =	sne.s32 s0, $0x0;
	_ =	strace $0x9000004D  }
0x3e: {  	s0 =	sadd.s32 @!p0 $0x100000, s1;
	[bflag:$0x2] =	sbarrier.arrive $0xFFFF  }
0x3f: {  	[sflag:s0] =	ssyncadd.tile.s32 @!p0 $0x1;
	_ =	shalt  }
.Lfunc_end2:
_tile_overlayer_lowered:
.L_overlay_start_2:
0x40: {  	(tag) =	ssettag $0x2  }
0x41: {  	s0 =	rddreg [dreg:$0x0];
	s2 =	stileid.u32  }
0x42: {  	s1 =	rddreg [dreg:$0x1];
	p0 =	sne.s32 s2, $0x0  }
0x43: {  	s3 =	rddreg [dreg:$0x2];
	[bflag:$0x3] =	sbarrier.arrive $0xFFFF;
	s2 =	simm.s32 @!p0 $0x1C02  }
0x44: {  	[timem:s3], [sflag:s2] =	dma.local @!p0 [hbm:s0], s1  }
0x45: {  	s0 =	simm.s32 @!p0 $0x2  }
0x46: {  	_ =	swait.ge @!p0 [sflag:s0], s1  }
0x47: {  	s1 =	ssub.s32 @!p0 $0x0, s1;
	[sflag:s0] =	ssyncset.done @!p0 $0x0  }
0x48: {  	[sflag:s0] =	ssyncadd.s32 @!p0 s1  }
0x49: {  	[bflag:$0x3] =	sbarrier.arrive $0xFFFF  }
0x4a: {  	_ =	shalt  }

// kernel: kernel.24.cloned.1.call-start
scs
__scs_entry_jumppad:
0x0: {  	(pc) =	sbr.rel $0x88, $3  }
0x1: {  	(tag) =	ssettag $0x0;
	lr =	simm.s32 $0x1  }
0x2: {  	[smem:$0x3F8F] =	sst lr;
	_ =	strace $0xD0000000  }
0x3: {  	_ = 	snop  }
0x4: {  	_ = 	snop  }
0x5: {  	_ = 	snop  }
0x6: {  	_ = 	snop  }
0x7: {  	_ = 	snop  }
__scs_overlays_trampoline_lowered:
0x8: {  	[smem:$0x3F9E] =	sst s0  }
0x9: {  	[smem:$0x3F9F] =	sst s1  }
0xa: {  	[smem:$0x3FA0] =	sst s2  }
0xb: {  	[smem:$0x3FA1] =	sst s3  }
0xc: {  	[smem:$0x3FA2] =	sst s4  }
0xd: {  	[smem:$0x3FA3] =	sst s5  }
0xe: {  	[smem:$0x3FA4] =	sst s6  }
0xf: {  	[smem:$0x3FA5] =	sst s7  }
0x10: {  	[smem:$0x3FA6] =	sst s8  }
0x11: {  	[smem:$0x3FA7] =	sst s9;
	s0 =	simm.s32 @!p0 $0x0  }
0x12: {  	s1 =	sld [smem:$0x3F8D];
	s0 =	simm.s32 @p0 $0x1  }
0x13: {  	[smem:$0x3FA8] =	sst s0;
	s0 =	simm.s32 @!p1 $0x0  }
0x14: {  	s2 =	sld [smem:$0x3F8C];
	s0 =	simm.s32 @p1 $0x1  }
0x15: {  	[smem:$0x3FA9] =	sst s0;
	s0 =	simm.s32 @!p2 $0x0  }
0x16: {  	s3 =	sld [smem:$0x3FDB];
	s0 =	simm.s32 @p2 $0x1  }
0x17: {  	s4 =	simm.s32 $0x1BF5;
	[smem:$0x3FAB] =	sst s0  }
0x18: {  	s0 =	sld [smem:$0x3F8E];
	_ =	swait.ge [sflag:s4], $0x0  }
0x19: {  	s7 =	sld [smem:$0x3F8F]  }
0x1a: {  	s8 =	sadd.s32 $0xFFFFE003, lr  }
0x1b: {  	s9 =	sadd.s32 $0xFFFFFEF7, lr;
	s5 =	simm.s32 $0xFFFFFFFF;
	p2 =	slt.u32 s8, $0xFFFFF086  }
0x1c: {  	p1 =	slt.u32 s9, $0xF7A;
	s5 =	simm.s32 @!p2 $0x0  }
0x1d: {  	s5 =	simm.s32 @p1 $0x1;
	p0 =	seq.s32 s7, s2  }
0x1e: {  	s7 =	smul.u32 @!p0 $0xF7A, s2;
	p2 =	seq.s32 @!p0 s5, $0x0  }
0x1f: {  	s9 =	smul.u32 $0xF7A, s1;
	s8 =	simm.s32 @!p0 $0x1BF5;
	p2 =	por !p2, p0  }
0x20: {  	[sflag:s8] =	ssyncset.s32 @!p0 $0xFFFFF086;
	s6 =	sadd.s32 @!p0 s3, s7;
	s7 =	simm.s32 @!p0 $0x108  }
0x21: {  	s3 =	sadd.s32 s3, s9;
	s6 =	sadd.s32 @!p0 $0x88, s6;
	s7 =	simm.s32 @p2 $0x1082  }
0x22: {  	[simem:s7], [sflag:s8] =	dma.local @!p0 [hbm:s6], $0xF7A  }
0x23: {  	s9 =	sor.u32 $0xD0000000, s2;
	s6 =	simm.s32 $0x108;
	_ =	swait.ge @!p0 [sflag:s8], $0x0  }
0x24: {  	s3 =	sadd.s32 $0x88, s3;
	s6 =	simm.s32 @!p1 $0x1082;
	[sflag:s4] =	ssyncset.s32 $0xFFFFF086  }
0x25: {  	[simem:s6], [sflag:s4] =	dma.local [hbm:s3], $0xF7A  }
0x26: {  	[smem:$0x3F8F] =	sst s1;
	(tag) =	ssettag s2;
	_ =	strace s9  }
0x27: {  	s1 =	sld [smem:$0x3F9F]  }
0x28: {  	s2 =	sld [smem:$0x3FA0]  }
0x29: {  	s4 =	sld [smem:$0x3FA2]  }
0x2a: {  	p0 =	seq.s32 s5, $0x0;
	s5 =	sld [smem:$0x3FA3]  }
0x2b: {  	s6 =	sld [smem:$0x3FA4]  }
0x2c: {  	s7 =	sld [smem:$0x3FA5]  }
0x2d: {  	s3 =	simm.s32 $0x108;
	s8 =	sld [smem:$0x3FA6]  }
0x2e: {  	s3 =	simm.s32 @!p0 $0x1082;
	s9 =	sld [smem:$0x3FA7]  }
0x2f: {  	lr =	sadd.s32 s0, s3;
	s0 =	sld [smem:$0x3F9E]  }
0x30: {  	s3 =	sld [smem:$0x3FA1]  }
0x31: {  	[smem:$0x3FAA] =	sst s10  }
0x32: {  	s10 =	sld [smem:$0x3FA8];
	_ =	sdelay $0x3  }
0x33: {  	p0 =	seq.s32 s10, $0x1;
	s10 =	sld [smem:$0x3FAA];
	_ =	sdelay $0x3  }
0x34: {  	[smem:$0x3FAA] =	sst s10  }
0x35: {  	s10 =	sld [smem:$0x3FA9];
	_ =	sdelay $0x3  }
0x36: {  	p1 =	seq.s32 s10, $0x1;
	s10 =	sld [smem:$0x3FAA];
	_ =	sdelay $0x3  }
0x37: {  	[smem:$0x3FAA] =	sst s10  }
0x38: {  	s10 =	sld [smem:$0x3FAB]  }
0x39: {  	_ = 	snop;
	(pc) =	sbr.ind lr, $3  }
0x3a: {  	_ = 	snop  }
0x3b: {  	_ = 	snop  }
0x3c: {  	p2 =	seq.s32 s10, $0x1;
	s10 =	sld [smem:$0x3FAA]  }
0x3d: {  	_ =	shalt  }
0x3e: {  	_ =	shalt  }
0x3f: {  	_ =	shalt  }
0x40: {  	_ =	shalt  }
0x41: {  	_ =	shalt  }
0x42: {  	_ =	shalt  }
0x43: {  	_ =	shalt  }
0x44: {  	_ =	shalt  }
0x45: {  	_ =	shalt  }
0x46: {  	_ =	shalt  }
0x47: {  	_ =	shalt  }
0x48: {  	_ =	shalt  }
0x49: {  	_ =	shalt  }
0x4a: {  	_ =	shalt  }
0x4b: {  	_ =	shalt  }
0x4c: {  	_ =	shalt  }
0x4d: {  	_ =	shalt  }
0x4e: {  	_ =	shalt  }
0x4f: {  	_ =	shalt  }
0x50: {  	_ =	shalt  }
0x51: {  	_ =	shalt  }
0x52: {  	_ =	shalt  }
0x53: {  	_ =	shalt  }
0x54: {  	_ =	shalt  }
0x55: {  	_ =	shalt  }
0x56: {  	_ =	shalt  }
0x57: {  	_ =	shalt  }
0x58: {  	_ =	shalt  }
0x59: {  	_ =	shalt  }
0x5a: {  	_ =	shalt  }
0x5b: {  	_ =	shalt  }
0x5c: {  	_ =	shalt  }
0x5d: {  	_ =	shalt  }
0x5e: {  	_ =	shalt  }
0x5f: {  	_ =	shalt  }
0x60: {  	_ =	shalt  }
0x61: {  	_ =	shalt  }
0x62: {  	_ =	shalt  }
0x63: {  	_ =	shalt  }
0x64: {  	_ =	shalt  }
0x65: {  	_ =	shalt  }
0x66: {  	_ =	shalt  }
0x67: {  	_ =	shalt  }
0x68: {  	_ =	shalt  }
0x69: {  	_ =	shalt  }
0x6a: {  	_ =	shalt  }
0x6b: {  	_ =	shalt  }
0x6c: {  	_ =	shalt  }
0x6d: {  	_ =	shalt  }
0x6e: {  	_ =	shalt  }
0x6f: {  	_ =	shalt  }
0x70: {  	_ =	shalt  }
0x71: {  	_ =	shalt  }
0x72: {  	_ =	shalt  }
0x73: {  	_ =	shalt  }
0x74: {  	_ =	shalt  }
0x75: {  	_ =	shalt  }
0x76: {  	_ =	shalt  }
0x77: {  	_ =	shalt  }
0x78: {  	_ =	shalt  }
0x79: {  	_ =	shalt  }
0x7a: {  	_ =	shalt  }
0x7b: {  	_ =	shalt  }
0x7c: {  	_ =	shalt  }
0x7d: {  	_ =	shalt  }
0x7e: {  	_ =	shalt  }
0x7f: {  	_ =	shalt  }
0x80: {  	_ =	shalt  }
0x81: {  	_ =	shalt  }
0x82: {  	_ =	shalt  }
0x83: {  	_ =	shalt  }
0x84: {  	_ =	shalt  }
0x85: {  	_ =	shalt  }
0x86: {  	_ =	shalt  }
0x87: {  	_ =	shalt  }
.Lfunc_end0:
.L_simem_size_0:
called_computation.2_lowered:
.L_overlay_start_0:
0x88: {  	s2 =	sld [smem:$0x3FD9]  }
0x89: {  	s3 =	sld [smem:$0x3FFE];
	_ =	sdelay $0x1  }
0x8a: {  	s1 =	srdreg.scid  }
0x8b: {  	s0 =	sand.u32 $0x1, s1  }
0x8c: {  	s15 =	sshll.u32 s0, $0xA;
	s2 =	sadd.s32 s3, s2  }
0x8d: {  	s2 =	sadd.s32 s2, s15  }
0x8e: {  	[smem:$0x3FB6] =	sst s2  }
0x8f: {  	_ = 	snop  }
0x90: {  	s2 =	sld [smem:$0x3FD0];
	_ =	sdelay $0x2  }
0x91: {  	s16 =	simm.s32 $0xC;
	s4 =	simm.s32 $0x10  }
0x92: {  	[smem:s4], [sflag:s16] =	dma.local [hbm:s2], $0x1  }
0x93: {  	_ =	swait.eq [sflag:s16], $0x1  }
0x94: {  	[sflag:s16] =	ssyncset.done $0x0  }
0x95: {  	[sflag:s16] =	ssyncadd.s32 $0xFFFFFFFF  }
0x96: {  	s17 =	sld [smem:$0x10];
	(tm) =	ssettm $0x1  }
0x97: {  	s18 =	sld [smem:$0x3FFB];
	_ =	sdelay $0x3  }
0x98: {  	_ =	strace s18  }
0x99: {  	s2 =	sld [smem:$0x3FFC];
	_ =	sdelay $0x3  }
0x9a: {  	_ =	strace s2  }
0x9b: {  	s2 =	sld [smem:$0x3FFD];
	_ =	sdelay $0x3  }
0x9c: {  	_ =	strace s2  }
0x9d: {  	_ =	strace $0x8FFFFFFF  }
0x9e: {  	s19 =	sld [smem:$0x3FDB];
	_ =	sdelay $0x1  }
0x9f: {  	s20 =	simm.s32 $_scs_section_size  }
0xa0: {  	s5 =	simm.s32 $_size__tile_overlayer_lowered;
	s6 =	simm.s32 $_tile_overlayer_lowered  }
0xa1: {  	s7 =	simm.s32 $0x1BFF;
	s21 =	sshll.u32 s6, $0x1;
	s4 =	sadd.s32 s20, s19  }
0xa2: {  	s22 =	simm.s32 $0x0;
	s5 =	sshll.u32 s5, $0x1;
	s6 =	sadd.s32 s21, s4  }
0xa3: {  	[timem:s22], [sflag:s7] =	dma.local [hbm:s6], s5  }
0xa4: {  	_ =	swait.ge [sflag:s7], s5  }
0xa5: {  	s5 =	ssub.s32 $0x0, s5;
	[sflag:s7] =	ssyncset.done $0x0  }
0xa6: {  	[sflag:s7] =	ssyncadd.s32 s5;
	_ =	sdelay $0x1  }
0xa7: {  	s23 =	simm.s32 $0x1B8B  }
0xa8: {  	_ =	swait.ge [sflag:s23], $0x1  }
0xa9: {  	[sflag:s23] =	ssyncset.done $0x0  }
0xaa: {  	[sflag:s23] =	ssyncadd.s32 $0xFFFFFFFF  }
0xab: {  	s5 =	sld [smem:$0x0]  }
0xac: {  	s6 =	sand.u32 $0xFFFFFFFE, s1  }
0xad: {  	p0 =	sne.s32 s1, s6  }
0xae: {  	s6 =	sshll.u32 @p0 s6, $0xE  }
0xaf: {  	s6 =	sadd.s32 @p0 $0x11B8D, s6;
	s7 =	sshll.u32 @p0 s5, $0x11  }
0xb0: {  	s6 =	sor.u32 @p0 s7, s6  }
0xb1: {  	[sflag:s6] =	ssyncadd.remote.s32 @p0 $0x1;
	_ =	sdelay $0x1  }
0xb2: {  	s6 =	simm.s32 @p0 $0x1B8D  }
0xb3: {  	_ =	swait.eq @p0 [sflag:s6], $0x1  }
0xb4: {  	[sflag:s6] =	ssyncadd.s32 @p0 $0xFFFFFFFF  }
0xb5: {  	s7 =	sshll.u32 @!p0 s1, $0xE  }
0xb6: {  	s7 =	sor.u32 @!p0 $0x4000, s7;
	s6 =	simm.s32 @!p0 $0x1B8D  }
0xb7: {  	s5 =	sshll.u32 @!p0 s5, $0x11;
	s7 =	sadd.s32 @!p0 $0x11B8D, s7;
	_ =	swait.eq @!p0 [sflag:s6], $0x1  }
0xb8: {  	s5 =	sor.u32 @!p0 s5, s7;
	[sflag:s6] =	ssyncadd.s32 @!p0 $0xFFFFFFFF  }
0xb9: {  	s25 =	simm.s32 $0x1B8E;
	s24 =	sld [smem:$0x3FFE];
	[sflag:s5] =	ssyncadd.remote.s32 @!p0 $0x1  }
0xba: {  	s26 =	simm.s32 $execute0_lowered;
	[smem:$0x3FD2] =	sst s25  }
0xbb: {  	s6 =	sshll.u32 s26, $0x1;
	_ =	strace $0x80000049;
	[dreg:$0x1] =	wrdreg $0xFFFFFFFF  }
0xbc: {  	s28 =	simm.s32 $_size_execute0_lowered;
	s4 =	sadd.s32 s4, s6;
	[dreg:$0x0] =	wrdreg $0x0  }
0xbd: {  	s6 =	sshll.u32 s28, $0x1;
	[dreg:$0x2] =	wrdreg s4  }
0xbe: {  	[dreg:$0x3] =	wrdreg s6  }
0xbf: {  	[dreg:$0x4] =	wrdreg $0xC0  }
0xc0: {  	_ =	task [dreg:s22], $0x5FFFF  }
0xc1: {  	[dreg:$0x1] =	wrdreg $0xFFFFFFFF  }
0xc2: {  	[dreg:$0x0] =	wrdreg $0x60  }
0xc3: {  	[dreg:$0x2] =	wrdreg s17  }
0xc4: {  	[dreg:$0x3] =	wrdreg s24  }
0xc5: {  	[dreg:$0x4] =	wrdreg $0x90000  }
0xc6: {  	[dreg:$0x5] =	wrdreg $0xB  }
0xc7: {  	_ =	task.clear_ibuf [dreg:s22], $0x6FFFF;
	_ =	strace $0x90000049  }
0xc8: {  	s29 =	simm.s32 $0xB;
	_ =	strace $0x8000004B  }
0xc9: {  	_ =	swait.ge [sflag:s29], $0x1  }
0xca: {  	[sflag:s29] =	ssyncadd.s32 $0xFFFFFFFF  }
0xcb: {  	_ =	strace $0x9000004B  }
0xcc: {  	_ =	sfence  }
0xcd: {  	s30 =	sld [smem:$0x0];
	_ =	sdelay $0x2  }
0xce: {  	s31 =	sshll.u32 s1, $0xD;
	s1 =	sshrl.u32 s1, $0x2  }
0xcf: {  	s4 =	sand.u32 $0x4000, s31;
	s1 =	sadd.s32 s1, s30  }
0xd0: {  	s0 =	sor.u32 s4, s0;
	s1 =	sshll.u32 s1, $0x11  }
0xd1: {  	s0 =	sor.u32 s1, s0  }
0xd2: {  	s0 =	sadd.s32 $0x8F2B, s0  }
0xd3: {  	[sflag:s0] =	ssyncadd.remote.s32 $0x1  }
0xd4: {  	_ =	sfence.sel $0xFFFF  }
0xd5: {  	[dreg:$0x0] =	wrdreg $0xFFFFFFFF;
	(pc) =	sbr.abs _section_cstart, $3  }
0xd6: {  	[dreg:$0x1] =	wrdreg $0xFFFFFFFF  }
0xd7: {  	_ =	task.clear_ibuf [dreg:s22], $0x2FFFF;
	_ =	strace $0x9FFFFFFF  }
0xd8: {  	(tm) =	ssettm $0x7FFFFFFF  }
0xd9: {  	_ =	shalt  }
tec
execute0_lowered:
.L_overlay_start_1:
0x0: {  	(tag) =	ssettag $0x1  }
0x1: {  	s1 =	rddreg [dreg:$0x0]  }
0x2: {  	s5 =	rddreg [dreg:$0x1]  }
0x3: {  	s0 =	srdreg.scid;
	s3 =	rddreg [dreg:$0x2]  }
0x4: {  	s2 =	rddreg [dreg:$0x3];
	s6 =	sand.u32 $0x1, s0  }
0x5: {  	s4 =	simm.s32 $0x0;
	s0 =	stileid.u32;
	s7 =	smul.u32 $0x28000, s6  }
0x6: {  	s14 =	simm.s32 $0x80;
	s15 =	simm.s32 $0x5000;
	s8 =	smul.u32 $0x2800, s0  }
0x7: {  	s16 =	simm.s32 $0x1;
	[smem:$0x7FF] =	sst s4;
	s30 =	smul.u32 $0x5000, s0  }
0x8: {  	s17 =	simm.s32 $0x0;
	s9 =	smul.u32 $0x50000, s6;
	_ =	strace $0x8000004A  }
0x9: {  	s6 =	ssub.s32 $0x2, s6;
	s31 =	smul.u32 $0x14000, s0;
	s12 =	sshll.u32 s0, $0x6  }
0xa: {  	s11 =	sshrl.u32 s6, $0x1;
	s12 =	sor.u32 $0x1C02, s12;
	s7 =	sadd.s32 s8, s7  }
0xb: {  	s10 =	sshrl.u32 s30, $0x3;
	s8 =	sadd.s32 s30, s9;
	s11 =	ssub.s32 s6, s11  }
0xc: {  	s9 =	sshrl.u32 s31, $0x2;
	s7 =	sshrl.u32 s7, $0x3;
	s10 =	sadd.s32 s10, s5  }
0xd: {  	s8 =	sshrl.u32 s8, $0x3;
	s13 =	sadd.s32 s9, s3;
	s9 =	smax.u32 s11, $0x1  }
0xe: {  	s11 =	simm.s32 $0x2800;
	s7 =	sadd.s32 s7, s5;
	s8 =	sadd.s32 s8, s5  }
0xf: {  	s13 =	sshrl.u32 s13, $0x3;
	s5 =	sadd.s32 $0x7400, s7;
	s6 =	sadd.s32 $0x11400, s7  }
0x10: {  	s7 =	sadd.s32 $0x1B400, s10;
	s8 =	sadd.s32 $0x60600, s8;
	s10 =	simm.s32 $0x2  }
.LBB2_1:
0x11: {  	[tilespmem:s4], [sflag:$0x2] =	stream.linear.gather [hbm4b:s5+s4], $0x2780, $0x38;
	[tilespmem:$0xE000] =	vst v63  }
0x12: {  	_ =	swait.ge [sflag:s10], $0x2780  }
0x13: {  	[sflag:s10] =	ssyncset.done $0x0  }
0x14: {  	[sflag:s10] =	ssyncadd.s32 $0xFFFFD880  }
0x15: {  	[tilespmem:s11], [sflag:$0x2] =	stream.linear.gather [hbm4b:s6+s4], $0x2780, $0x38;
	[tilespmem:$0xE000] =	vst v63  }
0x16: {  	_ =	swait.ge [sflag:s10], $0x2780  }
0x17: {  	[sflag:s10] =	ssyncset.done $0x0  }
0x18: {  	[sflag:s10] =	ssyncadd.s32 $0xFFFFD880  }
0x19: {  	[spmem:s13], [sflag:s12] =	dma.local [hbm:s7], $0xA00  }
0x1a: {  	_ =	swait.ge [sflag:s10], $0xA00  }
0x1b: {  	[sflag:s10] =	ssyncset.done $0x0  }
0x1c: {  	[sflag:s10] =	ssyncadd.s32 $0xFFFFF600  }
0x1d: {  	s18 =	simm.s32 $0x0;
	[bflag:$0x0] =	sbarrier.arrive $0xFFFF  }
0x1e: {  	[tilespmem:s15], [sflag:$0x1] =	stream.indirect.gather [hbm4b:s1+s14], $0x80, s18, s14, $0xb8;
	[tilespmem:$0xE000] =	vst v63  }
0x1f: {  	_ =	swait.ge [sflag:s16], $0x4000  }
0x20: {  	[sflag:s16] =	ssyncset.done $0x0  }
0x21: {  	s31 =	simm.s32 $0x2800;
	[sflag:s16] =	ssyncadd.s32 $0xFFFFC000  }
0x22: {  	[spmem:s3] =	stream.indirect.scatter.add.f32 [tilespmem:s15], [sflag:$0x2], $0x80, s31, s14, $0xb8;
	[tilespmem:$0xE000] =	vst v63  }
0x23: {  	_ =	swait.ge [sflag:s10], $0x4000  }
0x24: {  	s19 =	simm.s32 $0x400;
	s18 =	simm.s32 $0x200;
	[sflag:s10] =	ssyncset.done $0x0  }
.LBB2_2:
0x25: {  	s20 =	sshra.s32 s18, $0x2  }
0x26: {  	[sflag:s10] =	ssyncadd.s32 $0xFFFFC000;
	s18 =	smov.u32 s19;
	s21 =	sadd.s32 $0x200, s19  }
0x27: {  	[tilespmem:s15], [sflag:$0x1] =	stream.indirect.gather [hbm4b:s1+s14], $0x80, s20, s14, $0xb8;
	[tilespmem:$0xE000] =	vst v63  }
0x28: {  	p0 =	sne.s32 s19, $0x9C00;
	_ =	swait.ge [sflag:s16], $0x4000  }
.Ltmp0:
0x29: {  	[sflag:s16] =	ssyncset.done $0x0;
	(pc) =	sbr.rel @p0 .LBB2_2-.Ltmp0, $4  }
0x2a: {  	s19 =	sadd.s32 $0x2800, s20;
	[sflag:s16] =	ssyncadd.s32 $0xFFFFC000  }
0x2b: {  	[spmem:s3] =	stream.indirect.scatter.add.f32 [tilespmem:s15], [sflag:$0x2], $0x80, s19, s14, $0xb8;
	[tilespmem:$0xE000] =	vst v63  }
0x2c: {  	_ =	swait.ge [sflag:s10], $0x4000  }
0x2d: {  	s19 =	smov.u32 s21;
	[sflag:s10] =	ssyncset.done $0x0  }
0x2e: {  	s18 =	sshra.s32 s18, $0x2;
	[sflag:s10] =	ssyncadd.s32 $0xFFFFC000  }
0x2f: {  	[tilespmem:s15], [sflag:$0x1] =	stream.indirect.gather [hbm4b:s1+s14], $0x80, s18, s14, $0xb8;
	[tilespmem:$0xE000] =	vst v63  }
0x30: {  	_ =	swait.ge [sflag:s16], $0x4000  }
0x31: {  	[sflag:s16] =	ssyncset.done $0x0  }
0x32: {  	s18 =	sadd.s32 $0x2800, s18;
	[sflag:s16] =	ssyncadd.s32 $0xFFFFC000  }
0x33: {  	[spmem:s3] =	stream.indirect.scatter.add.f32 [tilespmem:s15], [sflag:$0x2], $0x80, s18, s14, $0xb8;
	[tilespmem:$0xE000] =	vst v63  }
0x34: {  	_ =	swait.ge [sflag:s10], $0x4000  }
0x35: {  	s17 =	sadd.s32 $0x1, s17;
	[sflag:s10] =	ssyncset.done $0x0  }
0x36: {  	p0 =	sne.s32 s17, s9;
	[sflag:s10] =	ssyncadd.s32 $0xFFFFC000  }
.Ltmp1:
0x37: {  	[bflag:$0x0] =	sbarrier.arrive $0xFFFF;
	(pc) =	sbr.rel @p0 .LBB2_1-.Ltmp1, $4  }
0x38: {  	[hbm:s8], [sflag:s12] =	dma.local [spmem:s13], $0xA00  }
0x39: {  	_ =	swait.ge [sflag:s10], $0xA00  }
0x3a: {  	[sflag:s10] =	ssyncset.done $0x0  }
0x3b: {  	[sflag:s10] =	ssyncadd.s32 $0xFFFFF600  }
0x3c: {  	_ =	sfence.sel $0x180000  }
0x3d: {  	[bflag:$0x0] =	sbarrier.arrive $0xFFFF  }
0x3e: {  	p0 =	sne.s32 s0, $0x0;
	_ =	strace $0x9000004A  }
0x3f: {  	s0 =	sadd.s32 @!p0 $0x100000, s2;
	[bflag:$0x2] =	sbarrier.arrive $0xFFFF  }
0x40: {  	[sflag:s0] =	ssyncadd.tile.s32 @!p0 $0x1;
	_ =	shalt  }
.Lfunc_end2:
_tile_overlayer_lowered:
.L_overlay_start_2:
0x41: {  	(tag) =	ssettag $0x2  }
0x42: {  	s0 =	rddreg [dreg:$0x0];
	s2 =	stileid.u32  }
0x43: {  	s1 =	rddreg [dreg:$0x1];
	p0 =	sne.s32 s2, $0x0  }
0x44: {  	s3 =	rddreg [dreg:$0x2];
	[bflag:$0x3] =	sbarrier.arrive $0xFFFF;
	s2 =	simm.s32 @!p0 $0x1C02  }
0x45: {  	[timem:s3], [sflag:s2] =	dma.local @!p0 [hbm:s0], s1  }
0x46: {  	s0 =	simm.s32 @!p0 $0x2  }
0x47: {  	_ =	swait.ge @!p0 [sflag:s0], s1  }
0x48: {  	s1 =	ssub.s32 @!p0 $0x0, s1;
	[sflag:s0] =	ssyncset.done @!p0 $0x0  }
0x49: {  	[sflag:s0] =	ssyncadd.s32 @!p0 s1  }
0x4a: {  	[bflag:$0x3] =	sbarrier.arrive $0xFFFF  }
0x4b: {  	_ =	shalt  }

// kernel: kernel.27.cloned.1.call-start
scs
__scs_entry_jumppad:
0x0: {  	(pc) =	sbr.rel $0x88, $3  }
0x1: {  	(tag) =	ssettag $0x0;
	lr =	simm.s32 $0x1  }
0x2: {  	[smem:$0x3F8F] =	sst lr;
	_ =	strace $0xD0000000  }
0x3: {  	_ = 	snop  }
0x4: {  	_ = 	snop  }
0x5: {  	_ = 	snop  }
0x6: {  	_ = 	snop  }
0x7: {  	_ = 	snop  }
__scs_overlays_trampoline_lowered:
0x8: {  	[smem:$0x3F9E] =	sst s0  }
0x9: {  	[smem:$0x3F9F] =	sst s1  }
0xa: {  	[smem:$0x3FA0] =	sst s2  }
0xb: {  	[smem:$0x3FA1] =	sst s3  }
0xc: {  	[smem:$0x3FA2] =	sst s4  }
0xd: {  	[smem:$0x3FA3] =	sst s5  }
0xe: {  	[smem:$0x3FA4] =	sst s6  }
0xf: {  	[smem:$0x3FA5] =	sst s7  }
0x10: {  	[smem:$0x3FA6] =	sst s8  }
0x11: {  	[smem:$0x3FA7] =	sst s9;
	s0 =	simm.s32 @!p0 $0x0  }
0x12: {  	s1 =	sld [smem:$0x3F8D];
	s0 =	simm.s32 @p0 $0x1  }
0x13: {  	[smem:$0x3FA8] =	sst s0;
	s0 =	simm.s32 @!p1 $0x0  }
0x14: {  	s2 =	sld [smem:$0x3F8C];
	s0 =	simm.s32 @p1 $0x1  }
0x15: {  	[smem:$0x3FA9] =	sst s0;
	s0 =	simm.s32 @!p2 $0x0  }
0x16: {  	s3 =	sld [smem:$0x3FDB];
	s0 =	simm.s32 @p2 $0x1  }
0x17: {  	s4 =	simm.s32 $0x1BF5;
	[smem:$0x3FAB] =	sst s0  }
0x18: {  	s0 =	sld [smem:$0x3F8E];
	_ =	swait.ge [sflag:s4], $0x0  }
0x19: {  	s7 =	sld [smem:$0x3F8F]  }
0x1a: {  	s8 =	sadd.s32 $0xFFFFE003, lr  }
0x1b: {  	s9 =	sadd.s32 $0xFFFFFEF7, lr;
	s5 =	simm.s32 $0xFFFFFFFF;
	p2 =	slt.u32 s8, $0xFFFFF086  }
0x1c: {  	p1 =	slt.u32 s9, $0xF7A;
	s5 =	simm.s32 @!p2 $0x0  }
0x1d: {  	s5 =	simm.s32 @p1 $0x1;
	p0 =	seq.s32 s7, s2  }
0x1e: {  	s7 =	smul.u32 @!p0 $0xF7A, s2;
	p2 =	seq.s32 @!p0 s5, $0x0  }
0x1f: {  	s9 =	smul.u32 $0xF7A, s1;
	s8 =	simm.s32 @!p0 $0x1BF5;
	p2 =	por !p2, p0  }
0x20: {  	[sflag:s8] =	ssyncset.s32 @!p0 $0xFFFFF086;
	s6 =	sadd.s32 @!p0 s3, s7;
	s7 =	simm.s32 @!p0 $0x108  }
0x21: {  	s3 =	sadd.s32 s3, s9;
	s6 =	sadd.s32 @!p0 $0x88, s6;
	s7 =	simm.s32 @p2 $0x1082  }
0x22: {  	[simem:s7], [sflag:s8] =	dma.local @!p0 [hbm:s6], $0xF7A  }
0x23: {  	s9 =	sor.u32 $0xD0000000, s2;
	s6 =	simm.s32 $0x108;
	_ =	swait.ge @!p0 [sflag:s8], $0x0  }
0x24: {  	s3 =	sadd.s32 $0x88, s3;
	s6 =	simm.s32 @!p1 $0x1082;
	[sflag:s4] =	ssyncset.s32 $0xFFFFF086  }
0x25: {  	[simem:s6], [sflag:s4] =	dma.local [hbm:s3], $0xF7A  }
0x26: {  	[smem:$0x3F8F] =	sst s1;
	(tag) =	ssettag s2;
	_ =	strace s9  }
0x27: {  	s1 =	sld [smem:$0x3F9F]  }
0x28: {  	s2 =	sld [smem:$0x3FA0]  }
0x29: {  	s4 =	sld [smem:$0x3FA2]  }
0x2a: {  	p0 =	seq.s32 s5, $0x0;
	s5 =	sld [smem:$0x3FA3]  }
0x2b: {  	s6 =	sld [smem:$0x3FA4]  }
0x2c: {  	s7 =	sld [smem:$0x3FA5]  }
0x2d: {  	s3 =	simm.s32 $0x108;
	s8 =	sld [smem:$0x3FA6]  }
0x2e: {  	s3 =	simm.s32 @!p0 $0x1082;
	s9 =	sld [smem:$0x3FA7]  }
0x2f: {  	lr =	sadd.s32 s0, s3;
	s0 =	sld [smem:$0x3F9E]  }
0x30: {  	s3 =	sld [smem:$0x3FA1]  }
0x31: {  	[smem:$0x3FAA] =	sst s10  }
0x32: {  	s10 =	sld [smem:$0x3FA8];
	_ =	sdelay $0x3  }
0x33: {  	p0 =	seq.s32 s10, $0x1;
	s10 =	sld [smem:$0x3FAA];
	_ =	sdelay $0x3  }
0x34: {  	[smem:$0x3FAA] =	sst s10  }
0x35: {  	s10 =	sld [smem:$0x3FA9];
	_ =	sdelay $0x3  }
0x36: {  	p1 =	seq.s32 s10, $0x1;
	s10 =	sld [smem:$0x3FAA];
	_ =	sdelay $0x3  }
0x37: {  	[smem:$0x3FAA] =	sst s10  }
0x38: {  	s10 =	sld [smem:$0x3FAB]  }
0x39: {  	_ = 	snop;
	(pc) =	sbr.ind lr, $3  }
0x3a: {  	_ = 	snop  }
0x3b: {  	_ = 	snop  }
0x3c: {  	p2 =	seq.s32 s10, $0x1;
	s10 =	sld [smem:$0x3FAA]  }
0x3d: {  	_ =	shalt  }
0x3e: {  	_ =	shalt  }
0x3f: {  	_ =	shalt  }
0x40: {  	_ =	shalt  }
0x41: {  	_ =	shalt  }
0x42: {  	_ =	shalt  }
0x43: {  	_ =	shalt  }
0x44: {  	_ =	shalt  }
0x45: {  	_ =	shalt  }
0x46: {  	_ =	shalt  }
0x47: {  	_ =	shalt  }
0x48: {  	_ =	shalt  }
0x49: {  	_ =	shalt  }
0x4a: {  	_ =	shalt  }
0x4b: {  	_ =	shalt  }
0x4c: {  	_ =	shalt  }
0x4d: {  	_ =	shalt  }
0x4e: {  	_ =	shalt  }
0x4f: {  	_ =	shalt  }
0x50: {  	_ =	shalt  }
0x51: {  	_ =	shalt  }
0x52: {  	_ =	shalt  }
0x53: {  	_ =	shalt  }
0x54: {  	_ =	shalt  }
0x55: {  	_ =	shalt  }
0x56: {  	_ =	shalt  }
0x57: {  	_ =	shalt  }
0x58: {  	_ =	shalt  }
0x59: {  	_ =	shalt  }
0x5a: {  	_ =	shalt  }
0x5b: {  	_ =	shalt  }
0x5c: {  	_ =	shalt  }
0x5d: {  	_ =	shalt  }
0x5e: {  	_ =	shalt  }
0x5f: {  	_ =	shalt  }
0x60: {  	_ =	shalt  }
0x61: {  	_ =	shalt  }
0x62: {  	_ =	shalt  }
0x63: {  	_ =	shalt  }
0x64: {  	_ =	shalt  }
0x65: {  	_ =	shalt  }
0x66: {  	_ =	shalt  }
0x67: {  	_ =	shalt  }
0x68: {  	_ =	shalt  }
0x69: {  	_ =	shalt  }
0x6a: {  	_ =	shalt  }
0x6b: {  	_ =	shalt  }
0x6c: {  	_ =	shalt  }
0x6d: {  	_ =	shalt  }
0x6e: {  	_ =	shalt  }
0x6f: {  	_ =	shalt  }
0x70: {  	_ =	shalt  }
0x71: {  	_ =	shalt  }
0x72: {  	_ =	shalt  }
0x73: {  	_ =	shalt  }
0x74: {  	_ =	shalt  }
0x75: {  	_ =	shalt  }
0x76: {  	_ =	shalt  }
0x77: {  	_ =	shalt  }
0x78: {  	_ =	shalt  }
0x79: {  	_ =	shalt  }
0x7a: {  	_ =	shalt  }
0x7b: {  	_ =	shalt  }
0x7c: {  	_ =	shalt  }
0x7d: {  	_ =	shalt  }
0x7e: {  	_ =	shalt  }
0x7f: {  	_ =	shalt  }
0x80: {  	_ =	shalt  }
0x81: {  	_ =	shalt  }
0x82: {  	_ =	shalt  }
0x83: {  	_ =	shalt  }
0x84: {  	_ =	shalt  }
0x85: {  	_ =	shalt  }
0x86: {  	_ =	shalt  }
0x87: {  	_ =	shalt  }
.Lfunc_end0:
.L_simem_size_0:
called_computation.3_lowered:
.L_overlay_start_0:
0x88: {  	s2 =	sld [smem:$0x3FD9]  }
0x89: {  	s3 =	sld [smem:$0x3FFE];
	_ =	sdelay $0x1  }
0x8a: {  	s1 =	srdreg.scid  }
0x8b: {  	s0 =	sand.u32 $0x1, s1  }
0x8c: {  	s15 =	sshll.u32 s0, $0xA;
	s2 =	sadd.s32 s3, s2  }
0x8d: {  	s2 =	sadd.s32 s2, s15  }
0x8e: {  	[smem:$0x3FB6] =	sst s2  }
0x8f: {  	_ = 	snop  }
0x90: {  	s2 =	sld [smem:$0x3FD0];
	_ =	sdelay $0x2  }
0x91: {  	s16 =	simm.s32 $0xC;
	s4 =	simm.s32 $0x10  }
0x92: {  	[smem:s4], [sflag:s16] =	dma.local [hbm:s2], $0x1  }
0x93: {  	_ =	swait.eq [sflag:s16], $0x1  }
0x94: {  	[sflag:s16] =	ssyncset.done $0x0  }
0x95: {  	[sflag:s16] =	ssyncadd.s32 $0xFFFFFFFF  }
0x96: {  	s17 =	sld [smem:$0x10];
	(tm) =	ssettm $0x1  }
0x97: {  	s18 =	sld [smem:$0x3FFB];
	_ =	sdelay $0x3  }
0x98: {  	_ =	strace s18  }
0x99: {  	s2 =	sld [smem:$0x3FFC];
	_ =	sdelay $0x3  }
0x9a: {  	_ =	strace s2  }
0x9b: {  	s2 =	sld [smem:$0x3FFD];
	_ =	sdelay $0x3  }
0x9c: {  	_ =	strace s2  }
0x9d: {  	_ =	strace $0x8FFFFFFF  }
0x9e: {  	s19 =	sld [smem:$0x3FDB];
	_ =	sdelay $0x1  }
0x9f: {  	s20 =	simm.s32 $_scs_section_size  }
0xa0: {  	s5 =	simm.s32 $_size__tile_overlayer_lowered;
	s6 =	simm.s32 $_tile_overlayer_lowered  }
0xa1: {  	s7 =	simm.s32 $0x1BFF;
	s21 =	sshll.u32 s6, $0x1;
	s4 =	sadd.s32 s20, s19  }
0xa2: {  	s22 =	simm.s32 $0x0;
	s5 =	sshll.u32 s5, $0x1;
	s6 =	sadd.s32 s21, s4  }
0xa3: {  	[timem:s22], [sflag:s7] =	dma.local [hbm:s6], s5  }
0xa4: {  	_ =	swait.ge [sflag:s7], s5  }
0xa5: {  	s5 =	ssub.s32 $0x0, s5;
	[sflag:s7] =	ssyncset.done $0x0  }
0xa6: {  	[sflag:s7] =	ssyncadd.s32 s5;
	_ =	sdelay $0x1  }
0xa7: {  	s23 =	simm.s32 $0x1B8B  }
0xa8: {  	_ =	swait.ge [sflag:s23], $0x1  }
0xa9: {  	[sflag:s23] =	ssyncset.done $0x0  }
0xaa: {  	[sflag:s23] =	ssyncadd.s32 $0xFFFFFFFF  }
0xab: {  	s5 =	sld [smem:$0x0]  }
0xac: {  	s6 =	sand.u32 $0xFFFFFFFE, s1  }
0xad: {  	p0 =	sne.s32 s1, s6  }
0xae: {  	s6 =	sshll.u32 @p0 s6, $0xE  }
0xaf: {  	s6 =	sadd.s32 @p0 $0x11B8D, s6;
	s7 =	sshll.u32 @p0 s5, $0x11  }
0xb0: {  	s6 =	sor.u32 @p0 s7, s6  }
0xb1: {  	[sflag:s6] =	ssyncadd.remote.s32 @p0 $0x1;
	_ =	sdelay $0x1  }
0xb2: {  	s6 =	simm.s32 @p0 $0x1B8D  }
0xb3: {  	_ =	swait.eq @p0 [sflag:s6], $0x1  }
0xb4: {  	[sflag:s6] =	ssyncadd.s32 @p0 $0xFFFFFFFF  }
0xb5: {  	s7 =	sshll.u32 @!p0 s1, $0xE  }
0xb6: {  	s7 =	sor.u32 @!p0 $0x4000, s7;
	s6 =	simm.s32 @!p0 $0x1B8D  }
0xb7: {  	s5 =	sshll.u32 @!p0 s5, $0x11;
	s7 =	sadd.s32 @!p0 $0x11B8D, s7;
	_ =	swait.eq @!p0 [sflag:s6], $0x1  }
0xb8: {  	s5 =	sor.u32 @!p0 s5, s7;
	[sflag:s6] =	ssyncadd.s32 @!p0 $0xFFFFFFFF  }
0xb9: {  	s25 =	simm.s32 $0x1B8E;
	s24 =	sld [smem:$0x3FFE];
	[sflag:s5] =	ssyncadd.remote.s32 @!p0 $0x1  }
0xba: {  	s26 =	simm.s32 $execute0_lowered;
	[smem:$0x3FD2] =	sst s25  }
0xbb: {  	s6 =	sshll.u32 s26, $0x1;
	_ =	strace $0x8000004F;
	[dreg:$0x1] =	wrdreg $0xFFFFFFFF  }
0xbc: {  	s28 =	simm.s32 $_size_execute0_lowered;
	s4 =	sadd.s32 s4, s6;
	[dreg:$0x0] =	wrdreg $0x0  }
0xbd: {  	s6 =	sshll.u32 s28, $0x1;
	[dreg:$0x2] =	wrdreg s4  }
0xbe: {  	[dreg:$0x3] =	wrdreg s6  }
0xbf: {  	[dreg:$0x4] =	wrdreg $0xC0  }
0xc0: {  	_ =	task [dreg:s22], $0x5FFFF  }
0xc1: {  	[dreg:$0x1] =	wrdreg $0xFFFFFFFF  }
0xc2: {  	[dreg:$0x0] =	wrdreg $0x60  }
0xc3: {  	[dreg:$0x2] =	wrdreg s17  }
0xc4: {  	[dreg:$0x3] =	wrdreg s24  }
0xc5: {  	[dreg:$0x4] =	wrdreg $0x90000  }
0xc6: {  	[dreg:$0x5] =	wrdreg $0xA  }
0xc7: {  	_ =	task.clear_ibuf [dreg:s22], $0x6FFFF;
	_ =	strace $0x9000004F  }
0xc8: {  	s29 =	simm.s32 $0xA;
	_ =	strace $0x80000051  }
0xc9: {  	_ =	swait.ge [sflag:s29], $0x1  }
0xca: {  	[sflag:s29] =	ssyncadd.s32 $0xFFFFFFFF  }
0xcb: {  	_ =	strace $0x90000051  }
0xcc: {  	_ =	sfence  }
0xcd: {  	s30 =	sld [smem:$0x0];
	_ =	sdelay $0x2  }
0xce: {  	s31 =	sshll.u32 s1, $0xD;
	s1 =	sshrl.u32 s1, $0x2  }
0xcf: {  	s4 =	sand.u32 $0x4000, s31;
	s1 =	sadd.s32 s1, s30  }
0xd0: {  	s0 =	sor.u32 s4, s0;
	s1 =	sshll.u32 s1, $0x11  }
0xd1: {  	s0 =	sor.u32 s1, s0  }
0xd2: {  	s0 =	sadd.s32 $0x8F2B, s0  }
0xd3: {  	[sflag:s0] =	ssyncadd.remote.s32 $0x1  }
0xd4: {  	_ =	sfence.sel $0xFFFF  }
0xd5: {  	[dreg:$0x0] =	wrdreg $0xFFFFFFFF;
	(pc) =	sbr.abs _section_cstart, $3  }
0xd6: {  	[dreg:$0x1] =	wrdreg $0xFFFFFFFF  }
0xd7: {  	_ =	task.clear_ibuf [dreg:s22], $0x2FFFF;
	_ =	strace $0x9FFFFFFF  }
0xd8: {  	(tm) =	ssettm $0x7FFFFFFF  }
0xd9: {  	_ =	shalt  }
tec
execute0_lowered:
.L_overlay_start_1:
0x0: {  	(tag) =	ssettag $0x1  }
0x1: {  	s1 =	rddreg [dreg:$0x0]  }
0x2: {  	s5 =	rddreg [dreg:$0x1]  }
0x3: {  	s0 =	srdreg.scid;
	s3 =	rddreg [dreg:$0x2]  }
0x4: {  	s2 =	rddreg [dreg:$0x3];
	s6 =	sand.u32 $0x1, s0  }
0x5: {  	s4 =	simm.s32 $0x0;
	s0 =	stileid.u32;
	s7 =	smul.u32 $0x28000, s6  }
0x6: {  	s14 =	simm.s32 $0x80;
	s15 =	simm.s32 $0x5000;
	s8 =	smul.u32 $0x2800, s0  }
0x7: {  	s16 =	simm.s32 $0x1;
	[smem:$0x7FF] =	sst s4;
	s30 =	smul.u32 $0x13C00, s0  }
0x8: {  	s17 =	simm.s32 $0x0;
	s9 =	smul.u32 $0x13C000, s6;
	_ =	strace $0x80000050  }
0x9: {  	s6 =	ssub.s32 $0x2, s6;
	s31 =	smul.u32 $0x4F000, s0;
	s12 =	sshll.u32 s0, $0x6  }
0xa: {  	s11 =	sshrl.u32 s6, $0x1;
	s12 =	sor.u32 $0x1C02, s12;
	s7 =	sadd.s32 s8, s7  }
0xb: {  	s10 =	sshrl.u32 s30, $0x3;
	s8 =	sadd.s32 s30, s9;
	s11 =	ssub.s32 s6, s11  }
0xc: {  	s9 =	sshrl.u32 s31, $0x2;
	s7 =	sshrl.u32 s7, $0x3;
	s10 =	sadd.s32 s10, s5  }
0xd: {  	s8 =	sshrl.u32 s8, $0x3;
	s13 =	sadd.s32 s9, s3;
	s9 =	smax.u32 s11, $0x1  }
0xe: {  	s11 =	simm.s32 $0x2800;
	s7 =	sadd.s32 s7, s5;
	s8 =	sadd.s32 s8, s5  }
0xf: {  	s13 =	sshrl.u32 s13, $0x3;
	s5 =	sadd.s32 $0x7E600, s7;
	s6 =	sadd.s32 $0x74600, s7  }
0x10: {  	s7 =	sadd.s32 $0x88600, s10;
	s8 =	sadd.s32 $0x108C00, s8;
	s10 =	simm.s32 $0x2  }
.LBB2_1:
0x11: {  	[tilespmem:s4], [sflag:$0x2] =	stream.linear.gather [hbm4b:s5+s4], $0x2780, $0x38;
	[tilespmem:$0x1CC00] =	vst v63  }
0x12: {  	_ =	swait.ge [sflag:s10], $0x2780  }
0x13: {  	[sflag:s10] =	ssyncset.done $0x0  }
0x14: {  	[sflag:s10] =	ssyncadd.s32 $0xFFFFD880  }
0x15: {  	[tilespmem:s11], [sflag:$0x2] =	stream.linear.gather [hbm4b:s6+s4], $0x2780, $0x38;
	[tilespmem:$0x1CC00] =	vst v63  }
0x16: {  	_ =	swait.ge [sflag:s10], $0x2780  }
0x17: {  	[sflag:s10] =	ssyncset.done $0x0  }
0x18: {  	[sflag:s10] =	ssyncadd.s32 $0xFFFFD880  }
0x19: {  	[spmem:s13], [sflag:s12] =	dma.local [hbm:s7], $0x2780  }
0x1a: {  	_ =	swait.ge [sflag:s10], $0x2780  }
0x1b: {  	[sflag:s10] =	ssyncset.done $0x0  }
0x1c: {  	[sflag:s10] =	ssyncadd.s32 $0xFFFFD880  }
0x1d: {  	s18 =	simm.s32 $0x0;
	[bflag:$0x0] =	sbarrier.arrive $0xFFFF  }
0x1e: {  	[tilespmem:s15], [sflag:$0x1] =	stream.indirect.gather [hbm4b:s1+s14], $0x80, s18, s14, $0xb8;
	[tilespmem:$0x1CC00] =	vst v63  }
0x1f: {  	_ =	swait.ge [sflag:s16], $0x4000  }
0x20: {  	[sflag:s16] =	ssyncset.done $0x0  }
0x21: {  	s31 =	simm.s32 $0x2800;
	[sflag:s16] =	ssyncadd.s32 $0xFFFFC000  }
0x22: {  	[spmem:s3] =	stream.indirect.scatter.add.f32 [tilespmem:s15], [sflag:$0x2], $0x80, s31, s14, $0xb8;
	[tilespmem:$0x1CC00] =	vst v63  }
0x23: {  	_ =	swait.ge [sflag:s10], $0x4000  }
0x24: {  	s19 =	simm.s32 $0x400;
	s18 =	simm.s32 $0x200;
	[sflag:s10] =	ssyncset.done $0x0  }
.LBB2_2:
0x25: {  	s20 =	sshra.s32 s18, $0x2  }
0x26: {  	[sflag:s10] =	ssyncadd.s32 $0xFFFFC000;
	s18 =	smov.u32 s19;
	s21 =	sadd.s32 $0x200, s19  }
0x27: {  	[tilespmem:s15], [sflag:$0x1] =	stream.indirect.gather [hbm4b:s1+s14], $0x80, s20, s14, $0xb8;
	[tilespmem:$0x1CC00] =	vst v63  }
0x28: {  	p0 =	sne.s32 s19, $0x9C00;
	_ =	swait.ge [sflag:s16], $0x4000  }
.Ltmp0:
0x29: {  	[sflag:s16] =	ssyncset.done $0x0;
	(pc) =	sbr.rel @p0 .LBB2_2-.Ltmp0, $4  }
0x2a: {  	s19 =	sadd.s32 $0x2800, s20;
	[sflag:s16] =	ssyncadd.s32 $0xFFFFC000  }
0x2b: {  	[spmem:s3] =	stream.indirect.scatter.add.f32 [tilespmem:s15], [sflag:$0x2], $0x80, s19, s14, $0xb8;
	[tilespmem:$0x1CC00] =	vst v63  }
0x2c: {  	_ =	swait.ge [sflag:s10], $0x4000  }
0x2d: {  	s19 =	smov.u32 s21;
	[sflag:s10] =	ssyncset.done $0x0  }
0x2e: {  	s18 =	sshra.s32 s18, $0x2;
	[sflag:s10] =	ssyncadd.s32 $0xFFFFC000  }
0x2f: {  	[tilespmem:s15], [sflag:$0x1] =	stream.indirect.gather [hbm4b:s1+s14], $0x80, s18, s14, $0xb8;
	[tilespmem:$0x1CC00] =	vst v63  }
0x30: {  	_ =	swait.ge [sflag:s16], $0x4000  }
0x31: {  	[sflag:s16] =	ssyncset.done $0x0  }
0x32: {  	s18 =	sadd.s32 $0x2800, s18;
	[sflag:s16] =	ssyncadd.s32 $0xFFFFC000  }
0x33: {  	[spmem:s3] =	stream.indirect.scatter.add.f32 [tilespmem:s15], [sflag:$0x2], $0x80, s18, s14, $0xb8;
	[tilespmem:$0x1CC00] =	vst v63  }
0x34: {  	_ =	swait.ge [sflag:s10], $0x4000  }
0x35: {  	s17 =	sadd.s32 $0x1, s17;
	[sflag:s10] =	ssyncset.done $0x0  }
0x36: {  	p0 =	sne.s32 s17, s9;
	[sflag:s10] =	ssyncadd.s32 $0xFFFFC000  }
.Ltmp1:
0x37: {  	[bflag:$0x0] =	sbarrier.arrive $0xFFFF;
	(pc) =	sbr.rel @p0 .LBB2_1-.Ltmp1, $4  }
0x38: {  	[hbm:s8], [sflag:s12] =	dma.local [spmem:s13], $0x2780  }
0x39: {  	_ =	swait.ge [sflag:s10], $0x2780  }
0x3a: {  	[sflag:s10] =	ssyncset.done $0x0  }
0x3b: {  	[sflag:s10] =	ssyncadd.s32 $0xFFFFD880  }
0x3c: {  	_ =	sfence.sel $0x180000  }
0x3d: {  	[bflag:$0x0] =	sbarrier.arrive $0xFFFF  }
0x3e: {  	p0 =	sne.s32 s0, $0x0;
	_ =	strace $0x90000050  }
0x3f: {  	s0 =	sadd.s32 @!p0 $0x100000, s2;
	[bflag:$0x2] =	sbarrier.arrive $0xFFFF  }
0x40: {  	[sflag:s0] =	ssyncadd.tile.s32 @!p0 $0x1;
	_ =	shalt  }
.Lfunc_end2:
_tile_overlayer_lowered:
.L_overlay_start_2:
0x41: {  	(tag) =	ssettag $0x2  }
0x42: {  	s0 =	rddreg [dreg:$0x0];
	s2 =	stileid.u32  }
0x43: {  	s1 =	rddreg [dreg:$0x1];
	p0 =	sne.s32 s2, $0x0  }
0x44: {  	s3 =	rddreg [dreg:$0x2];
	[bflag:$0x3] =	sbarrier.arrive $0xFFFF;
	s2 =	simm.s32 @!p0 $0x1C02  }
0x45: {  	[timem:s3], [sflag:s2] =	dma.local @!p0 [hbm:s0], s1  }
0x46: {  	s0 =	simm.s32 @!p0 $0x2  }
0x47: {  	_ =	swait.ge @!p0 [sflag:s0], s1  }
0x48: {  	s1 =	ssub.s32 @!p0 $0x0, s1;
	[sflag:s0] =	ssyncset.done @!p0 $0x0  }
0x49: {  	[sflag:s0] =	ssyncadd.s32 @!p0 s1  }
0x4a: {  	[bflag:$0x3] =	sbarrier.arrive $0xFFFF  }
0x4b: {  	_ =	shalt  }

// kernel: kernel.30.cloned.1.call-start
scs
__scs_entry_jumppad:
0x0: {  	(pc) =	sbr.rel $0x88, $3  }
0x1: {  	(tag) =	ssettag $0x0;
	lr =	simm.s32 $0x1  }
0x2: {  	[smem:$0x3F8F] =	sst lr;
	_ =	strace $0xD0000000  }
0x3: {  	_ = 	snop  }
0x4: {  	_ = 	snop  }
0x5: {  	_ = 	snop  }
0x6: {  	_ = 	snop  }
0x7: {  	_ = 	snop  }
__scs_overlays_trampoline_lowered:
0x8: {  	[smem:$0x3F9E] =	sst s0  }
0x9: {  	[smem:$0x3F9F] =	sst s1  }
0xa: {  	[smem:$0x3FA0] =	sst s2  }
0xb: {  	[smem:$0x3FA1] =	sst s3  }
0xc: {  	[smem:$0x3FA2] =	sst s4  }
0xd: {  	[smem:$0x3FA3] =	sst s5  }
0xe: {  	[smem:$0x3FA4] =	sst s6  }
0xf: {  	[smem:$0x3FA5] =	sst s7  }
0x10: {  	[smem:$0x3FA6] =	sst s8  }
0x11: {  	[smem:$0x3FA7] =	sst s9;
	s0 =	simm.s32 @!p0 $0x0  }
0x12: {  	s1 =	sld [smem:$0x3F8D];
	s0 =	simm.s32 @p0 $0x1  }
0x13: {  	[smem:$0x3FA8] =	sst s0;
	s0 =	simm.s32 @!p1 $0x0  }
0x14: {  	s2 =	sld [smem:$0x3F8C];
	s0 =	simm.s32 @p1 $0x1  }
0x15: {  	[smem:$0x3FA9] =	sst s0;
	s0 =	simm.s32 @!p2 $0x0  }
0x16: {  	s3 =	sld [smem:$0x3FDB];
	s0 =	simm.s32 @p2 $0x1  }
0x17: {  	s4 =	simm.s32 $0x1BF5;
	[smem:$0x3FAB] =	sst s0  }
0x18: {  	s0 =	sld [smem:$0x3F8E];
	_ =	swait.ge [sflag:s4], $0x0  }
0x19: {  	s7 =	sld [smem:$0x3F8F]  }
0x1a: {  	s8 =	sadd.s32 $0xFFFFE003, lr  }
0x1b: {  	s9 =	sadd.s32 $0xFFFFFEF7, lr;
	s5 =	simm.s32 $0xFFFFFFFF;
	p2 =	slt.u32 s8, $0xFFFFF086  }
0x1c: {  	p1 =	slt.u32 s9, $0xF7A;
	s5 =	simm.s32 @!p2 $0x0  }
0x1d: {  	s5 =	simm.s32 @p1 $0x1;
	p0 =	seq.s32 s7, s2  }
0x1e: {  	s7 =	smul.u32 @!p0 $0xF7A, s2;
	p2 =	seq.s32 @!p0 s5, $0x0  }
0x1f: {  	s9 =	smul.u32 $0xF7A, s1;
	s8 =	simm.s32 @!p0 $0x1BF5;
	p2 =	por !p2, p0  }
0x20: {  	[sflag:s8] =	ssyncset.s32 @!p0 $0xFFFFF086;
	s6 =	sadd.s32 @!p0 s3, s7;
	s7 =	simm.s32 @!p0 $0x108  }
0x21: {  	s3 =	sadd.s32 s3, s9;
	s6 =	sadd.s32 @!p0 $0x88, s6;
	s7 =	simm.s32 @p2 $0x1082  }
0x22: {  	[simem:s7], [sflag:s8] =	dma.local @!p0 [hbm:s6], $0xF7A  }
0x23: {  	s9 =	sor.u32 $0xD0000000, s2;
	s6 =	simm.s32 $0x108;
	_ =	swait.ge @!p0 [sflag:s8], $0x0  }
0x24: {  	s3 =	sadd.s32 $0x88, s3;
	s6 =	simm.s32 @!p1 $0x1082;
	[sflag:s4] =	ssyncset.s32 $0xFFFFF086  }
0x25: {  	[simem:s6], [sflag:s4] =	dma.local [hbm:s3], $0xF7A  }
0x26: {  	[smem:$0x3F8F] =	sst s1;
	(tag) =	ssettag s2;
	_ =	strace s9  }
0x27: {  	s1 =	sld [smem:$0x3F9F]  }
0x28: {  	s2 =	sld [smem:$0x3FA0]  }
0x29: {  	s4 =	sld [smem:$0x3FA2]  }
0x2a: {  	p0 =	seq.s32 s5, $0x0;
	s5 =	sld [smem:$0x3FA3]  }
0x2b: {  	s6 =	sld [smem:$0x3FA4]  }
0x2c: {  	s7 =	sld [smem:$0x3FA5]  }
0x2d: {  	s3 =	simm.s32 $0x108;
	s8 =	sld [smem:$0x3FA6]  }
0x2e: {  	s3 =	simm.s32 @!p0 $0x1082;
	s9 =	sld [smem:$0x3FA7]  }
0x2f: {  	lr =	sadd.s32 s0, s3;
	s0 =	sld [smem:$0x3F9E]  }
0x30: {  	s3 =	sld [smem:$0x3FA1]  }
0x31: {  	[smem:$0x3FAA] =	sst s10  }
0x32: {  	s10 =	sld [smem:$0x3FA8];
	_ =	sdelay $0x3  }
0x33: {  	p0 =	seq.s32 s10, $0x1;
	s10 =	sld [smem:$0x3FAA];
	_ =	sdelay $0x3  }
0x34: {  	[smem:$0x3FAA] =	sst s10  }
0x35: {  	s10 =	sld [smem:$0x3FA9];
	_ =	sdelay $0x3  }
0x36: {  	p1 =	seq.s32 s10, $0x1;
	s10 =	sld [smem:$0x3FAA];
	_ =	sdelay $0x3  }
0x37: {  	[smem:$0x3FAA] =	sst s10  }
0x38: {  	s10 =	sld [smem:$0x3FAB]  }
0x39: {  	_ = 	snop;
	(pc) =	sbr.ind lr, $3  }
0x3a: {  	_ = 	snop  }
0x3b: {  	_ = 	snop  }
0x3c: {  	p2 =	seq.s32 s10, $0x1;
	s10 =	sld [smem:$0x3FAA]  }
0x3d: {  	_ =	shalt  }
0x3e: {  	_ =	shalt  }
0x3f: {  	_ =	shalt  }
0x40: {  	_ =	shalt  }
0x41: {  	_ =	shalt  }
0x42: {  	_ =	shalt  }
0x43: {  	_ =	shalt  }
0x44: {  	_ =	shalt  }
0x45: {  	_ =	shalt  }
0x46: {  	_ =	shalt  }
0x47: {  	_ =	shalt  }
0x48: {  	_ =	shalt  }
0x49: {  	_ =	shalt  }
0x4a: {  	_ =	shalt  }
0x4b: {  	_ =	shalt  }
0x4c: {  	_ =	shalt  }
0x4d: {  	_ =	shalt  }
0x4e: {  	_ =	shalt  }
0x4f: {  	_ =	shalt  }
0x50: {  	_ =	shalt  }
0x51: {  	_ =	shalt  }
0x52: {  	_ =	shalt  }
0x53: {  	_ =	shalt  }
0x54: {  	_ =	shalt  }
0x55: {  	_ =	shalt  }
0x56: {  	_ =	shalt  }
0x57: {  	_ =	shalt  }
0x58: {  	_ =	shalt  }
0x59: {  	_ =	shalt  }
0x5a: {  	_ =	shalt  }
0x5b: {  	_ =	shalt  }
0x5c: {  	_ =	shalt  }
0x5d: {  	_ =	shalt  }
0x5e: {  	_ =	shalt  }
0x5f: {  	_ =	shalt  }
0x60: {  	_ =	shalt  }
0x61: {  	_ =	shalt  }
0x62: {  	_ =	shalt  }
0x63: {  	_ =	shalt  }
0x64: {  	_ =	shalt  }
0x65: {  	_ =	shalt  }
0x66: {  	_ =	shalt  }
0x67: {  	_ =	shalt  }
0x68: {  	_ =	shalt  }
0x69: {  	_ =	shalt  }
0x6a: {  	_ =	shalt  }
0x6b: {  	_ =	shalt  }
0x6c: {  	_ =	shalt  }
0x6d: {  	_ =	shalt  }
0x6e: {  	_ =	shalt  }
0x6f: {  	_ =	shalt  }
0x70: {  	_ =	shalt  }
0x71: {  	_ =	shalt  }
0x72: {  	_ =	shalt  }
0x73: {  	_ =	shalt  }
0x74: {  	_ =	shalt  }
0x75: {  	_ =	shalt  }
0x76: {  	_ =	shalt  }
0x77: {  	_ =	shalt  }
0x78: {  	_ =	shalt  }
0x79: {  	_ =	shalt  }
0x7a: {  	_ =	shalt  }
0x7b: {  	_ =	shalt  }
0x7c: {  	_ =	shalt  }
0x7d: {  	_ =	shalt  }
0x7e: {  	_ =	shalt  }
0x7f: {  	_ =	shalt  }
0x80: {  	_ =	shalt  }
0x81: {  	_ =	shalt  }
0x82: {  	_ =	shalt  }
0x83: {  	_ =	shalt  }
0x84: {  	_ =	shalt  }
0x85: {  	_ =	shalt  }
0x86: {  	_ =	shalt  }
0x87: {  	_ =	shalt  }
.Lfunc_end0:
.L_simem_size_0:
called_computation.4_lowered:
.L_overlay_start_0:
0x88: {  	s2 =	sld [smem:$0x3FD9]  }
0x89: {  	s3 =	sld [smem:$0x3FFE];
	_ =	sdelay $0x1  }
0x8a: {  	s1 =	srdreg.scid  }
0x8b: {  	s0 =	sand.u32 $0x1, s1  }
0x8c: {  	s14 =	sshll.u32 s0, $0xA;
	s2 =	sadd.s32 s3, s2  }
0x8d: {  	s2 =	sadd.s32 s2, s14  }
0x8e: {  	[smem:$0x3FB6] =	sst s2  }
0x8f: {  	_ = 	snop  }
0x90: {  	s2 =	sld [smem:$0x3FD0];
	_ =	sdelay $0x2  }
0x91: {  	s15 =	simm.s32 $0xC;
	s4 =	simm.s32 $0x10  }
0x92: {  	[smem:s4], [sflag:s15] =	dma.local [hbm:s2], $0x1  }
0x93: {  	_ =	swait.eq [sflag:s15], $0x1  }
0x94: {  	[sflag:s15] =	ssyncset.done $0x0  }
0x95: {  	[sflag:s15] =	ssyncadd.s32 $0xFFFFFFFF  }
0x96: {  	s16 =	sld [smem:$0x10];
	(tm) =	ssettm $0x1  }
0x97: {  	s17 =	sld [smem:$0x3FFB];
	_ =	sdelay $0x3  }
0x98: {  	_ =	strace s17  }
0x99: {  	s3 =	sld [smem:$0x3FFC];
	_ =	sdelay $0x3  }
0x9a: {  	_ =	strace s3  }
0x9b: {  	s3 =	sld [smem:$0x3FFD];
	_ =	sdelay $0x3  }
0x9c: {  	_ =	strace s3  }
0x9d: {  	_ =	strace $0x8FFFFFFF  }
0x9e: {  	s18 =	sld [smem:$0x3FDB];
	_ =	sdelay $0x1  }
0x9f: {  	s19 =	simm.s32 $_scs_section_size  }
0xa0: {  	s5 =	simm.s32 $_size__tile_overlayer_lowered;
	s6 =	simm.s32 $_tile_overlayer_lowered  }
0xa1: {  	s22 =	simm.s32 $0x1BFF;
	s21 =	sshll.u32 s6, $0x1;
	s3 =	sadd.s32 s19, s18  }
0xa2: {  	s7 =	simm.s32 $0x0;
	s20 =	sshll.u32 s5, $0x1;
	s5 =	sadd.s32 s21, s3  }
0xa3: {  	[timem:s7], [sflag:s22] =	dma.local [hbm:s5], s20  }
0xa4: {  	_ =	swait.ge [sflag:s22], s20  }
0xa5: {  	s4 =	ssub.s32 $0x0, s20;
	[sflag:s22] =	ssyncset.done $0x0  }
0xa6: {  	[sflag:s22] =	ssyncadd.s32 s4;
	_ =	sdelay $0x1  }
0xa7: {  	s23 =	simm.s32 $0x1B8B  }
0xa8: {  	_ =	swait.ge [sflag:s23], $0x1  }
0xa9: {  	[sflag:s23] =	ssyncset.done $0x0  }
0xaa: {  	s25 =	simm.s32 $0x1B8E;
	s24 =	sld [smem:$0x3FFE];
	[sflag:s23] =	ssyncadd.s32 $0xFFFFFFFF  }
0xab: {  	s26 =	simm.s32 $execute0_lowered;
	[smem:$0x3FD2] =	sst s25  }
0xac: {  	s5 =	sshll.u32 s26, $0x1;
	_ =	strace $0x80000052;
	[dreg:$0x1] =	wrdreg $0xFFFFFFFF  }
0xad: {  	s28 =	simm.s32 $_size_execute0_lowered;
	s3 =	sadd.s32 s3, s5;
	[dreg:$0x0] =	wrdreg $0x0  }
0xae: {  	s5 =	sshll.u32 s28, $0x1;
	[dreg:$0x2] =	wrdreg s3  }
0xaf: {  	[dreg:$0x3] =	wrdreg s5  }
0xb0: {  	[dreg:$0x4] =	wrdreg $0xC0  }
0xb1: {  	_ =	task [dreg:s7], $0x5FFFF  }
0xb2: {  	[dreg:$0x1] =	wrdreg $0xFFFFFFFF  }
0xb3: {  	[dreg:$0x0] =	wrdreg $0x60  }
0xb4: {  	[dreg:$0x2] =	wrdreg s16  }
0xb5: {  	[dreg:$0x3] =	wrdreg s24  }
0xb6: {  	[dreg:$0x4] =	wrdreg $0x90000  }
0xb7: {  	[dreg:$0x5] =	wrdreg $0x9  }
0xb8: {  	_ =	task.clear_ibuf [dreg:s7], $0x6FFFF;
	_ =	strace $0x90000052  }
0xb9: {  	s29 =	simm.s32 $0x9;
	_ =	strace $0x80000054  }
0xba: {  	_ =	swait.ge [sflag:s29], $0x1  }
0xbb: {  	[sflag:s29] =	ssyncadd.s32 $0xFFFFFFFF  }
0xbc: {  	_ =	strace $0x90000054  }
0xbd: {  	_ =	sfence  }
0xbe: {  	s30 =	sld [smem:$0x0];
	_ =	sdelay $0x2  }
0xbf: {  	s31 =	sshll.u32 s1, $0xD;
	s1 =	sshrl.u32 s1, $0x2  }
0xc0: {  	s3 =	sand.u32 $0x4000, s31;
	s1 =	sadd.s32 s1, s30  }
0xc1: {  	s0 =	sor.u32 s3, s0;
	s1 =	sshll.u32 s1, $0x11  }
0xc2: {  	s0 =	sor.u32 s1, s0  }
0xc3: {  	s0 =	sadd.s32 $0x8F2B, s0  }
0xc4: {  	[sflag:s0] =	ssyncadd.remote.s32 $0x1  }
0xc5: {  	_ =	sfence.sel $0xFFFF  }
0xc6: {  	[dreg:$0x0] =	wrdreg $0xFFFFFFFF;
	(pc) =	sbr.abs _section_cstart, $3  }
0xc7: {  	[dreg:$0x1] =	wrdreg $0xFFFFFFFF  }
0xc8: {  	_ =	task.clear_ibuf [dreg:s7], $0x2FFFF;
	_ =	strace $0x9FFFFFFF  }
0xc9: {  	(tm) =	ssettm $0x7FFFFFFF  }
tec
execute0_lowered:
.L_overlay_start_1:
0x0: {  	(tag) =	ssettag $0x1  }
0x1: {  	s1 =	rddreg [dreg:$0x0]  }
0x2: {  	s5 =	rddreg [dreg:$0x1]  }
0x3: {  	s0 =	srdreg.scid;
	s3 =	rddreg [dreg:$0x2]  }
0x4: {  	s2 =	rddreg [dreg:$0x3];
	s6 =	sand.u32 $0x1, s0  }
0x5: {  	s4 =	simm.s32 $0x0;
	s0 =	stileid.u32;
	s7 =	smul.u32 $0x28000, s6  }
0x6: {  	s14 =	simm.s32 $0x80;
	s15 =	simm.s32 $0x5000;
	s8 =	smul.u32 $0x2800, s0  }
0x7: {  	s16 =	simm.s32 $0x1;
	[smem:$0x7FF] =	sst s4;
	s30 =	smul.u32 $0x5000, s0  }
0x8: {  	s17 =	simm.s32 $0x0;
	s9 =	smul.u32 $0x50000, s6;
	_ =	strace $0x80000053  }
0x9: {  	s6 =	ssub.s32 $0x2, s6;
	s31 =	smul.u32 $0x14000, s0;
	s12 =	sshll.u32 s0, $0x6  }
0xa: {  	s11 =	sshrl.u32 s6, $0x1;
	s12 =	sor.u32 $0x1C02, s12;
	s7 =	sadd.s32 s8, s7  }
0xb: {  	s10 =	sshrl.u32 s30, $0x3;
	s8 =	sadd.s32 s30, s9;
	s11 =	ssub.s32 s6, s11  }
0xc: {  	s9 =	sshrl.u32 s31, $0x2;
	s7 =	sshrl.u32 s7, $0x3;
	s10 =	sadd.s32 s10, s5  }
0xd: {  	s8 =	sshrl.u32 s8, $0x3;
	s13 =	sadd.s32 s9, s3;
	s9 =	smax.u32 s11, $0x1  }
0xe: {  	s11 =	simm.s32 $0x2800;
	s7 =	sadd.s32 s7, s5;
	s8 =	sadd.s32 s8, s5  }
0xf: {  	s13 =	sshrl.u32 s13, $0x3;
	s5 =	sadd.s32 $0x7400, s7;
	s6 =	sadd.s32 $0x11400, s7  }
0x10: {  	s7 =	sadd.s32 $0x1B400, s10;
	s8 =	sadd.s32 $0x60600, s8;
	s10 =	simm.s32 $0x2  }
.LBB2_1:
0x11: {  	[tilespmem:s4], [sflag:$0x2] =	stream.linear.gather [hbm4b:s5+s4], $0x2780, $0x38;
	[tilespmem:$0xE000] =	vst v63  }
0x12: {  	_ =	swait.ge [sflag:s10], $0x2780  }
0x13: {  	[sflag:s10] =	ssyncset.done $0x0  }
0x14: {  	[sflag:s10] =	ssyncadd.s32 $0xFFFFD880  }
0x15: {  	[tilespmem:s11], [sflag:$0x2] =	stream.linear.gather [hbm4b:s6+s4], $0x2780, $0x38;
	[tilespmem:$0xE000] =	vst v63  }
0x16: {  	_ =	swait.ge [sflag:s10], $0x2780  }
0x17: {  	[sflag:s10] =	ssyncset.done $0x0  }
0x18: {  	[sflag:s10] =	ssyncadd.s32 $0xFFFFD880  }
0x19: {  	[spmem:s13], [sflag:s12] =	dma.local [hbm:s7], $0xA00  }
0x1a: {  	_ =	swait.ge [sflag:s10], $0xA00  }
0x1b: {  	[sflag:s10] =	ssyncset.done $0x0  }
0x1c: {  	[sflag:s10] =	ssyncadd.s32 $0xFFFFF600  }
0x1d: {  	s18 =	simm.s32 $0x0;
	[bflag:$0x0] =	sbarrier.arrive $0xFFFF  }
0x1e: {  	[tilespmem:s15], [sflag:$0x1] =	stream.indirect.gather [hbm4b:s1+s14], $0x80, s18, s14, $0xb8;
	[tilespmem:$0xE000] =	vst v63  }
0x1f: {  	_ =	swait.ge [sflag:s16], $0x4000  }
0x20: {  	[sflag:s16] =	ssyncset.done $0x0  }
0x21: {  	s31 =	simm.s32 $0x2800;
	[sflag:s16] =	ssyncadd.s32 $0xFFFFC000  }
0x22: {  	[spmem:s3] =	stream.indirect.scatter.add.f32 [tilespmem:s15], [sflag:$0x2], $0x80, s31, s14, $0xb8;
	[tilespmem:$0xE000] =	vst v63  }
0x23: {  	_ =	swait.ge [sflag:s10], $0x4000  }
0x24: {  	s19 =	simm.s32 $0x400;
	s18 =	simm.s32 $0x200;
	[sflag:s10] =	ssyncset.done $0x0  }
.LBB2_2:
0x25: {  	s20 =	sshra.s32 s18, $0x2  }
0x26: {  	[sflag:s10] =	ssyncadd.s32 $0xFFFFC000;
	s18 =	smov.u32 s19;
	s21 =	sadd.s32 $0x200, s19  }
0x27: {  	[tilespmem:s15], [sflag:$0x1] =	stream.indirect.gather [hbm4b:s1+s14], $0x80, s20, s14, $0xb8;
	[tilespmem:$0xE000] =	vst v63  }
0x28: {  	p0 =	sne.s32 s19, $0x9C00;
	_ =	swait.ge [sflag:s16], $0x4000  }
.Ltmp0:
0x29: {  	[sflag:s16] =	ssyncset.done $0x0;
	(pc) =	sbr.rel @p0 .LBB2_2-.Ltmp0, $4  }
0x2a: {  	s19 =	sadd.s32 $0x2800, s20;
	[sflag:s16] =	ssyncadd.s32 $0xFFFFC000  }
0x2b: {  	[spmem:s3] =	stream.indirect.scatter.add.f32 [tilespmem:s15], [sflag:$0x2], $0x80, s19, s14, $0xb8;
	[tilespmem:$0xE000] =	vst v63  }
0x2c: {  	_ =	swait.ge [sflag:s10], $0x4000  }
0x2d: {  	s19 =	smov.u32 s21;
	[sflag:s10] =	ssyncset.done $0x0  }
0x2e: {  	s18 =	sshra.s32 s18, $0x2;
	[sflag:s10] =	ssyncadd.s32 $0xFFFFC000  }
0x2f: {  	[tilespmem:s15], [sflag:$0x1] =	stream.indirect.gather [hbm4b:s1+s14], $0x80, s18, s14, $0xb8;
	[tilespmem:$0xE000] =	vst v63  }
0x30: {  	_ =	swait.ge [sflag:s16], $0x4000  }
0x31: {  	[sflag:s16] =	ssyncset.done $0x0  }
0x32: {  	s18 =	sadd.s32 $0x2800, s18;
	[sflag:s16] =	ssyncadd.s32 $0xFFFFC000  }
0x33: {  	[spmem:s3] =	stream.indirect.scatter.add.f32 [tilespmem:s15], [sflag:$0x2], $0x80, s18, s14, $0xb8;
	[tilespmem:$0xE000] =	vst v63  }
0x34: {  	_ =	swait.ge [sflag:s10], $0x4000  }
0x35: {  	s17 =	sadd.s32 $0x1, s17;
	[sflag:s10] =	ssyncset.done $0x0  }
0x36: {  	p0 =	sne.s32 s17, s9;
	[sflag:s10] =	ssyncadd.s32 $0xFFFFC000  }
.Ltmp1:
0x37: {  	[bflag:$0x0] =	sbarrier.arrive $0xFFFF;
	(pc) =	sbr.rel @p0 .LBB2_1-.Ltmp1, $4  }
0x38: {  	[hbm:s8], [sflag:s12] =	dma.local [spmem:s13], $0xA00  }
0x39: {  	_ =	swait.ge [sflag:s10], $0xA00  }
0x3a: {  	[sflag:s10] =	ssyncset.done $0x0  }
0x3b: {  	[sflag:s10] =	ssyncadd.s32 $0xFFFFF600  }
0x3c: {  	_ =	sfence.sel $0x180000  }
0x3d: {  	[bflag:$0x0] =	sbarrier.arrive $0xFFFF  }
0x3e: {  	p0 =	sne.s32 s0, $0x0;
	_ =	strace $0x90000053  }
0x3f: {  	s0 =	sadd.s32 @!p0 $0x100000, s2;
	[bflag:$0x2] =	sbarrier.arrive $0xFFFF  }
0x40: {  	[sflag:s0] =	ssyncadd.tile.s32 @!p0 $0x1;
	_ =	shalt  }
.Lfunc_end2:
_tile_overlayer_lowered:
.L_overlay_start_2:
0x41: {  	(tag) =	ssettag $0x2  }
0x42: {  	s0 =	rddreg [dreg:$0x0];
	s2 =	stileid.u32  }
0x43: {  	s1 =	rddreg [dreg:$0x1];
	p0 =	sne.s32 s2, $0x0  }
0x44: {  	s3 =	rddreg [dreg:$0x2];
	[bflag:$0x3] =	sbarrier.arrive $0xFFFF;
	s2 =	simm.s32 @!p0 $0x1C02  }
0x45: {  	[timem:s3], [sflag:s2] =	dma.local @!p0 [hbm:s0], s1  }
0x46: {  	s0 =	simm.s32 @!p0 $0x2  }
0x47: {  	_ =	swait.ge @!p0 [sflag:s0], s1  }
0x48: {  	s1 =	ssub.s32 @!p0 $0x0, s1;
	[sflag:s0] =	ssyncset.done @!p0 $0x0  }
0x49: {  	[sflag:s0] =	ssyncadd.s32 @!p0 s1  }
0x4a: {  	[bflag:$0x3] =	sbarrier.arrive $0xFFFF  }
0x4b: {  	_ =	shalt  }

// kernel: kernel.33.cloned.1.call-start
scs
__scs_entry_jumppad:
0x0: {  	(pc) =	sbr.rel $0x88, $3  }
0x1: {  	(tag) =	ssettag $0x0;
	lr =	simm.s32 $0x1  }
0x2: {  	[smem:$0x3F8F] =	sst lr;
	_ =	strace $0xD0000000  }
0x3: {  	_ = 	snop  }
0x4: {  	_ = 	snop  }
0x5: {  	_ = 	snop  }
0x6: {  	_ = 	snop  }
0x7: {  	_ = 	snop  }
__scs_overlays_trampoline_lowered:
0x8: {  	[smem:$0x3F9E] =	sst s0  }
0x9: {  	[smem:$0x3F9F] =	sst s1  }
0xa: {  	[smem:$0x3FA0] =	sst s2  }
0xb: {  	[smem:$0x3FA1] =	sst s3  }
0xc: {  	[smem:$0x3FA2] =	sst s4  }
0xd: {  	[smem:$0x3FA3] =	sst s5  }
0xe: {  	[smem:$0x3FA4] =	sst s6  }
0xf: {  	[smem:$0x3FA5] =	sst s7  }
0x10: {  	[smem:$0x3FA6] =	sst s8  }
0x11: {  	[smem:$0x3FA7] =	sst s9;
	s0 =	simm.s32 @!p0 $0x0  }
0x12: {  	s1 =	sld [smem:$0x3F8D];
	s0 =	simm.s32 @p0 $0x1  }
0x13: {  	[smem:$0x3FA8] =	sst s0;
	s0 =	simm.s32 @!p1 $0x0  }
0x14: {  	s2 =	sld [smem:$0x3F8C];
	s0 =	simm.s32 @p1 $0x1  }
0x15: {  	[smem:$0x3FA9] =	sst s0;
	s0 =	simm.s32 @!p2 $0x0  }
0x16: {  	s3 =	sld [smem:$0x3FDB];
	s0 =	simm.s32 @p2 $0x1  }
0x17: {  	s4 =	simm.s32 $0x1BF5;
	[smem:$0x3FAB] =	sst s0  }
0x18: {  	s0 =	sld [smem:$0x3F8E];
	_ =	swait.ge [sflag:s4], $0x0  }
0x19: {  	s7 =	sld [smem:$0x3F8F]  }
0x1a: {  	s8 =	sadd.s32 $0xFFFFE003, lr  }
0x1b: {  	s9 =	sadd.s32 $0xFFFFFEF7, lr;
	s5 =	simm.s32 $0xFFFFFFFF;
	p2 =	slt.u32 s8, $0xFFFFF086  }
0x1c: {  	p1 =	slt.u32 s9, $0xF7A;
	s5 =	simm.s32 @!p2 $0x0  }
0x1d: {  	s5 =	simm.s32 @p1 $0x1;
	p0 =	seq.s32 s7, s2  }
0x1e: {  	s7 =	smul.u32 @!p0 $0xF7A, s2;
	p2 =	seq.s32 @!p0 s5, $0x0  }
0x1f: {  	s9 =	smul.u32 $0xF7A, s1;
	s8 =	simm.s32 @!p0 $0x1BF5;
	p2 =	por !p2, p0  }
0x20: {  	[sflag:s8] =	ssyncset.s32 @!p0 $0xFFFFF086;
	s6 =	sadd.s32 @!p0 s3, s7;
	s7 =	simm.s32 @!p0 $0x108  }
0x21: {  	s3 =	sadd.s32 s3, s9;
	s6 =	sadd.s32 @!p0 $0x88, s6;
	s7 =	simm.s32 @p2 $0x1082  }
0x22: {  	[simem:s7], [sflag:s8] =	dma.local @!p0 [hbm:s6], $0xF7A  }
0x23: {  	s9 =	sor.u32 $0xD0000000, s2;
	s6 =	simm.s32 $0x108;
	_ =	swait.ge @!p0 [sflag:s8], $0x0  }
0x24: {  	s3 =	sadd.s32 $0x88, s3;
	s6 =	simm.s32 @!p1 $0x1082;
	[sflag:s4] =	ssyncset.s32 $0xFFFFF086  }
0x25: {  	[simem:s6], [sflag:s4] =	dma.local [hbm:s3], $0xF7A  }
0x26: {  	[smem:$0x3F8F] =	sst s1;
	(tag) =	ssettag s2;
	_ =	strace s9  }
0x27: {  	s1 =	sld [smem:$0x3F9F]  }
0x28: {  	s2 =	sld [smem:$0x3FA0]  }
0x29: {  	s4 =	sld [smem:$0x3FA2]  }
0x2a: {  	p0 =	seq.s32 s5, $0x0;
	s5 =	sld [smem:$0x3FA3]  }
0x2b: {  	s6 =	sld [smem:$0x3FA4]  }
0x2c: {  	s7 =	sld [smem:$0x3FA5]  }
0x2d: {  	s3 =	simm.s32 $0x108;
	s8 =	sld [smem:$0x3FA6]  }
0x2e: {  	s3 =	simm.s32 @!p0 $0x1082;
	s9 =	sld [smem:$0x3FA7]  }
0x2f: {  	lr =	sadd.s32 s0, s3;
	s0 =	sld [smem:$0x3F9E]  }
0x30: {  	s3 =	sld [smem:$0x3FA1]  }
0x31: {  	[smem:$0x3FAA] =	sst s10  }
0x32: {  	s10 =	sld [smem:$0x3FA8];
	_ =	sdelay $0x3  }
0x33: {  	p0 =	seq.s32 s10, $0x1;
	s10 =	sld [smem:$0x3FAA];
	_ =	sdelay $0x3  }
0x34: {  	[smem:$0x3FAA] =	sst s10  }
0x35: {  	s10 =	sld [smem:$0x3FA9];
	_ =	sdelay $0x3  }
0x36: {  	p1 =	seq.s32 s10, $0x1;
	s10 =	sld [smem:$0x3FAA];
	_ =	sdelay $0x3  }
0x37: {  	[smem:$0x3FAA] =	sst s10  }
0x38: {  	s10 =	sld [smem:$0x3FAB]  }
0x39: {  	_ = 	snop;
	(pc) =	sbr.ind lr, $3  }
0x3a: {  	_ = 	snop  }
0x3b: {  	_ = 	snop  }
0x3c: {  	p2 =	seq.s32 s10, $0x1;
	s10 =	sld [smem:$0x3FAA]  }
0x3d: {  	_ =	shalt  }
0x3e: {  	_ =	shalt  }
0x3f: {  	_ =	shalt  }
0x40: {  	_ =	shalt  }
0x41: {  	_ =	shalt  }
0x42: {  	_ =	shalt  }
0x43: {  	_ =	shalt  }
0x44: {  	_ =	shalt  }
0x45: {  	_ =	shalt  }
0x46: {  	_ =	shalt  }
0x47: {  	_ =	shalt  }
0x48: {  	_ =	shalt  }
0x49: {  	_ =	shalt  }
0x4a: {  	_ =	shalt  }
0x4b: {  	_ =	shalt  }
0x4c: {  	_ =	shalt  }
0x4d: {  	_ =	shalt  }
0x4e: {  	_ =	shalt  }
0x4f: {  	_ =	shalt  }
0x50: {  	_ =	shalt  }
0x51: {  	_ =	shalt  }
0x52: {  	_ =	shalt  }
0x53: {  	_ =	shalt  }
0x54: {  	_ =	shalt  }
0x55: {  	_ =	shalt  }
0x56: {  	_ =	shalt  }
0x57: {  	_ =	shalt  }
0x58: {  	_ =	shalt  }
0x59: {  	_ =	shalt  }
0x5a: {  	_ =	shalt  }
0x5b: {  	_ =	shalt  }
0x5c: {  	_ =	shalt  }
0x5d: {  	_ =	shalt  }
0x5e: {  	_ =	shalt  }
0x5f: {  	_ =	shalt  }
0x60: {  	_ =	shalt  }
0x61: {  	_ =	shalt  }
0x62: {  	_ =	shalt  }
0x63: {  	_ =	shalt  }
0x64: {  	_ =	shalt  }
0x65: {  	_ =	shalt  }
0x66: {  	_ =	shalt  }
0x67: {  	_ =	shalt  }
0x68: {  	_ =	shalt  }
0x69: {  	_ =	shalt  }
0x6a: {  	_ =	shalt  }
0x6b: {  	_ =	shalt  }
0x6c: {  	_ =	shalt  }
0x6d: {  	_ =	shalt  }
0x6e: {  	_ =	shalt  }
0x6f: {  	_ =	shalt  }
0x70: {  	_ =	shalt  }
0x71: {  	_ =	shalt  }
0x72: {  	_ =	shalt  }
0x73: {  	_ =	shalt  }
0x74: {  	_ =	shalt  }
0x75: {  	_ =	shalt  }
0x76: {  	_ =	shalt  }
0x77: {  	_ =	shalt  }
0x78: {  	_ =	shalt  }
0x79: {  	_ =	shalt  }
0x7a: {  	_ =	shalt  }
0x7b: {  	_ =	shalt  }
0x7c: {  	_ =	shalt  }
0x7d: {  	_ =	shalt  }
0x7e: {  	_ =	shalt  }
0x7f: {  	_ =	shalt  }
0x80: {  	_ =	shalt  }
0x81: {  	_ =	shalt  }
0x82: {  	_ =	shalt  }
0x83: {  	_ =	shalt  }
0x84: {  	_ =	shalt  }
0x85: {  	_ =	shalt  }
0x86: {  	_ =	shalt  }
0x87: {  	_ =	shalt  }
.Lfunc_end0:
.L_simem_size_0:
called_computation.5_lowered:
.L_overlay_start_0:
0x88: {  	s2 =	sld [smem:$0x3FD9]  }
0x89: {  	s3 =	sld [smem:$0x3FFE];
	_ =	sdelay $0x1  }
0x8a: {  	s1 =	srdreg.scid  }
0x8b: {  	s0 =	sand.u32 $0x1, s1  }
0x8c: {  	s14 =	sshll.u32 s0, $0xA;
	s2 =	sadd.s32 s3, s2  }
0x8d: {  	s2 =	sadd.s32 s2, s14  }
0x8e: {  	[smem:$0x3FB6] =	sst s2  }
0x8f: {  	_ = 	snop  }
0x90: {  	s2 =	sld [smem:$0x3FD0];
	_ =	sdelay $0x2  }
0x91: {  	s15 =	simm.s32 $0xC;
	s4 =	simm.s32 $0x10  }
0x92: {  	[smem:s4], [sflag:s15] =	dma.local [hbm:s2], $0x1  }
0x93: {  	_ =	swait.eq [sflag:s15], $0x1  }
0x94: {  	[sflag:s15] =	ssyncset.done $0x0  }
0x95: {  	[sflag:s15] =	ssyncadd.s32 $0xFFFFFFFF  }
0x96: {  	s16 =	sld [smem:$0x10];
	(tm) =	ssettm $0x1  }
0x97: {  	s17 =	sld [smem:$0x3FFB];
	_ =	sdelay $0x3  }
0x98: {  	_ =	strace s17  }
0x99: {  	s3 =	sld [smem:$0x3FFC];
	_ =	sdelay $0x3  }
0x9a: {  	_ =	strace s3  }
0x9b: {  	s3 =	sld [smem:$0x3FFD];
	_ =	sdelay $0x3  }
0x9c: {  	_ =	strace s3  }
0x9d: {  	_ =	strace $0x8FFFFFFF  }
0x9e: {  	s18 =	sld [smem:$0x3FDB];
	_ =	sdelay $0x1  }
0x9f: {  	s19 =	simm.s32 $_scs_section_size  }
0xa0: {  	s5 =	simm.s32 $_size__tile_overlayer_lowered;
	s6 =	simm.s32 $_tile_overlayer_lowered  }
0xa1: {  	s22 =	simm.s32 $0x1BFF;
	s21 =	sshll.u32 s6, $0x1;
	s3 =	sadd.s32 s19, s18  }
0xa2: {  	s7 =	simm.s32 $0x0;
	s20 =	sshll.u32 s5, $0x1;
	s5 =	sadd.s32 s21, s3  }
0xa3: {  	[timem:s7], [sflag:s22] =	dma.local [hbm:s5], s20  }
0xa4: {  	_ =	swait.ge [sflag:s22], s20  }
0xa5: {  	s4 =	ssub.s32 $0x0, s20;
	[sflag:s22] =	ssyncset.done $0x0  }
0xa6: {  	[sflag:s22] =	ssyncadd.s32 s4;
	_ =	sdelay $0x1  }
0xa7: {  	s23 =	simm.s32 $0x1B8B  }
0xa8: {  	_ =	swait.ge [sflag:s23], $0x1  }
0xa9: {  	[sflag:s23] =	ssyncset.done $0x0  }
0xaa: {  	s25 =	simm.s32 $0x1B8E;
	s24 =	sld [smem:$0x3FFE];
	[sflag:s23] =	ssyncadd.s32 $0xFFFFFFFF  }
0xab: {  	s26 =	simm.s32 $execute0_lowered;
	[smem:$0x3FD2] =	sst s25  }
0xac: {  	s5 =	sshll.u32 s26, $0x1;
	_ =	strace $0x80000055;
	[dreg:$0x1] =	wrdreg $0xFFFFFFFF  }
0xad: {  	s28 =	simm.s32 $_size_execute0_lowered;
	s3 =	sadd.s32 s3, s5;
	[dreg:$0x0] =	wrdreg $0x0  }
0xae: {  	s5 =	sshll.u32 s28, $0x1;
	[dreg:$0x2] =	wrdreg s3  }
0xaf: {  	[dreg:$0x3] =	wrdreg s5  }
0xb0: {  	[dreg:$0x4] =	wrdreg $0xC0  }
0xb1: {  	_ =	task [dreg:s7], $0x5FFFF  }
0xb2: {  	[dreg:$0x1] =	wrdreg $0xFFFFFFFF  }
0xb3: {  	[dreg:$0x0] =	wrdreg $0x60  }
0xb4: {  	[dreg:$0x2] =	wrdreg s16  }
0xb5: {  	[dreg:$0x3] =	wrdreg s24  }
0xb6: {  	[dreg:$0x4] =	wrdreg $0x90000  }
0xb7: {  	[dreg:$0x5] =	wrdreg $0x9  }
0xb8: {  	_ =	task.clear_ibuf [dreg:s7], $0x6FFFF;
	_ =	strace $0x90000055  }
0xb9: {  	s29 =	simm.s32 $0x9;
	_ =	strace $0x80000057  }
0xba: {  	_ =	swait.ge [sflag:s29], $0x1  }
0xbb: {  	[sflag:s29] =	ssyncadd.s32 $0xFFFFFFFF  }
0xbc: {  	_ =	strace $0x90000057  }
0xbd: {  	_ =	sfence  }
0xbe: {  	s30 =	sld [smem:$0x0];
	_ =	sdelay $0x2  }
0xbf: {  	s31 =	sshll.u32 s1, $0xD;
	s1 =	sshrl.u32 s1, $0x2  }
0xc0: {  	s3 =	sand.u32 $0x4000, s31;
	s1 =	sadd.s32 s1, s30  }
0xc1: {  	s0 =	sor.u32 s3, s0;
	s1 =	sshll.u32 s1, $0x11  }
0xc2: {  	s0 =	sor.u32 s1, s0  }
0xc3: {  	s0 =	sadd.s32 $0x8F2B, s0  }
0xc4: {  	[sflag:s0] =	ssyncadd.remote.s32 $0x1  }
0xc5: {  	_ =	sfence.sel $0xFFFF  }
0xc6: {  	[dreg:$0x0] =	wrdreg $0xFFFFFFFF;
	(pc) =	sbr.abs _section_cstart, $3  }
0xc7: {  	[dreg:$0x1] =	wrdreg $0xFFFFFFFF  }
0xc8: {  	_ =	task.clear_ibuf [dreg:s7], $0x2FFFF;
	_ =	strace $0x9FFFFFFF  }
0xc9: {  	(tm) =	ssettm $0x7FFFFFFF  }
tec
execute0_lowered:
.L_overlay_start_1:
0x0: {  	(tag) =	ssettag $0x1  }
0x1: {  	s1 =	rddreg [dreg:$0x0]  }
0x2: {  	s5 =	rddreg [dreg:$0x1]  }
0x3: {  	s0 =	srdreg.scid;
	s3 =	rddreg [dreg:$0x2]  }
0x4: {  	s2 =	rddreg [dreg:$0x3];
	s6 =	sand.u32 $0x1, s0  }
0x5: {  	s4 =	simm.s32 $0x0;
	s0 =	stileid.u32;
	s7 =	smul.u32 $0x28000, s6  }
0x6: {  	s14 =	simm.s32 $0x80;
	s15 =	simm.s32 $0x5000;
	s8 =	smul.u32 $0x2800, s0  }
0x7: {  	s16 =	simm.s32 $0x1;
	[smem:$0x7FF] =	sst s4;
	s30 =	smul.u32 $0x13C00, s0  }
0x8: {  	s17 =	simm.s32 $0x0;
	s9 =	smul.u32 $0x13C000, s6;
	_ =	strace $0x80000056  }
0x9: {  	s6 =	ssub.s32 $0x2, s6;
	s31 =	smul.u32 $0x4F000, s0;
	s12 =	sshll.u32 s0, $0x6  }
0xa: {  	s11 =	sshrl.u32 s6, $0x1;
	s12 =	sor.u32 $0x1C02, s12;
	s7 =	sadd.s32 s8, s7  }
0xb: {  	s10 =	sshrl.u32 s30, $0x3;
	s8 =	sadd.s32 s30, s9;
	s11 =	ssub.s32 s6, s11  }
0xc: {  	s9 =	sshrl.u32 s31, $0x2;
	s7 =	sshrl.u32 s7, $0x3;
	s10 =	sadd.s32 s10, s5  }
0xd: {  	s8 =	sshrl.u32 s8, $0x3;
	s13 =	sadd.s32 s9, s3;
	s9 =	smax.u32 s11, $0x1  }
0xe: {  	s11 =	simm.s32 $0x2800;
	s7 =	sadd.s32 s7, s5;
	s8 =	sadd.s32 s8, s5  }
0xf: {  	s13 =	sshrl.u32 s13, $0x3;
	s5 =	sadd.s32 $0x7E600, s7;
	s6 =	sadd.s32 $0x74600, s7  }
0x10: {  	s7 =	sadd.s32 $0x88600, s10;
	s8 =	sadd.s32 $0x25400, s8;
	s10 =	simm.s32 $0x2  }
.LBB2_1:
0x11: {  	[tilespmem:s4], [sflag:$0x2] =	stream.linear.gather [hbm4b:s5+s4], $0x2780, $0x38;
	[tilespmem:$0x1CC00] =	vst v63  }
0x12: {  	_ =	swait.ge [sflag:s10], $0x2780  }
0x13: {  	[sflag:s10] =	ssyncset.done $0x0  }
0x14: {  	[sflag:s10] =	ssyncadd.s32 $0xFFFFD880  }
0x15: {  	[tilespmem:s11], [sflag:$0x2] =	stream.linear.gather [hbm4b:s6+s4], $0x2780, $0x38;
	[tilespmem:$0x1CC00] =	vst v63  }
0x16: {  	_ =	swait.ge [sflag:s10], $0x2780  }
0x17: {  	[sflag:s10] =	ssyncset.done $0x0  }
0x18: {  	[sflag:s10] =	ssyncadd.s32 $0xFFFFD880  }
0x19: {  	[spmem:s13], [sflag:s12] =	dma.local [hbm:s7], $0x2780  }
0x1a: {  	_ =	swait.ge [sflag:s10], $0x2780  }
0x1b: {  	[sflag:s10] =	ssyncset.done $0x0  }
0x1c: {  	[sflag:s10] =	ssyncadd.s32 $0xFFFFD880  }
0x1d: {  	s18 =	simm.s32 $0x0;
	[bflag:$0x0] =	sbarrier.arrive $0xFFFF  }
0x1e: {  	[tilespmem:s15], [sflag:$0x1] =	stream.indirect.gather [hbm4b:s1+s14], $0x80, s18, s14, $0xb8;
	[tilespmem:$0x1CC00] =	vst v63  }
0x1f: {  	_ =	swait.ge [sflag:s16], $0x4000  }
0x20: {  	[sflag:s16] =	ssyncset.done $0x0  }
0x21: {  	s31 =	simm.s32 $0x2800;
	[sflag:s16] =	ssyncadd.s32 $0xFFFFC000  }
0x22: {  	[spmem:s3] =	stream.indirect.scatter.add.f32 [tilespmem:s15], [sflag:$0x2], $0x80, s31, s14, $0xb8;
	[tilespmem:$0x1CC00] =	vst v63  }
0x23: {  	_ =	swait.ge [sflag:s10], $0x4000  }
0x24: {  	s19 =	simm.s32 $0x400;
	s18 =	simm.s32 $0x200;
	[sflag:s10] =	ssyncset.done $0x0  }
.LBB2_2:
0x25: {  	s20 =	sshra.s32 s18, $0x2  }
0x26: {  	[sflag:s10] =	ssyncadd.s32 $0xFFFFC000;
	s18 =	smov.u32 s19;
	s21 =	sadd.s32 $0x200, s19  }
0x27: {  	[tilespmem:s15], [sflag:$0x1] =	stream.indirect.gather [hbm4b:s1+s14], $0x80, s20, s14, $0xb8;
	[tilespmem:$0x1CC00] =	vst v63  }
0x28: {  	p0 =	sne.s32 s19, $0x9C00;
	_ =	swait.ge [sflag:s16], $0x4000  }
.Ltmp0:
0x29: {  	[sflag:s16] =	ssyncset.done $0x0;
	(pc) =	sbr.rel @p0 .LBB2_2-.Ltmp0, $4  }
0x2a: {  	s19 =	sadd.s32 $0x2800, s20;
	[sflag:s16] =	ssyncadd.s32 $0xFFFFC000  }
0x2b: {  	[spmem:s3] =	stream.indirect.scatter.add.f32 [tilespmem:s15], [sflag:$0x2], $0x80, s19, s14, $0xb8;
	[tilespmem:$0x1CC00] =	vst v63  }
0x2c: {  	_ =	swait.ge [sflag:s10], $0x4000  }
0x2d: {  	s19 =	smov.u32 s21;
	[sflag:s10] =	ssyncset.done $0x0  }
0x2e: {  	s18 =	sshra.s32 s18, $0x2;
	[sflag:s10] =	ssyncadd.s32 $0xFFFFC000  }
0x2f: {  	[tilespmem:s15], [sflag:$0x1] =	stream.indirect.gather [hbm4b:s1+s14], $0x80, s18, s14, $0xb8;
	[tilespmem:$0x1CC00] =	vst v63  }
0x30: {  	_ =	swait.ge [sflag:s16], $0x4000  }
0x31: {  	[sflag:s16] =	ssyncset.done $0x0  }
0x32: {  	s18 =	sadd.s32 $0x2800, s18;
	[sflag:s16] =	ssyncadd.s32 $0xFFFFC000  }
0x33: {  	[spmem:s3] =	stream.indirect.scatter.add.f32 [tilespmem:s15], [sflag:$0x2], $0x80, s18, s14, $0xb8;
	[tilespmem:$0x1CC00] =	vst v63  }
0x34: {  	_ =	swait.ge [sflag:s10], $0x4000  }
0x35: {  	s17 =	sadd.s32 $0x1, s17;
	[sflag:s10] =	ssyncset.done $0x0  }
0x36: {  	p0 =	sne.s32 s17, s9;
	[sflag:s10] =	ssyncadd.s32 $0xFFFFC000  }
.Ltmp1:
0x37: {  	[bflag:$0x0] =	sbarrier.arrive $0xFFFF;
	(pc) =	sbr.rel @p0 .LBB2_1-.Ltmp1, $4  }
0x38: {  	[hbm:s8], [sflag:s12] =	dma.local [spmem:s13], $0x2780  }
0x39: {  	_ =	swait.ge [sflag:s10], $0x2780  }
0x3a: {  	[sflag:s10] =	ssyncset.done $0x0  }
0x3b: {  	[sflag:s10] =	ssyncadd.s32 $0xFFFFD880  }
0x3c: {  	_ =	sfence.sel $0x180000  }
0x3d: {  	[bflag:$0x0] =	sbarrier.arrive $0xFFFF  }
0x3e: {  	p0 =	sne.s32 s0, $0x0;
	_ =	strace $0x90000056  }
0x3f: {  	s0 =	sadd.s32 @!p0 $0x100000, s2;
	[bflag:$0x2] =	sbarrier.arrive $0xFFFF  }
0x40: {  	[sflag:s0] =	ssyncadd.tile.s32 @!p0 $0x1;
	_ =	shalt  }
.Lfunc_end2:
_tile_overlayer_lowered:
.L_overlay_start_2:
0x41: {  	(tag) =	ssettag $0x2  }
0x42: {  	s0 =	rddreg [dreg:$0x0];
	s2 =	stileid.u32  }
0x43: {  	s1 =	rddreg [dreg:$0x1];
	p0 =	sne.s32 s2, $0x0  }
0x44: {  	s3 =	rddreg [dreg:$0x2];
	[bflag:$0x3] =	sbarrier.arrive $0xFFFF;
	s2 =	simm.s32 @!p0 $0x1C02  }
0x45: {  	[timem:s3], [sflag:s2] =	dma.local @!p0 [hbm:s0], s1  }
0x46: {  	s0 =	simm.s32 @!p0 $0x2  }
0x47: {  	_ =	swait.ge @!p0 [sflag:s0], s1  }
0x48: {  	s1 =	ssub.s32 @!p0 $0x0, s1;
	[sflag:s0] =	ssyncset.done @!p0 $0x0  }
0x49: {  	[sflag:s0] =	ssyncadd.s32 @!p0 s1  }
0x4a: {  	[bflag:$0x3] =	sbarrier.arrive $0xFFFF  }
0x4b: {  	_ =	shalt  }

// kernel: kernel.36.cloned.1.call-start
scs
__scs_entry_jumppad:
0x0: {  	(pc) =	sbr.rel $0x88, $3  }
0x1: {  	(tag) =	ssettag $0x0;
	lr =	simm.s32 $0x1  }
0x2: {  	[smem:$0x3F8F] =	sst lr;
	_ =	strace $0xD0000000  }
0x3: {  	_ = 	snop  }
0x4: {  	_ = 	snop  }
0x5: {  	_ = 	snop  }
0x6: {  	_ = 	snop  }
0x7: {  	_ = 	snop  }
__scs_overlays_trampoline_lowered:
0x8: {  	[smem:$0x3F9E] =	sst s0  }
0x9: {  	[smem:$0x3F9F] =	sst s1  }
0xa: {  	[smem:$0x3FA0] =	sst s2  }
0xb: {  	[smem:$0x3FA1] =	sst s3  }
0xc: {  	[smem:$0x3FA2] =	sst s4  }
0xd: {  	[smem:$0x3FA3] =	sst s5  }
0xe: {  	[smem:$0x3FA4] =	sst s6  }
0xf: {  	[smem:$0x3FA5] =	sst s7  }
0x10: {  	[smem:$0x3FA6] =	sst s8  }
0x11: {  	[smem:$0x3FA7] =	sst s9;
	s0 =	simm.s32 @!p0 $0x0  }
0x12: {  	s1 =	sld [smem:$0x3F8D];
	s0 =	simm.s32 @p0 $0x1  }
0x13: {  	[smem:$0x3FA8] =	sst s0;
	s0 =	simm.s32 @!p1 $0x0  }
0x14: {  	s2 =	sld [smem:$0x3F8C];
	s0 =	simm.s32 @p1 $0x1  }
0x15: {  	[smem:$0x3FA9] =	sst s0;
	s0 =	simm.s32 @!p2 $0x0  }
0x16: {  	s3 =	sld [smem:$0x3FDB];
	s0 =	simm.s32 @p2 $0x1  }
0x17: {  	s4 =	simm.s32 $0x1BF5;
	[smem:$0x3FAB] =	sst s0  }
0x18: {  	s0 =	sld [smem:$0x3F8E];
	_ =	swait.ge [sflag:s4], $0x0  }
0x19: {  	s7 =	sld [smem:$0x3F8F]  }
0x1a: {  	s8 =	sadd.s32 $0xFFFFE003, lr  }
0x1b: {  	s9 =	sadd.s32 $0xFFFFFEF7, lr;
	s5 =	simm.s32 $0xFFFFFFFF;
	p2 =	slt.u32 s8, $0xFFFFF086  }
0x1c: {  	p1 =	slt.u32 s9, $0xF7A;
	s5 =	simm.s32 @!p2 $0x0  }
0x1d: {  	s5 =	simm.s32 @p1 $0x1;
	p0 =	seq.s32 s7, s2  }
0x1e: {  	s7 =	smul.u32 @!p0 $0xF7A, s2;
	p2 =	seq.s32 @!p0 s5, $0x0  }
0x1f: {  	s9 =	smul.u32 $0xF7A, s1;
	s8 =	simm.s32 @!p0 $0x1BF5;
	p2 =	por !p2, p0  }
0x20: {  	[sflag:s8] =	ssyncset.s32 @!p0 $0xFFFFF086;
	s6 =	sadd.s32 @!p0 s3, s7;
	s7 =	simm.s32 @!p0 $0x108  }
0x21: {  	s3 =	sadd.s32 s3, s9;
	s6 =	sadd.s32 @!p0 $0x88, s6;
	s7 =	simm.s32 @p2 $0x1082  }
0x22: {  	[simem:s7], [sflag:s8] =	dma.local @!p0 [hbm:s6], $0xF7A  }
0x23: {  	s9 =	sor.u32 $0xD0000000, s2;
	s6 =	simm.s32 $0x108;
	_ =	swait.ge @!p0 [sflag:s8], $0x0  }
0x24: {  	s3 =	sadd.s32 $0x88, s3;
	s6 =	simm.s32 @!p1 $0x1082;
	[sflag:s4] =	ssyncset.s32 $0xFFFFF086  }
0x25: {  	[simem:s6], [sflag:s4] =	dma.local [hbm:s3], $0xF7A  }
0x26: {  	[smem:$0x3F8F] =	sst s1;
	(tag) =	ssettag s2;
	_ =	strace s9  }
0x27: {  	s1 =	sld [smem:$0x3F9F]  }
0x28: {  	s2 =	sld [smem:$0x3FA0]  }
0x29: {  	s4 =	sld [smem:$0x3FA2]  }
0x2a: {  	p0 =	seq.s32 s5, $0x0;
	s5 =	sld [smem:$0x3FA3]  }
0x2b: {  	s6 =	sld [smem:$0x3FA4]  }
0x2c: {  	s7 =	sld [smem:$0x3FA5]  }
0x2d: {  	s3 =	simm.s32 $0x108;
	s8 =	sld [smem:$0x3FA6]  }
0x2e: {  	s3 =	simm.s32 @!p0 $0x1082;
	s9 =	sld [smem:$0x3FA7]  }
0x2f: {  	lr =	sadd.s32 s0, s3;
	s0 =	sld [smem:$0x3F9E]  }
0x30: {  	s3 =	sld [smem:$0x3FA1]  }
0x31: {  	[smem:$0x3FAA] =	sst s10  }
0x32: {  	s10 =	sld [smem:$0x3FA8];
	_ =	sdelay $0x3  }
0x33: {  	p0 =	seq.s32 s10, $0x1;
	s10 =	sld [smem:$0x3FAA];
	_ =	sdelay $0x3  }
0x34: {  	[smem:$0x3FAA] =	sst s10  }
0x35: {  	s10 =	sld [smem:$0x3FA9];
	_ =	sdelay $0x3  }
0x36: {  	p1 =	seq.s32 s10, $0x1;
	s10 =	sld [smem:$0x3FAA];
	_ =	sdelay $0x3  }
0x37: {  	[smem:$0x3FAA] =	sst s10  }
0x38: {  	s10 =	sld [smem:$0x3FAB]  }
0x39: {  	_ = 	snop;
	(pc) =	sbr.ind lr, $3  }
0x3a: {  	_ = 	snop  }
0x3b: {  	_ = 	snop  }
0x3c: {  	p2 =	seq.s32 s10, $0x1;
	s10 =	sld [smem:$0x3FAA]  }
0x3d: {  	_ =	shalt  }
0x3e: {  	_ =	shalt  }
0x3f: {  	_ =	shalt  }
0x40: {  	_ =	shalt  }
0x41: {  	_ =	shalt  }
0x42: {  	_ =	shalt  }
0x43: {  	_ =	shalt  }
0x44: {  	_ =	shalt  }
0x45: {  	_ =	shalt  }
0x46: {  	_ =	shalt  }
0x47: {  	_ =	shalt  }
0x48: {  	_ =	shalt  }
0x49: {  	_ =	shalt  }
0x4a: {  	_ =	shalt  }
0x4b: {  	_ =	shalt  }
0x4c: {  	_ =	shalt  }
0x4d: {  	_ =	shalt  }
0x4e: {  	_ =	shalt  }
0x4f: {  	_ =	shalt  }
0x50: {  	_ =	shalt  }
0x51: {  	_ =	shalt  }
0x52: {  	_ =	shalt  }
0x53: {  	_ =	shalt  }
0x54: {  	_ =	shalt  }
0x55: {  	_ =	shalt  }
0x56: {  	_ =	shalt  }
0x57: {  	_ =	shalt  }
0x58: {  	_ =	shalt  }
0x59: {  	_ =	shalt  }
0x5a: {  	_ =	shalt  }
0x5b: {  	_ =	shalt  }
0x5c: {  	_ =	shalt  }
0x5d: {  	_ =	shalt  }
0x5e: {  	_ =	shalt  }
0x5f: {  	_ =	shalt  }
0x60: {  	_ =	shalt  }
0x61: {  	_ =	shalt  }
0x62: {  	_ =	shalt  }
0x63: {  	_ =	shalt  }
0x64: {  	_ =	shalt  }
0x65: {  	_ =	shalt  }
0x66: {  	_ =	shalt  }
0x67: {  	_ =	shalt  }
0x68: {  	_ =	shalt  }
0x69: {  	_ =	shalt  }
0x6a: {  	_ =	shalt  }
0x6b: {  	_ =	shalt  }
0x6c: {  	_ =	shalt  }
0x6d: {  	_ =	shalt  }
0x6e: {  	_ =	shalt  }
0x6f: {  	_ =	shalt  }
0x70: {  	_ =	shalt  }
0x71: {  	_ =	shalt  }
0x72: {  	_ =	shalt  }
0x73: {  	_ =	shalt  }
0x74: {  	_ =	shalt  }
0x75: {  	_ =	shalt  }
0x76: {  	_ =	shalt  }
0x77: {  	_ =	shalt  }
0x78: {  	_ =	shalt  }
0x79: {  	_ =	shalt  }
0x7a: {  	_ =	shalt  }
0x7b: {  	_ =	shalt  }
0x7c: {  	_ =	shalt  }
0x7d: {  	_ =	shalt  }
0x7e: {  	_ =	shalt  }
0x7f: {  	_ =	shalt  }
0x80: {  	_ =	shalt  }
0x81: {  	_ =	shalt  }
0x82: {  	_ =	shalt  }
0x83: {  	_ =	shalt  }
0x84: {  	_ =	shalt  }
0x85: {  	_ =	shalt  }
0x86: {  	_ =	shalt  }
0x87: {  	_ =	shalt  }
.Lfunc_end0:
.L_simem_size_0:
called_computation.6_lowered:
.L_overlay_start_0:
0x88: {  	s2 =	sld [smem:$0x3FD9]  }
0x89: {  	s3 =	sld [smem:$0x3FFE];
	_ =	sdelay $0x1  }
0x8a: {  	s1 =	srdreg.scid  }
0x8b: {  	s0 =	sand.u32 $0x1, s1  }
0x8c: {  	s14 =	sshll.u32 s0, $0xA;
	s2 =	sadd.s32 s3, s2  }
0x8d: {  	s2 =	sadd.s32 s2, s14  }
0x8e: {  	[smem:$0x3FB6] =	sst s2  }
0x8f: {  	_ = 	snop  }
0x90: {  	s2 =	sld [smem:$0x3FD0];
	_ =	sdelay $0x2  }
0x91: {  	s15 =	simm.s32 $0xC;
	s4 =	simm.s32 $0x10  }
0x92: {  	[smem:s4], [sflag:s15] =	dma.local [hbm:s2], $0x1  }
0x93: {  	_ =	swait.eq [sflag:s15], $0x1  }
0x94: {  	[sflag:s15] =	ssyncset.done $0x0  }
0x95: {  	[sflag:s15] =	ssyncadd.s32 $0xFFFFFFFF  }
0x96: {  	s16 =	sld [smem:$0x10];
	(tm) =	ssettm $0x1  }
0x97: {  	s17 =	sld [smem:$0x3FFB];
	_ =	sdelay $0x3  }
0x98: {  	_ =	strace s17  }
0x99: {  	s3 =	sld [smem:$0x3FFC];
	_ =	sdelay $0x3  }
0x9a: {  	_ =	strace s3  }
0x9b: {  	s3 =	sld [smem:$0x3FFD];
	_ =	sdelay $0x3  }
0x9c: {  	_ =	strace s3  }
0x9d: {  	_ =	strace $0x8FFFFFFF  }
0x9e: {  	s18 =	sld [smem:$0x3FDB];
	_ =	sdelay $0x1  }
0x9f: {  	s19 =	simm.s32 $_scs_section_size  }
0xa0: {  	s5 =	simm.s32 $_size__tile_overlayer_lowered;
	s6 =	simm.s32 $_tile_overlayer_lowered  }
0xa1: {  	s22 =	simm.s32 $0x1BFF;
	s21 =	sshll.u32 s6, $0x1;
	s3 =	sadd.s32 s19, s18  }
0xa2: {  	s7 =	simm.s32 $0x0;
	s20 =	sshll.u32 s5, $0x1;
	s5 =	sadd.s32 s21, s3  }
0xa3: {  	[timem:s7], [sflag:s22] =	dma.local [hbm:s5], s20  }
0xa4: {  	_ =	swait.ge [sflag:s22], s20  }
0xa5: {  	s4 =	ssub.s32 $0x0, s20;
	[sflag:s22] =	ssyncset.done $0x0  }
0xa6: {  	[sflag:s22] =	ssyncadd.s32 s4;
	_ =	sdelay $0x1  }
0xa7: {  	s23 =	simm.s32 $0x1B8B  }
0xa8: {  	_ =	swait.ge [sflag:s23], $0x1  }
0xa9: {  	[sflag:s23] =	ssyncset.done $0x0  }
0xaa: {  	s25 =	simm.s32 $0x1B8E;
	s24 =	sld [smem:$0x3FFE];
	[sflag:s23] =	ssyncadd.s32 $0xFFFFFFFF  }
0xab: {  	s26 =	simm.s32 $execute0_lowered;
	[smem:$0x3FD2] =	sst s25  }
0xac: {  	s5 =	sshll.u32 s26, $0x1;
	_ =	strace $0x80000058;
	[dreg:$0x1] =	wrdreg $0xFFFFFFFF  }
0xad: {  	s28 =	simm.s32 $_size_execute0_lowered;
	s3 =	sadd.s32 s3, s5;
	[dreg:$0x0] =	wrdreg $0x0  }
0xae: {  	s5 =	sshll.u32 s28, $0x1;
	[dreg:$0x2] =	wrdreg s3  }
0xaf: {  	[dreg:$0x3] =	wrdreg s5  }
0xb0: {  	[dreg:$0x4] =	wrdreg $0xC0  }
0xb1: {  	_ =	task [dreg:s7], $0x5FFFF  }
0xb2: {  	[dreg:$0x1] =	wrdreg $0xFFFFFFFF  }
0xb3: {  	[dreg:$0x0] =	wrdreg $0x60  }
0xb4: {  	[dreg:$0x2] =	wrdreg s16  }
0xb5: {  	[dreg:$0x3] =	wrdreg s24  }
0xb6: {  	[dreg:$0x4] =	wrdreg $0x90000  }
0xb7: {  	[dreg:$0x5] =	wrdreg $0x9  }
0xb8: {  	_ =	task.clear_ibuf [dreg:s7], $0x6FFFF;
	_ =	strace $0x90000058  }
0xb9: {  	s29 =	simm.s32 $0x9;
	_ =	strace $0x8000005A  }
0xba: {  	_ =	swait.ge [sflag:s29], $0x1  }
0xbb: {  	[sflag:s29] =	ssyncadd.s32 $0xFFFFFFFF  }
0xbc: {  	_ =	strace $0x9000005A  }
0xbd: {  	_ =	sfence  }
0xbe: {  	s30 =	sld [smem:$0x0];
	_ =	sdelay $0x2  }
0xbf: {  	s31 =	sshll.u32 s1, $0xD;
	s1 =	sshrl.u32 s1, $0x2  }
0xc0: {  	s3 =	sand.u32 $0x4000, s31;
	s1 =	sadd.s32 s1, s30  }
0xc1: {  	s0 =	sor.u32 s3, s0;
	s1 =	sshll.u32 s1, $0x11  }
0xc2: {  	s0 =	sor.u32 s1, s0  }
0xc3: {  	s0 =	sadd.s32 $0x8F2B, s0  }
0xc4: {  	[sflag:s0] =	ssyncadd.remote.s32 $0x1  }
0xc5: {  	_ =	sfence.sel $0xFFFF  }
0xc6: {  	[dreg:$0x0] =	wrdreg $0xFFFFFFFF;
	(pc) =	sbr.abs _section_cstart, $3  }
0xc7: {  	[dreg:$0x1] =	wrdreg $0xFFFFFFFF  }
0xc8: {  	_ =	task.clear_ibuf [dreg:s7], $0x2FFFF;
	_ =	strace $0x9FFFFFFF  }
0xc9: {  	(tm) =	ssettm $0x7FFFFFFF  }
tec
execute0_lowered:
.L_overlay_start_1:
0x0: {  	(tag) =	ssettag $0x1  }
0x1: {  	s1 =	rddreg [dreg:$0x0]  }
0x2: {  	s5 =	rddreg [dreg:$0x1]  }
0x3: {  	s0 =	srdreg.scid;
	s3 =	rddreg [dreg:$0x2]  }
0x4: {  	s2 =	rddreg [dreg:$0x3];
	s6 =	sand.u32 $0x1, s0  }
0x5: {  	s4 =	simm.s32 $0x0;
	s0 =	stileid.u32;
	s7 =	smul.u32 $0x28000, s6  }
0x6: {  	s14 =	simm.s32 $0x80;
	s15 =	simm.s32 $0x5000;
	s8 =	smul.u32 $0x2800, s0  }
0x7: {  	s16 =	simm.s32 $0x1;
	[smem:$0x7FF] =	sst s4;
	s30 =	smul.u32 $0x5000, s0  }
0x8: {  	s17 =	simm.s32 $0x0;
	s9 =	smul.u32 $0x50000, s6;
	_ =	strace $0x80000059  }
0x9: {  	s6 =	ssub.s32 $0x2, s6;
	s31 =	smul.u32 $0x14000, s0;
	s12 =	sshll.u32 s0, $0x6  }
0xa: {  	s11 =	sshrl.u32 s6, $0x1;
	s12 =	sor.u32 $0x1C02, s12;
	s7 =	sadd.s32 s8, s7  }
0xb: {  	s10 =	sshrl.u32 s30, $0x3;
	s8 =	sadd.s32 s30, s9;
	s11 =	ssub.s32 s6, s11  }
0xc: {  	s9 =	sshrl.u32 s31, $0x2;
	s7 =	sshrl.u32 s7, $0x3;
	s10 =	sadd.s32 s10, s5  }
0xd: {  	s8 =	sshrl.u32 s8, $0x3;
	s13 =	sadd.s32 s9, s3;
	s9 =	smax.u32 s11, $0x1  }
0xe: {  	s11 =	simm.s32 $0x2800;
	s7 =	sadd.s32 s7, s5;
	s8 =	sadd.s32 s8, s5  }
0xf: {  	s13 =	sshrl.u32 s13, $0x3;
	s5 =	sadd.s32 $0x7400, s7;
	s6 =	sadd.s32 $0x11400, s7  }
0x10: {  	s7 =	sadd.s32 $0x1B400, s10;
	s8 =	sadd.s32 $0x25400, s8;
	s10 =	simm.s32 $0x2  }
.LBB2_1:
0x11: {  	[tilespmem:s4], [sflag:$0x2] =	stream.linear.gather [hbm4b:s5+s4], $0x2780, $0x38;
	[tilespmem:$0xE000] =	vst v63  }
0x12: {  	_ =	swait.ge [sflag:s10], $0x2780  }
0x13: {  	[sflag:s10] =	ssyncset.done $0x0  }
0x14: {  	[sflag:s10] =	ssyncadd.s32 $0xFFFFD880  }
0x15: {  	[tilespmem:s11], [sflag:$0x2] =	stream.linear.gather [hbm4b:s6+s4], $0x2780, $0x38;
	[tilespmem:$0xE000] =	vst v63  }
0x16: {  	_ =	swait.ge [sflag:s10], $0x2780  }
0x17: {  	[sflag:s10] =	ssyncset.done $0x0  }
0x18: {  	[sflag:s10] =	ssyncadd.s32 $0xFFFFD880  }
0x19: {  	[spmem:s13], [sflag:s12] =	dma.local [hbm:s7], $0xA00  }
0x1a: {  	_ =	swait.ge [sflag:s10], $0xA00  }
0x1b: {  	[sflag:s10] =	ssyncset.done $0x0  }
0x1c: {  	[sflag:s10] =	ssyncadd.s32 $0xFFFFF600  }
0x1d: {  	s18 =	simm.s32 $0x0;
	[bflag:$0x0] =	sbarrier.arrive $0xFFFF  }
0x1e: {  	[tilespmem:s15], [sflag:$0x1] =	stream.indirect.gather [hbm4b:s1+s14], $0x80, s18, s14, $0xb8;
	[tilespmem:$0xE000] =	vst v63  }
0x1f: {  	_ =	swait.ge [sflag:s16], $0x4000  }
0x20: {  	[sflag:s16] =	ssyncset.done $0x0  }
0x21: {  	s31 =	simm.s32 $0x2800;
	[sflag:s16] =	ssyncadd.s32 $0xFFFFC000  }
0x22: {  	[spmem:s3] =	stream.indirect.scatter.add.f32 [tilespmem:s15], [sflag:$0x2], $0x80, s31, s14, $0xb8;
	[tilespmem:$0xE000] =	vst v63  }
0x23: {  	_ =	swait.ge [sflag:s10], $0x4000  }
0x24: {  	s19 =	simm.s32 $0x400;
	s18 =	simm.s32 $0x200;
	[sflag:s10] =	ssyncset.done $0x0  }
.LBB2_2:
0x25: {  	s20 =	sshra.s32 s18, $0x2  }
0x26: {  	[sflag:s10] =	ssyncadd.s32 $0xFFFFC000;
	s18 =	smov.u32 s19;
	s21 =	sadd.s32 $0x200, s19  }
0x27: {  	[tilespmem:s15], [sflag:$0x1] =	stream.indirect.gather [hbm4b:s1+s14], $0x80, s20, s14, $0xb8;
	[tilespmem:$0xE000] =	vst v63  }
0x28: {  	p0 =	sne.s32 s19, $0x9C00;
	_ =	swait.ge [sflag:s16], $0x4000  }
.Ltmp0:
0x29: {  	[sflag:s16] =	ssyncset.done $0x0;
	(pc) =	sbr.rel @p0 .LBB2_2-.Ltmp0, $4  }
0x2a: {  	s19 =	sadd.s32 $0x2800, s20;
	[sflag:s16] =	ssyncadd.s32 $0xFFFFC000  }
0x2b: {  	[spmem:s3] =	stream.indirect.scatter.add.f32 [tilespmem:s15], [sflag:$0x2], $0x80, s19, s14, $0xb8;
	[tilespmem:$0xE000] =	vst v63  }
0x2c: {  	_ =	swait.ge [sflag:s10], $0x4000  }
0x2d: {  	s19 =	smov.u32 s21;
	[sflag:s10] =	ssyncset.done $0x0  }
0x2e: {  	s18 =	sshra.s32 s18, $0x2;
	[sflag:s10] =	ssyncadd.s32 $0xFFFFC000  }
0x2f: {  	[tilespmem:s15], [sflag:$0x1] =	stream.indirect.gather [hbm4b:s1+s14], $0x80, s18, s14, $0xb8;
	[tilespmem:$0xE000] =	vst v63  }
0x30: {  	_ =	swait.ge [sflag:s16], $0x4000  }
0x31: {  	[sflag:s16] =	ssyncset.done $0x0  }
0x32: {  	s18 =	sadd.s32 $0x2800, s18;
	[sflag:s16] =	ssyncadd.s32 $0xFFFFC000  }
0x33: {  	[spmem:s3] =	stream.indirect.scatter.add.f32 [tilespmem:s15], [sflag:$0x2], $0x80, s18, s14, $0xb8;
	[tilespmem:$0xE000] =	vst v63  }
0x34: {  	_ =	swait.ge [sflag:s10], $0x4000  }
0x35: {  	s17 =	sadd.s32 $0x1, s17;
	[sflag:s10] =	ssyncset.done $0x0  }
0x36: {  	p0 =	sne.s32 s17, s9;
	[sflag:s10] =	ssyncadd.s32 $0xFFFFC000  }
.Ltmp1:
0x37: {  	[bflag:$0x0] =	sbarrier.arrive $0xFFFF;
	(pc) =	sbr.rel @p0 .LBB2_1-.Ltmp1, $4  }
0x38: {  	[hbm:s8], [sflag:s12] =	dma.local [spmem:s13], $0xA00  }
0x39: {  	_ =	swait.ge [sflag:s10], $0xA00  }
0x3a: {  	[sflag:s10] =	ssyncset.done $0x0  }
0x3b: {  	[sflag:s10] =	ssyncadd.s32 $0xFFFFF600  }
0x3c: {  	_ =	sfence.sel $0x180000  }
0x3d: {  	[bflag:$0x0] =	sbarrier.arrive $0xFFFF  }
0x3e: {  	p0 =	sne.s32 s0, $0x0;
	_ =	strace $0x90000059  }
0x3f: {  	s0 =	sadd.s32 @!p0 $0x100000, s2;
	[bflag:$0x2] =	sbarrier.arrive $0xFFFF  }
0x40: {  	[sflag:s0] =	ssyncadd.tile.s32 @!p0 $0x1;
	_ =	shalt  }
.Lfunc_end2:
_tile_overlayer_lowered:
.L_overlay_start_2:
0x41: {  	(tag) =	ssettag $0x2  }
0x42: {  	s0 =	rddreg [dreg:$0x0];
	s2 =	stileid.u32  }
0x43: {  	s1 =	rddreg [dreg:$0x1];
	p0 =	sne.s32 s2, $0x0  }
0x44: {  	s3 =	rddreg [dreg:$0x2];
	[bflag:$0x3] =	sbarrier.arrive $0xFFFF;
	s2 =	simm.s32 @!p0 $0x1C02  }
0x45: {  	[timem:s3], [sflag:s2] =	dma.local @!p0 [hbm:s0], s1  }
0x46: {  	s0 =	simm.s32 @!p0 $0x2  }
0x47: {  	_ =	swait.ge @!p0 [sflag:s0], s1  }
0x48: {  	s1 =	ssub.s32 @!p0 $0x0, s1;
	[sflag:s0] =	ssyncset.done @!p0 $0x0  }
0x49: {  	[sflag:s0] =	ssyncadd.s32 @!p0 s1  }
0x4a: {  	[bflag:$0x3] =	sbarrier.arrive $0xFFFF  }
0x4b: {  	_ =	shalt  }

// kernel: kernel.39.cloned.1.call-start
scs
__scs_entry_jumppad:
0x0: {  	(pc) =	sbr.rel $0x88, $3  }
0x1: {  	(tag) =	ssettag $0x0;
	lr =	simm.s32 $0x1  }
0x2: {  	[smem:$0x3F8F] =	sst lr;
	_ =	strace $0xD0000000  }
0x3: {  	_ = 	snop  }
0x4: {  	_ = 	snop  }
0x5: {  	_ = 	snop  }
0x6: {  	_ = 	snop  }
0x7: {  	_ = 	snop  }
__scs_overlays_trampoline_lowered:
0x8: {  	[smem:$0x3F9E] =	sst s0  }
0x9: {  	[smem:$0x3F9F] =	sst s1  }
0xa: {  	[smem:$0x3FA0] =	sst s2  }
0xb: {  	[smem:$0x3FA1] =	sst s3  }
0xc: {  	[smem:$0x3FA2] =	sst s4  }
0xd: {  	[smem:$0x3FA3] =	sst s5  }
0xe: {  	[smem:$0x3FA4] =	sst s6  }
0xf: {  	[smem:$0x3FA5] =	sst s7  }
0x10: {  	[smem:$0x3FA6] =	sst s8  }
0x11: {  	[smem:$0x3FA7] =	sst s9;
	s0 =	simm.s32 @!p0 $0x0  }
0x12: {  	s1 =	sld [smem:$0x3F8D];
	s0 =	simm.s32 @p0 $0x1  }
0x13: {  	[smem:$0x3FA8] =	sst s0;
	s0 =	simm.s32 @!p1 $0x0  }
0x14: {  	s2 =	sld [smem:$0x3F8C];
	s0 =	simm.s32 @p1 $0x1  }
0x15: {  	[smem:$0x3FA9] =	sst s0;
	s0 =	simm.s32 @!p2 $0x0  }
0x16: {  	s3 =	sld [smem:$0x3FDB];
	s0 =	simm.s32 @p2 $0x1  }
0x17: {  	s4 =	simm.s32 $0x1BF5;
	[smem:$0x3FAB] =	sst s0  }
0x18: {  	s0 =	sld [smem:$0x3F8E];
	_ =	swait.ge [sflag:s4], $0x0  }
0x19: {  	s7 =	sld [smem:$0x3F8F]  }
0x1a: {  	s8 =	sadd.s32 $0xFFFFE003, lr  }
0x1b: {  	s9 =	sadd.s32 $0xFFFFFEF7, lr;
	s5 =	simm.s32 $0xFFFFFFFF;
	p2 =	slt.u32 s8, $0xFFFFF086  }
0x1c: {  	p1 =	slt.u32 s9, $0xF7A;
	s5 =	simm.s32 @!p2 $0x0  }
0x1d: {  	s5 =	simm.s32 @p1 $0x1;
	p0 =	seq.s32 s7, s2  }
0x1e: {  	s7 =	smul.u32 @!p0 $0xF7A, s2;
	p2 =	seq.s32 @!p0 s5, $0x0  }
0x1f: {  	s9 =	smul.u32 $0xF7A, s1;
	s8 =	simm.s32 @!p0 $0x1BF5;
	p2 =	por !p2, p0  }
0x20: {  	[sflag:s8] =	ssyncset.s32 @!p0 $0xFFFFF086;
	s6 =	sadd.s32 @!p0 s3, s7;
	s7 =	simm.s32 @!p0 $0x108  }
0x21: {  	s3 =	sadd.s32 s3, s9;
	s6 =	sadd.s32 @!p0 $0x88, s6;
	s7 =	simm.s32 @p2 $0x1082  }
0x22: {  	[simem:s7], [sflag:s8] =	dma.local @!p0 [hbm:s6], $0xF7A  }
0x23: {  	s9 =	sor.u32 $0xD0000000, s2;
	s6 =	simm.s32 $0x108;
	_ =	swait.ge @!p0 [sflag:s8], $0x0  }
0x24: {  	s3 =	sadd.s32 $0x88, s3;
	s6 =	simm.s32 @!p1 $0x1082;
	[sflag:s4] =	ssyncset.s32 $0xFFFFF086  }
0x25: {  	[simem:s6], [sflag:s4] =	dma.local [hbm:s3], $0xF7A  }
0x26: {  	[smem:$0x3F8F] =	sst s1;
	(tag) =	ssettag s2;
	_ =	strace s9  }
0x27: {  	s1 =	sld [smem:$0x3F9F]  }
0x28: {  	s2 =	sld [smem:$0x3FA0]  }
0x29: {  	s4 =	sld [smem:$0x3FA2]  }
0x2a: {  	p0 =	seq.s32 s5, $0x0;
	s5 =	sld [smem:$0x3FA3]  }
0x2b: {  	s6 =	sld [smem:$0x3FA4]  }
0x2c: {  	s7 =	sld [smem:$0x3FA5]  }
0x2d: {  	s3 =	simm.s32 $0x108;
	s8 =	sld [smem:$0x3FA6]  }
0x2e: {  	s3 =	simm.s32 @!p0 $0x1082;
	s9 =	sld [smem:$0x3FA7]  }
0x2f: {  	lr =	sadd.s32 s0, s3;
	s0 =	sld [smem:$0x3F9E]  }
0x30: {  	s3 =	sld [smem:$0x3FA1]  }
0x31: {  	[smem:$0x3FAA] =	sst s10  }
0x32: {  	s10 =	sld [smem:$0x3FA8];
	_ =	sdelay $0x3  }
0x33: {  	p0 =	seq.s32 s10, $0x1;
	s10 =	sld [smem:$0x3FAA];
	_ =	sdelay $0x3  }
0x34: {  	[smem:$0x3FAA] =	sst s10  }
0x35: {  	s10 =	sld [smem:$0x3FA9];
	_ =	sdelay $0x3  }
0x36: {  	p1 =	seq.s32 s10, $0x1;
	s10 =	sld [smem:$0x3FAA];
	_ =	sdelay $0x3  }
0x37: {  	[smem:$0x3FAA] =	sst s10  }
0x38: {  	s10 =	sld [smem:$0x3FAB]  }
0x39: {  	_ = 	snop;
	(pc) =	sbr.ind lr, $3  }
0x3a: {  	_ = 	snop  }
0x3b: {  	_ = 	snop  }
0x3c: {  	p2 =	seq.s32 s10, $0x1;
	s10 =	sld [smem:$0x3FAA]  }
0x3d: {  	_ =	shalt  }
0x3e: {  	_ =	shalt  }
0x3f: {  	_ =	shalt  }
0x40: {  	_ =	shalt  }
0x41: {  	_ =	shalt  }
0x42: {  	_ =	shalt  }
0x43: {  	_ =	shalt  }
0x44: {  	_ =	shalt  }
0x45: {  	_ =	shalt  }
0x46: {  	_ =	shalt  }
0x47: {  	_ =	shalt  }
0x48: {  	_ =	shalt  }
0x49: {  	_ =	shalt  }
0x4a: {  	_ =	shalt  }
0x4b: {  	_ =	shalt  }
0x4c: {  	_ =	shalt  }
0x4d: {  	_ =	shalt  }
0x4e: {  	_ =	shalt  }
0x4f: {  	_ =	shalt  }
0x50: {  	_ =	shalt  }
0x51: {  	_ =	shalt  }
0x52: {  	_ =	shalt  }
0x53: {  	_ =	shalt  }
0x54: {  	_ =	shalt  }
0x55: {  	_ =	shalt  }
0x56: {  	_ =	shalt  }
0x57: {  	_ =	shalt  }
0x58: {  	_ =	shalt  }
0x59: {  	_ =	shalt  }
0x5a: {  	_ =	shalt  }
0x5b: {  	_ =	shalt  }
0x5c: {  	_ =	shalt  }
0x5d: {  	_ =	shalt  }
0x5e: {  	_ =	shalt  }
0x5f: {  	_ =	shalt  }
0x60: {  	_ =	shalt  }
0x61: {  	_ =	shalt  }
0x62: {  	_ =	shalt  }
0x63: {  	_ =	shalt  }
0x64: {  	_ =	shalt  }
0x65: {  	_ =	shalt  }
0x66: {  	_ =	shalt  }
0x67: {  	_ =	shalt  }
0x68: {  	_ =	shalt  }
0x69: {  	_ =	shalt  }
0x6a: {  	_ =	shalt  }
0x6b: {  	_ =	shalt  }
0x6c: {  	_ =	shalt  }
0x6d: {  	_ =	shalt  }
0x6e: {  	_ =	shalt  }
0x6f: {  	_ =	shalt  }
0x70: {  	_ =	shalt  }
0x71: {  	_ =	shalt  }
0x72: {  	_ =	shalt  }
0x73: {  	_ =	shalt  }
0x74: {  	_ =	shalt  }
0x75: {  	_ =	shalt  }
0x76: {  	_ =	shalt  }
0x77: {  	_ =	shalt  }
0x78: {  	_ =	shalt  }
0x79: {  	_ =	shalt  }
0x7a: {  	_ =	shalt  }
0x7b: {  	_ =	shalt  }
0x7c: {  	_ =	shalt  }
0x7d: {  	_ =	shalt  }
0x7e: {  	_ =	shalt  }
0x7f: {  	_ =	shalt  }
0x80: {  	_ =	shalt  }
0x81: {  	_ =	shalt  }
0x82: {  	_ =	shalt  }
0x83: {  	_ =	shalt  }
0x84: {  	_ =	shalt  }
0x85: {  	_ =	shalt  }
0x86: {  	_ =	shalt  }
0x87: {  	_ =	shalt  }
.Lfunc_end0:
.L_simem_size_0:
called_computation.7_lowered:
.L_overlay_start_0:
0x88: {  	s2 =	sld [smem:$0x3FD9]  }
0x89: {  	s3 =	sld [smem:$0x3FFE];
	_ =	sdelay $0x1  }
0x8a: {  	s1 =	srdreg.scid  }
0x8b: {  	s0 =	sand.u32 $0x1, s1  }
0x8c: {  	s14 =	sshll.u32 s0, $0xA;
	s2 =	sadd.s32 s3, s2  }
0x8d: {  	s2 =	sadd.s32 s2, s14  }
0x8e: {  	[smem:$0x3FB6] =	sst s2  }
0x8f: {  	_ = 	snop  }
0x90: {  	s2 =	sld [smem:$0x3FD0];
	_ =	sdelay $0x2  }
0x91: {  	s15 =	simm.s32 $0xC;
	s4 =	simm.s32 $0x10  }
0x92: {  	[smem:s4], [sflag:s15] =	dma.local [hbm:s2], $0x1  }
0x93: {  	_ =	swait.eq [sflag:s15], $0x1  }
0x94: {  	[sflag:s15] =	ssyncset.done $0x0  }
0x95: {  	[sflag:s15] =	ssyncadd.s32 $0xFFFFFFFF  }
0x96: {  	s16 =	sld [smem:$0x10];
	(tm) =	ssettm $0x1  }
0x97: {  	s17 =	sld [smem:$0x3FFB];
	_ =	sdelay $0x3  }
0x98: {  	_ =	strace s17  }
0x99: {  	s3 =	sld [smem:$0x3FFC];
	_ =	sdelay $0x3  }
0x9a: {  	_ =	strace s3  }
0x9b: {  	s3 =	sld [smem:$0x3FFD];
	_ =	sdelay $0x3  }
0x9c: {  	_ =	strace s3  }
0x9d: {  	_ =	strace $0x8FFFFFFF  }
0x9e: {  	s18 =	sld [smem:$0x3FDB];
	_ =	sdelay $0x1  }
0x9f: {  	s19 =	simm.s32 $_scs_section_size  }
0xa0: {  	s5 =	simm.s32 $_size__tile_overlayer_lowered;
	s6 =	simm.s32 $_tile_overlayer_lowered  }
0xa1: {  	s22 =	simm.s32 $0x1BFF;
	s21 =	sshll.u32 s6, $0x1;
	s3 =	sadd.s32 s19, s18  }
0xa2: {  	s7 =	simm.s32 $0x0;
	s20 =	sshll.u32 s5, $0x1;
	s5 =	sadd.s32 s21, s3  }
0xa3: {  	[timem:s7], [sflag:s22] =	dma.local [hbm:s5], s20  }
0xa4: {  	_ =	swait.ge [sflag:s22], s20  }
0xa5: {  	s4 =	ssub.s32 $0x0, s20;
	[sflag:s22] =	ssyncset.done $0x0  }
0xa6: {  	[sflag:s22] =	ssyncadd.s32 s4;
	_ =	sdelay $0x1  }
0xa7: {  	s23 =	simm.s32 $0x1B8B  }
0xa8: {  	_ =	swait.ge [sflag:s23], $0x1  }
0xa9: {  	[sflag:s23] =	ssyncset.done $0x0  }
0xaa: {  	s25 =	simm.s32 $0x1B8E;
	s24 =	sld [smem:$0x3FFE];
	[sflag:s23] =	ssyncadd.s32 $0xFFFFFFFF  }
0xab: {  	s26 =	simm.s32 $execute0_lowered;
	[smem:$0x3FD2] =	sst s25  }
0xac: {  	s5 =	sshll.u32 s26, $0x1;
	_ =	strace $0x8000005B;
	[dreg:$0x1] =	wrdreg $0xFFFFFFFF  }
0xad: {  	s28 =	simm.s32 $_size_execute0_lowered;
	s3 =	sadd.s32 s3, s5;
	[dreg:$0x0] =	wrdreg $0x0  }
0xae: {  	s5 =	sshll.u32 s28, $0x1;
	[dreg:$0x2] =	wrdreg s3  }
0xaf: {  	[dreg:$0x3] =	wrdreg s5  }
0xb0: {  	[dreg:$0x4] =	wrdreg $0xC0  }
0xb1: {  	_ =	task [dreg:s7], $0x5FFFF  }
0xb2: {  	[dreg:$0x1] =	wrdreg $0xFFFFFFFF  }
0xb3: {  	[dreg:$0x0] =	wrdreg $0x60  }
0xb4: {  	[dreg:$0x2] =	wrdreg s16  }
0xb5: {  	[dreg:$0x3] =	wrdreg s24  }
0xb6: {  	[dreg:$0x4] =	wrdreg $0x90000  }
0xb7: {  	[dreg:$0x5] =	wrdreg $0x9  }
0xb8: {  	_ =	task.clear_ibuf [dreg:s7], $0x6FFFF;
	_ =	strace $0x9000005B  }
0xb9: {  	s29 =	simm.s32 $0x9;
	_ =	strace $0x8000005D  }
0xba: {  	_ =	swait.ge [sflag:s29], $0x1  }
0xbb: {  	[sflag:s29] =	ssyncadd.s32 $0xFFFFFFFF  }
0xbc: {  	_ =	strace $0x9000005D  }
0xbd: {  	_ =	sfence  }
0xbe: {  	s30 =	sld [smem:$0x0];
	_ =	sdelay $0x2  }
0xbf: {  	s31 =	sshll.u32 s1, $0xD;
	s1 =	sshrl.u32 s1, $0x2  }
0xc0: {  	s3 =	sand.u32 $0x4000, s31;
	s1 =	sadd.s32 s1, s30  }
0xc1: {  	s0 =	sor.u32 s3, s0;
	s1 =	sshll.u32 s1, $0x11  }
0xc2: {  	s0 =	sor.u32 s1, s0  }
0xc3: {  	s0 =	sadd.s32 $0x8F2B, s0  }
0xc4: {  	[sflag:s0] =	ssyncadd.remote.s32 $0x1  }
0xc5: {  	_ =	sfence.sel $0xFFFF  }
0xc6: {  	[dreg:$0x0] =	wrdreg $0xFFFFFFFF;
	(pc) =	sbr.abs _section_cstart, $3  }
0xc7: {  	[dreg:$0x1] =	wrdreg $0xFFFFFFFF  }
0xc8: {  	_ =	task.clear_ibuf [dreg:s7], $0x2FFFF;
	_ =	strace $0x9FFFFFFF  }
0xc9: {  	(tm) =	ssettm $0x7FFFFFFF  }
tec
execute0_lowered:
.L_overlay_start_1:
0x0: {  	(tag) =	ssettag $0x1  }
0x1: {  	s1 =	rddreg [dreg:$0x0]  }
0x2: {  	s5 =	rddreg [dreg:$0x1]  }
0x3: {  	s0 =	srdreg.scid;
	s3 =	rddreg [dreg:$0x2]  }
0x4: {  	s2 =	rddreg [dreg:$0x3];
	s6 =	sand.u32 $0x1, s0  }
0x5: {  	s4 =	simm.s32 $0x0;
	s0 =	stileid.u32;
	s7 =	smul.u32 $0x28000, s6  }
0x6: {  	s14 =	simm.s32 $0x80;
	s15 =	simm.s32 $0x5000;
	s8 =	smul.u32 $0x2800, s0  }
0x7: {  	s16 =	simm.s32 $0x1;
	[smem:$0x7FF] =	sst s4;
	s30 =	smul.u32 $0x13C00, s0  }
0x8: {  	s17 =	simm.s32 $0x0;
	s9 =	smul.u32 $0x13C000, s6;
	_ =	strace $0x8000005C  }
0x9: {  	s6 =	ssub.s32 $0x2, s6;
	s31 =	smul.u32 $0x4F000, s0;
	s12 =	sshll.u32 s0, $0x6  }
0xa: {  	s11 =	sshrl.u32 s6, $0x1;
	s12 =	sor.u32 $0x1C02, s12;
	s7 =	sadd.s32 s8, s7  }
0xb: {  	s10 =	sshrl.u32 s30, $0x3;
	s8 =	sadd.s32 s30, s9;
	s11 =	ssub.s32 s6, s11  }
0xc: {  	s9 =	sshrl.u32 s31, $0x2;
	s7 =	sshrl.u32 s7, $0x3;
	s10 =	sadd.s32 s10, s5  }
0xd: {  	s8 =	sshrl.u32 s8, $0x3;
	s13 =	sadd.s32 s9, s3;
	s9 =	smax.u32 s11, $0x1  }
0xe: {  	s11 =	simm.s32 $0x2800;
	s7 =	sadd.s32 s7, s5;
	s8 =	sadd.s32 s8, s5  }
0xf: {  	s13 =	sshrl.u32 s13, $0x3;
	s5 =	sadd.s32 $0x7E600, s7;
	s6 =	sadd.s32 $0x74600, s7  }
0x10: {  	s7 =	sadd.s32 $0x88600, s10;
	s8 =	sadd.s32 $0x7400, s8;
	s10 =	simm.s32 $0x2  }
.LBB2_1:
0x11: {  	[tilespmem:s4], [sflag:$0x2] =	stream.linear.gather [hbm4b:s5+s4], $0x2780, $0x38;
	[tilespmem:$0x1CC00] =	vst v63  }
0x12: {  	_ =	swait.ge [sflag:s10], $0x2780  }
0x13: {  	[sflag:s10] =	ssyncset.done $0x0  }
0x14: {  	[sflag:s10] =	ssyncadd.s32 $0xFFFFD880  }
0x15: {  	[tilespmem:s11], [sflag:$0x2] =	stream.linear.gather [hbm4b:s6+s4], $0x2780, $0x38;
	[tilespmem:$0x1CC00] =	vst v63  }
0x16: {  	_ =	swait.ge [sflag:s10], $0x2780  }
0x17: {  	[sflag:s10] =	ssyncset.done $0x0  }
0x18: {  	[sflag:s10] =	ssyncadd.s32 $0xFFFFD880  }
0x19: {  	[spmem:s13], [sflag:s12] =	dma.local [hbm:s7], $0x2780  }
0x1a: {  	_ =	swait.ge [sflag:s10], $0x2780  }
0x1b: {  	[sflag:s10] =	ssyncset.done $0x0  }
0x1c: {  	[sflag:s10] =	ssyncadd.s32 $0xFFFFD880  }
0x1d: {  	s18 =	simm.s32 $0x0;
	[bflag:$0x0] =	sbarrier.arrive $0xFFFF  }
0x1e: {  	[tilespmem:s15], [sflag:$0x1] =	stream.indirect.gather [hbm4b:s1+s14], $0x80, s18, s14, $0xb8;
	[tilespmem:$0x1CC00] =	vst v63  }
0x1f: {  	_ =	swait.ge [sflag:s16], $0x4000  }
0x20: {  	[sflag:s16] =	ssyncset.done $0x0  }
0x21: {  	s31 =	simm.s32 $0x2800;
	[sflag:s16] =	ssyncadd.s32 $0xFFFFC000  }
0x22: {  	[spmem:s3] =	stream.indirect.scatter.add.f32 [tilespmem:s15], [sflag:$0x2], $0x80, s31, s14, $0xb8;
	[tilespmem:$0x1CC00] =	vst v63  }
0x23: {  	_ =	swait.ge [sflag:s10], $0x4000  }
0x24: {  	s19 =	simm.s32 $0x400;
	s18 =	simm.s32 $0x200;
	[sflag:s10] =	ssyncset.done $0x0  }
.LBB2_2:
0x25: {  	s20 =	sshra.s32 s18, $0x2  }
0x26: {  	[sflag:s10] =	ssyncadd.s32 $0xFFFFC000;
	s18 =	smov.u32 s19;
	s21 =	sadd.s32 $0x200, s19  }
0x27: {  	[tilespmem:s15], [sflag:$0x1] =	stream.indirect.gather [hbm4b:s1+s14], $0x80, s20, s14, $0xb8;
	[tilespmem:$0x1CC00] =	vst v63  }
0x28: {  	p0 =	sne.s32 s19, $0x9C00;
	_ =	swait.ge [sflag:s16], $0x4000  }
.Ltmp0:
0x29: {  	[sflag:s16] =	ssyncset.done $0x0;
	(pc) =	sbr.rel @p0 .LBB2_2-.Ltmp0, $4  }
0x2a: {  	s19 =	sadd.s32 $0x2800, s20;
	[sflag:s16] =	ssyncadd.s32 $0xFFFFC000  }
0x2b: {  	[spmem:s3] =	stream.indirect.scatter.add.f32 [tilespmem:s15], [sflag:$0x2], $0x80, s19, s14, $0xb8;
	[tilespmem:$0x1CC00] =	vst v63  }
0x2c: {  	_ =	swait.ge [sflag:s10], $0x4000  }
0x2d: {  	s19 =	smov.u32 s21;
	[sflag:s10] =	ssyncset.done $0x0  }
0x2e: {  	s18 =	sshra.s32 s18, $0x2;
	[sflag:s10] =	ssyncadd.s32 $0xFFFFC000  }
0x2f: {  	[tilespmem:s15], [sflag:$0x1] =	stream.indirect.gather [hbm4b:s1+s14], $0x80, s18, s14, $0xb8;
	[tilespmem:$0x1CC00] =	vst v63  }
0x30: {  	_ =	swait.ge [sflag:s16], $0x4000  }
0x31: {  	[sflag:s16] =	ssyncset.done $0x0  }
0x32: {  	s18 =	sadd.s32 $0x2800, s18;
	[sflag:s16] =	ssyncadd.s32 $0xFFFFC000  }
0x33: {  	[spmem:s3] =	stream.indirect.scatter.add.f32 [tilespmem:s15], [sflag:$0x2], $0x80, s18, s14, $0xb8;
	[tilespmem:$0x1CC00] =	vst v63  }
0x34: {  	_ =	swait.ge [sflag:s10], $0x4000  }
0x35: {  	s17 =	sadd.s32 $0x1, s17;
	[sflag:s10] =	ssyncset.done $0x0  }
0x36: {  	p0 =	sne.s32 s17, s9;
	[sflag:s10] =	ssyncadd.s32 $0xFFFFC000  }
.Ltmp1:
0x37: {  	[bflag:$0x0] =	sbarrier.arrive $0xFFFF;
	(pc) =	sbr.rel @p0 .LBB2_1-.Ltmp1, $4  }
0x38: {  	[hbm:s8], [sflag:s12] =	dma.local [spmem:s13], $0x2780  }
0x39: {  	_ =	swait.ge [sflag:s10], $0x2780  }
0x3a: {  	[sflag:s10] =	ssyncset.done $0x0  }
0x3b: {  	[sflag:s10] =	ssyncadd.s32 $0xFFFFD880  }
0x3c: {  	_ =	sfence.sel $0x180000  }
0x3d: {  	[bflag:$0x0] =	sbarrier.arrive $0xFFFF  }
0x3e: {  	p0 =	sne.s32 s0, $0x0;
	_ =	strace $0x9000005C  }
0x3f: {  	s0 =	sadd.s32 @!p0 $0x100000, s2;
	[bflag:$0x2] =	sbarrier.arrive $0xFFFF  }
0x40: {  	[sflag:s0] =	ssyncadd.tile.s32 @!p0 $0x1;
	_ =	shalt  }
.Lfunc_end2:
_tile_overlayer_lowered:
.L_overlay_start_2:
0x41: {  	(tag) =	ssettag $0x2  }
0x42: {  	s0 =	rddreg [dreg:$0x0];
	s2 =	stileid.u32  }
0x43: {  	s1 =	rddreg [dreg:$0x1];
	p0 =	sne.s32 s2, $0x0  }
0x44: {  	s3 =	rddreg [dreg:$0x2];
	[bflag:$0x3] =	sbarrier.arrive $0xFFFF;
	s2 =	simm.s32 @!p0 $0x1C02  }
0x45: {  	[timem:s3], [sflag:s2] =	dma.local @!p0 [hbm:s0], s1  }
0x46: {  	s0 =	simm.s32 @!p0 $0x2  }
0x47: {  	_ =	swait.ge @!p0 [sflag:s0], s1  }
0x48: {  	s1 =	ssub.s32 @!p0 $0x0, s1;
	[sflag:s0] =	ssyncset.done @!p0 $0x0  }
0x49: {  	[sflag:s0] =	ssyncadd.s32 @!p0 s1  }
0x4a: {  	[bflag:$0x3] =	sbarrier.arrive $0xFFFF  }
0x4b: {  	_ =	shalt  }

</sc_bundles>
